<compile_context>
chip_gen: v7x
topology: tpu7x:2x2x1
jax: 0.10.2.dev20260603
libtpu: 0.0.44.dev20260713+nightly
codegen_flags: <defaults>
</compile_context>

<pallas_src>
import functools

import jax
import jax.numpy as jnp
import numpy as np
from jax import lax
from jax.experimental import pallas as pl
from jax.experimental.pallas import tpu as pltpu
from jax.experimental.pallas import tpu_sc as plsc

RES = 256
FOV = 16.0
CMF_A = 0.5
SIGMA = 4.0
B, C, H, W = 32, 3, 512, 512
N = RES * RES
HW = H * W
CHW = C * HW

NUM_CORES = 2
NUM_SUBCORES = 16
NW = NUM_CORES * NUM_SUBCORES
PTS = N // NW
LANES = 16
VSTEPS = PTS // LANES
GLEN = C * PTS
HW16 = HW // NUM_SUBCORES
SKEW = 128
CSTRIDE = HW + SKEW
SBUF = C * CSTRIDE


def _grid_tables():
    r_max = FOV / 2.0
    rho_max = np.log((r_max + CMF_A) / CMF_A)
    lin = np.linspace(-rho_max, rho_max, RES, dtype=np.float32)
    u, v = np.meshgrid(lin, lin, indexing="ij")
    rho = np.sqrt(u ** 2 + v ** 2) + 1e-8
    r = CMF_A * (np.exp(rho) - 1.0)
    r = np.minimum(r, r_max)
    vx = u / rho * r
    vy = v / rho * r
    coords = np.stack([vx.ravel(), vy.ravel()], axis=-1).astype(np.float32) / r_max
    radius = r.ravel().astype(np.float32)
    ay = (coords[:, 0] * np.float32(H - 1)) / np.float32(2.0)
    ax = (coords[:, 1] * np.float32(W - 1)) / np.float32(2.0)
    decay = np.exp(-radius / np.float32(SIGMA)).astype(np.float32)
    return ay.astype(np.float32), ax.astype(np.float32), decay


_AY, _AX, _DECAY = _grid_tables()


def _sc_body(xflat, fixflat, ay_h, ax_h, dec_h, out,
             xs, ay_v, ax_v, dec_v, fix_v,
             i0, i1, g0, g1,
             gs0, gs1, os0, os1, ssa, ssb):
    sid = lax.axis_index("s")
    wid = sid * NUM_CORES + lax.axis_index("c")
    base = wid * PTS

    idxs = (i0, i1)
    gs = (g0, g1)
    gsems = (gs0, gs1)
    osems = (os0, os1)
    ssems = (ssa, ssb)

    pltpu.sync_copy(ay_h.at[pl.ds(base, PTS)], ay_v)
    pltpu.sync_copy(ax_h.at[pl.ds(base, PTS)], ax_v)
    pltpu.sync_copy(dec_h.at[pl.ds(base, PTS)], dec_v)
    pltpu.sync_copy(fixflat, fix_v)

    def fire_stage(b, ssem):
        for c in range(C):
            src = xflat.at[pl.ds(b * CHW + c * HW + sid * HW16, HW16)]
            dst = xs.at[pl.ds((b & 1) * SBUF + c * CSTRIDE + sid * HW16,
                              HW16)]
            pltpu.async_copy(src, dst, ssem)

    def wait_stage(ssem):
        pltpu.make_async_copy(xflat.at[pl.ds(0, C * HW16)],
                              xs.at[pl.ds(0, C * HW16)], ssem).wait()

    def compute_idx(b, idx_v):
        cy = fix_v[pl.ds((2 * b) * LANES, LANES)]
        cx = fix_v[pl.ds((2 * b + 1) * LANES, LANES)]
        qo = (b & 1) * SBUF

        def idx_body(i, _):
            s = i * LANES
            ayv = ay_v[pl.ds(s, LANES)]
            axv = ax_v[pl.ds(s, LANES)]
            uy = jnp.minimum(jnp.maximum(cy + ayv, jnp.float32(0.5)),
                             jnp.float32(H - 1) + jnp.float32(0.5))
            ux = jnp.minimum(jnp.maximum(cx + axv, jnp.float32(0.5)),
                             jnp.float32(W - 1) + jnp.float32(0.5))
            py = uy.astype(jnp.int32)
            px = ux.astype(jnp.int32)
            py = py - jnp.where(py.astype(jnp.float32) == uy, py & 1, 0)
            px = px - jnp.where(px.astype(jnp.float32) == ux, px & 1, 0)
            flat = py * W + px + qo
            idx_v[pl.ds(s, LANES)] = flat
            return 0

        lax.fori_loop(0, VSTEPS, idx_body, 0)

    def fire_gather(idx_v, g_v, gsem):
        for c in range(C):
            view = xs.at[pl.ds(c * CSTRIDE, 2 * SBUF - 2 * CSTRIDE)]
            pltpu.async_copy(view.at[idx_v], g_v.at[pl.ds(c * PTS, PTS)],
                             gsem)

    def wait_gather(g_v, gsem):
        pltpu.make_async_copy(xflat.at[pl.ds(0, GLEN)], g_v, gsem).wait()

    def decay_mul(g_v):
        def dec_body(i, _):
            s = i * LANES
            d = dec_v[pl.ds(s, LANES)]
            g_v[pl.ds(s, LANES)] = g_v[pl.ds(s, LANES)] * d
            g_v[pl.ds(s + PTS, LANES)] = g_v[pl.ds(s + PTS, LANES)] * d
            g_v[pl.ds(s + 2 * PTS, LANES)] = g_v[pl.ds(s + 2 * PTS, LANES)] * d
            return 0

        lax.fori_loop(0, VSTEPS, dec_body, 0)

    def fire_out(b, g_v, osem):
        obase = b * (C * N) + base
        pltpu.async_copy(g_v.at[pl.ds(0, PTS)], out.at[pl.ds(obase, PTS)], osem)
        pltpu.async_copy(g_v.at[pl.ds(PTS, PTS)],
                         out.at[pl.ds(obase + N, PTS)], osem)
        pltpu.async_copy(g_v.at[pl.ds(2 * PTS, PTS)],
                         out.at[pl.ds(obase + 2 * N, PTS)], osem)

    def wait_out(g_v, osem):
        pltpu.make_async_copy(g_v, out.at[pl.ds(0, GLEN)], osem).wait()

    def body(b, p, do_wait_w=True, do_next=True, do_stage=True, do_idx=True):
        if do_wait_w:
            wait_out(gs[1 - p], osems[1 - p])
        if do_next:
            wait_stage(ssems[1 - p])
            plsc.subcore_barrier()
            fire_gather(idxs[1 - p], gs[1 - p], gsems[1 - p])
        wait_gather(gs[p], gsems[p])
        plsc.subcore_barrier()
        if do_stage:
            fire_stage(b + 2, ssems[p])
        decay_mul(gs[p])
        fire_out(b, gs[p], osems[p])
        if do_idx:
            compute_idx(b + 2, idxs[p])

    fire_stage(0, ssems[0])
    fire_stage(1, ssems[1])
    compute_idx(0, idxs[0])
    compute_idx(1, idxs[1])
    wait_stage(ssems[0])
    plsc.subcore_barrier()
    fire_gather(idxs[0], gs[0], gsems[0])

    body(0, 0, do_wait_w=False)
    body(1, 1)

    def loop(k, _):
        b = 2 * k
        body(b, 0)
        body(b + 1, 1)
        return 0

    lax.fori_loop(1, 15, loop, 0)

    body(30, 0, do_stage=False, do_idx=False)
    body(31, 1, do_next=False, do_stage=False, do_idx=False)
    wait_out(gs[1], osems[1])


@jax.jit
def kernel(x, fix_loc):
    xflat = x.reshape(-1)
    scale = jnp.array([H - 1, W - 1], dtype=jnp.float32)
    fixflat = jnp.repeat((fix_loc * scale + jnp.float32(0.5)).reshape(-1),
                         LANES)
    ay = jnp.asarray(_AY)
    ax = jnp.asarray(_AX)
    dec = jnp.asarray(_DECAY)

    mesh = plsc.VectorSubcoreMesh(core_axis_name="c", subcore_axis_name="s")
    f = functools.partial(
        pl.kernel,
        out_type=jax.ShapeDtypeStruct((B * C * N,), jnp.float32),
        mesh=mesh,
        scratch_types=[
            pltpu.VMEM_SHARED((2 * SBUF,), jnp.float32),
            pltpu.VMEM((PTS,), jnp.float32),
            pltpu.VMEM((PTS,), jnp.float32),
            pltpu.VMEM((PTS,), jnp.float32),
            pltpu.VMEM((2 * B * LANES,), jnp.float32),
            pltpu.VMEM((PTS,), jnp.int32),
            pltpu.VMEM((PTS,), jnp.int32),
            pltpu.VMEM((GLEN,), jnp.float32),
            pltpu.VMEM((GLEN,), jnp.float32),
            pltpu.SemaphoreType.DMA,
            pltpu.SemaphoreType.DMA,
            pltpu.SemaphoreType.DMA,
            pltpu.SemaphoreType.DMA,
            pltpu.SemaphoreType.DMA,
            pltpu.SemaphoreType.DMA,
        ],
    )(_sc_body)
    return f(xflat, fixflat, ay, ax, dec).reshape(B, C, N)

# --- scband reference (transcript-rebuilt; emitter-appended) ---
"""Pipeline reference for scband-retinal-transform-90649579749837 (READ-ONLY COPY).

The authoritative reference and input builder live on the scoring server;
editing this copy changes nothing except your own understanding.
"""

import jax, jax.numpy as jnp
import numpy as np

RES = 256
FOV = 16.0
CMF_A = 0.5
SIGMA = 4.0
B, C, H, W = 32, 3, 512, 512


def _foveated_grid():
    # Isotropic cortical magnification CMF = 1/(r + a).
    # Cortical radius m(r) = log((r + a)/a); back-project uniform cortical grid.
    r_max = FOV / 2.0
    rho_max = np.log((r_max + CMF_A) / CMF_A)
    lin = np.linspace(-rho_max, rho_max, RES, dtype=np.float32)
    u, v = np.meshgrid(lin, lin, indexing='ij')
    rho = np.sqrt(u ** 2 + v ** 2) + 1e-8
    r = CMF_A * (np.exp(rho) - 1.0)
    r = np.minimum(r, r_max)
    vx = u / rho * r
    vy = v / rho * r
    coords = np.stack([vx.ravel(), vy.ravel()], axis=-1).astype(np.float32) / r_max  # in [-1, 1]
    radius = r.ravel().astype(np.float32)  # eccentricity in visual degrees
    return jnp.asarray(coords), jnp.asarray(radius)


def setup_inputs(seed: int = 0) -> dict:
    key = jax.random.key(seed)
    k1, k2 = jax.random.split(key)
    x = jax.random.normal(k1, (B, C, H, W), dtype=jnp.float32)
    fix_loc = jax.random.uniform(k2, (B, 2), dtype=jnp.float32)  # normalized fixation in [0,1]
    return {"x": x, "fix_loc": fix_loc}


def reference(x, fix_loc):
    coords, radius = _foveated_grid()  # (N,2), (N,) with N = RES*RES
    Bx, Cx, Hx, Wx = x.shape
    # GridSampler with mode='nearest': map foveated visual coords to pixel indices
    cy = fix_loc[:, 0] * (Hx - 1)  # (B,)
    cx = fix_loc[:, 1] * (Wx - 1)
    py = jnp.clip(jnp.round(cy[:, None] + coords[None, :, 0] * (Hx - 1) / 2.0), 0, Hx - 1).astype(jnp.int32)
    px = jnp.clip(jnp.round(cx[:, None] + coords[None, :, 1] * (Wx - 1) / 2.0), 0, Wx - 1).astype(jnp.int32)
    flat_idx = py * Wx + px  # (B, N)
    x_flat = x.reshape(Bx, Cx, Hx * Wx)
    # nearest-neighbor gather of retinal pointcloud samples
    sampled = jnp.take_along_axis(x_flat, flat_idx[:, None, :], axis=2)  # (B, C, N)
    # GaussianColorDecay: decay = exp(-radius / sigma), broadcast over batch/channels
    decay = jnp.exp(-radius / SIGMA)[None, None, :]
    return sampled * decay

if __name__ == "__main__":
    import jax
    _d = setup_inputs()
    print(jax.jit(kernel)(*tuple(_d.values())))

</pallas_src>

<mosaic_0001>
#map = affine_map<(d0, d1) -> (0)>
module attributes {stable_mosaic.version = 14 : i64} {
  func.func @_sc_body(%arg0: i32, %arg1: i32, %arg2: memref<25165824xf32, #tpu.memory_space<hbm>>, %arg3: memref<1024xf32, #tpu.memory_space<hbm>>, %arg4: memref<65536xf32, #tpu.memory_space<hbm>>, %arg5: memref<65536xf32, #tpu.memory_space<hbm>>, %arg6: memref<65536xf32, #tpu.memory_space<hbm>>, %arg7: memref<6291456xf32, #tpu.memory_space<hbm>>, %arg8: memref<1573632xf32, #tpu.memory_space<vmem_shared>>, %arg9: memref<2048xf32, #tpu.memory_space<vmem>>, %arg10: memref<2048xf32, #tpu.memory_space<vmem>>, %arg11: memref<2048xf32, #tpu.memory_space<vmem>>, %arg12: memref<1024xf32, #tpu.memory_space<vmem>>, %arg13: memref<2048xi32, #tpu.memory_space<vmem>>, %arg14: memref<2048xi32, #tpu.memory_space<vmem>>, %arg15: memref<6144xf32, #tpu.memory_space<vmem>>, %arg16: memref<6144xf32, #tpu.memory_space<vmem>>, %arg17: memref<!tpu.dma_semaphore, #tpu.memory_space<semaphore_mem>>, %arg18: memref<!tpu.dma_semaphore, #tpu.memory_space<semaphore_mem>>, %arg19: memref<!tpu.dma_semaphore, #tpu.memory_space<semaphore_mem>>, %arg20: memref<!tpu.dma_semaphore, #tpu.memory_space<semaphore_mem>>, %arg21: memref<!tpu.dma_semaphore, #tpu.memory_space<semaphore_mem>>, %arg22: memref<!tpu.dma_semaphore, #tpu.memory_space<semaphore_mem>>) attributes {dimension_semantics = [#tpu.dimension_semantics<core_parallel>, #tpu.dimension_semantics<subcore_parallel>], iteration_bounds = array<i64: 2, 16>, scalar_prefetch = 0 : i64, scratch_operands = 15 : i64, tpu.core_type = #tpu.core_type<sc_vector_subcore>, window_params = [{transform_indices = #map}, {transform_indices = #map}, {transform_indices = #map}, {transform_indices = #map}, {transform_indices = #map}, {transform_indices = #map}]} {
    %mul3A = arith.constant 2 : i32
    %mul3A_0 = arith.muli %arg1, %mul3A : i32
    %add3A = arith.addi %mul3A_0, %arg0 : i32
    %mul3A_1 = arith.constant 2048 : i32
    %mul3A_2 = arith.muli %add3A, %mul3A_1 : i32
    "tpu.region"() ({
      %run_scoped3A = tpu.sem_alloc : memref<!tpu.dma_semaphore, #tpu.memory_space<semaphore_mem>>
      %dma_start3A_429 = tpu.memref_slice %arg4[%mul3A_2] : memref<65536xf32, #tpu.memory_space<hbm>> -> memref<2048xf32, #tpu.memory_space<hbm>>
      %dma_start3A_430 = tpu.memref_slice %arg4[%mul3A_2] : memref<65536xf32, #tpu.memory_space<hbm>> -> memref<2048xf32, #tpu.memory_space<hbm>>
      tpu.enqueue_dma source(%dma_start3A_430 : memref<2048xf32, #tpu.memory_space<hbm>>) target(%arg9 : memref<2048xf32, #tpu.memory_space<vmem>>) target_semaphore(%run_scoped3A : memref<!tpu.dma_semaphore, #tpu.memory_space<semaphore_mem>>)
      %dma_wait3A_431 = tpu.memref_slice %arg4[%mul3A_2] : memref<65536xf32, #tpu.memory_space<hbm>> -> memref<2048xf32, #tpu.memory_space<hbm>>
      %dma_wait3A_432 = tpu.memref_slice %arg4[%mul3A_2] : memref<65536xf32, #tpu.memory_space<hbm>> -> memref<2048xf32, #tpu.memory_space<hbm>>
      tpu.wait_dma2 semaphore(%run_scoped3A : memref<!tpu.dma_semaphore, #tpu.memory_space<semaphore_mem>>) src(%dma_wait3A_432 : memref<2048xf32, #tpu.memory_space<hbm>>) dst(%arg9 : memref<2048xf32, #tpu.memory_space<vmem>>)
      tpu.yield
    }) : () -> ()
    "tpu.region"() ({
      %run_scoped3A = tpu.sem_alloc : memref<!tpu.dma_semaphore, #tpu.memory_space<semaphore_mem>>
      %dma_start3A_429 = tpu.memref_slice %arg5[%mul3A_2] : memref<65536xf32, #tpu.memory_space<hbm>> -> memref<2048xf32, #tpu.memory_space<hbm>>
      %dma_start3A_430 = tpu.memref_slice %arg5[%mul3A_2] : memref<65536xf32, #tpu.memory_space<hbm>> -> memref<2048xf32, #tpu.memory_space<hbm>>
      tpu.enqueue_dma source(%dma_start3A_430 : memref<2048xf32, #tpu.memory_space<hbm>>) target(%arg10 : memref<2048xf32, #tpu.memory_space<vmem>>) target_semaphore(%run_scoped3A : memref<!tpu.dma_semaphore, #tpu.memory_space<semaphore_mem>>)
      %dma_wait3A_431 = tpu.memref_slice %arg5[%mul3A_2] : memref<65536xf32, #tpu.memory_space<hbm>> -> memref<2048xf32, #tpu.memory_space<hbm>>
      %dma_wait3A_432 = tpu.memref_slice %arg5[%mul3A_2] : memref<65536xf32, #tpu.memory_space<hbm>> -> memref<2048xf32, #tpu.memory_space<hbm>>
      tpu.wait_dma2 semaphore(%run_scoped3A : memref<!tpu.dma_semaphore, #tpu.memory_space<semaphore_mem>>) src(%dma_wait3A_432 : memref<2048xf32, #tpu.memory_space<hbm>>) dst(%arg10 : memref<2048xf32, #tpu.memory_space<vmem>>)
      tpu.yield
    }) : () -> ()
    "tpu.region"() ({
      %run_scoped3A = tpu.sem_alloc : memref<!tpu.dma_semaphore, #tpu.memory_space<semaphore_mem>>
      %dma_start3A_429 = tpu.memref_slice %arg6[%mul3A_2] : memref<65536xf32, #tpu.memory_space<hbm>> -> memref<2048xf32, #tpu.memory_space<hbm>>
      %dma_start3A_430 = tpu.memref_slice %arg6[%mul3A_2] : memref<65536xf32, #tpu.memory_space<hbm>> -> memref<2048xf32, #tpu.memory_space<hbm>>
      tpu.enqueue_dma source(%dma_start3A_430 : memref<2048xf32, #tpu.memory_space<hbm>>) target(%arg11 : memref<2048xf32, #tpu.memory_space<vmem>>) target_semaphore(%run_scoped3A : memref<!tpu.dma_semaphore, #tpu.memory_space<semaphore_mem>>)
      %dma_wait3A_431 = tpu.memref_slice %arg6[%mul3A_2] : memref<65536xf32, #tpu.memory_space<hbm>> -> memref<2048xf32, #tpu.memory_space<hbm>>
      %dma_wait3A_432 = tpu.memref_slice %arg6[%mul3A_2] : memref<65536xf32, #tpu.memory_space<hbm>> -> memref<2048xf32, #tpu.memory_space<hbm>>
      tpu.wait_dma2 semaphore(%run_scoped3A : memref<!tpu.dma_semaphore, #tpu.memory_space<semaphore_mem>>) src(%dma_wait3A_432 : memref<2048xf32, #tpu.memory_space<hbm>>) dst(%arg11 : memref<2048xf32, #tpu.memory_space<vmem>>)
      tpu.yield
    }) : () -> ()
    "tpu.region"() ({
      %run_scoped3A = tpu.sem_alloc : memref<!tpu.dma_semaphore, #tpu.memory_space<semaphore_mem>>
      tpu.enqueue_dma source(%arg3 : memref<1024xf32, #tpu.memory_space<hbm>>) target(%arg12 : memref<1024xf32, #tpu.memory_space<vmem>>) target_semaphore(%run_scoped3A : memref<!tpu.dma_semaphore, #tpu.memory_space<semaphore_mem>>)
      tpu.wait_dma2 semaphore(%run_scoped3A : memref<!tpu.dma_semaphore, #tpu.memory_space<semaphore_mem>>) src(%arg3 : memref<1024xf32, #tpu.memory_space<hbm>>) dst(%arg12 : memref<1024xf32, #tpu.memory_space<vmem>>)
      tpu.yield
    }) : () -> ()
    %mul3A_3 = arith.constant 16384 : i32
    %mul3A_4 = arith.muli %arg1, %mul3A_3 : i32
    %add3A_5 = arith.constant 0 : i32
    %add3A_6 = arith.addi %add3A_5, %mul3A_4 : i32
    %mul3A_7 = arith.constant 16384 : i32
    %mul3A_8 = arith.muli %arg1, %mul3A_7 : i32
    %add3A_9 = arith.constant 0 : i32
    %add3A_10 = arith.addi %add3A_9, %mul3A_8 : i32
    %dma_start3A = tpu.memref_slice %arg8[%add3A_10] : memref<1573632xf32, #tpu.memory_space<vmem_shared>> -> memref<16384xf32, #tpu.memory_space<vmem_shared>>
    %dma_start3A_11 = tpu.memref_slice %arg2[%add3A_6] : memref<25165824xf32, #tpu.memory_space<hbm>> -> memref<16384xf32, #tpu.memory_space<hbm>>
    tpu.enqueue_dma source(%dma_start3A_11 : memref<16384xf32, #tpu.memory_space<hbm>>) target(%dma_start3A : memref<16384xf32, #tpu.memory_space<vmem_shared>>) target_semaphore(%arg21 : memref<!tpu.dma_semaphore, #tpu.memory_space<semaphore_mem>>)
    %mul3A_12 = arith.constant 16384 : i32
    %mul3A_13 = arith.muli %arg1, %mul3A_12 : i32
    %add3A_14 = arith.constant 262144 : i32
    %add3A_15 = arith.addi %add3A_14, %mul3A_13 : i32
    %mul3A_16 = arith.constant 16384 : i32
    %mul3A_17 = arith.muli %arg1, %mul3A_16 : i32
    %add3A_18 = arith.constant 262272 : i32
    %add3A_19 = arith.addi %add3A_18, %mul3A_17 : i32
    %dma_start3A_20 = tpu.memref_slice %arg8[%add3A_19] : memref<1573632xf32, #tpu.memory_space<vmem_shared>> -> memref<16384xf32, #tpu.memory_space<vmem_shared>>
    %dma_start3A_21 = tpu.memref_slice %arg2[%add3A_15] : memref<25165824xf32, #tpu.memory_space<hbm>> -> memref<16384xf32, #tpu.memory_space<hbm>>
    tpu.enqueue_dma source(%dma_start3A_21 : memref<16384xf32, #tpu.memory_space<hbm>>) target(%dma_start3A_20 : memref<16384xf32, #tpu.memory_space<vmem_shared>>) target_semaphore(%arg21 : memref<!tpu.dma_semaphore, #tpu.memory_space<semaphore_mem>>)
    %mul3A_22 = arith.constant 16384 : i32
    %mul3A_23 = arith.muli %arg1, %mul3A_22 : i32
    %add3A_24 = arith.constant 524288 : i32
    %add3A_25 = arith.addi %add3A_24, %mul3A_23 : i32
    %mul3A_26 = arith.constant 16384 : i32
    %mul3A_27 = arith.muli %arg1, %mul3A_26 : i32
    %add3A_28 = arith.constant 524544 : i32
    %add3A_29 = arith.addi %add3A_28, %mul3A_27 : i32
    %dma_start3A_30 = tpu.memref_slice %arg8[%add3A_29] : memref<1573632xf32, #tpu.memory_space<vmem_shared>> -> memref<16384xf32, #tpu.memory_space<vmem_shared>>
    %dma_start3A_31 = tpu.memref_slice %arg2[%add3A_25] : memref<25165824xf32, #tpu.memory_space<hbm>> -> memref<16384xf32, #tpu.memory_space<hbm>>
    tpu.enqueue_dma source(%dma_start3A_31 : memref<16384xf32, #tpu.memory_space<hbm>>) target(%dma_start3A_30 : memref<16384xf32, #tpu.memory_space<vmem_shared>>) target_semaphore(%arg21 : memref<!tpu.dma_semaphore, #tpu.memory_space<semaphore_mem>>)
    %mul3A_32 = arith.constant 16384 : i32
    %mul3A_33 = arith.muli %arg1, %mul3A_32 : i32
    %add3A_34 = arith.constant 786432 : i32
    %add3A_35 = arith.addi %add3A_34, %mul3A_33 : i32
    %mul3A_36 = arith.constant 16384 : i32
    %mul3A_37 = arith.muli %arg1, %mul3A_36 : i32
    %add3A_38 = arith.constant 786816 : i32
    %add3A_39 = arith.addi %add3A_38, %mul3A_37 : i32
    %dma_start3A_40 = tpu.memref_slice %arg8[%add3A_39] : memref<1573632xf32, #tpu.memory_space<vmem_shared>> -> memref<16384xf32, #tpu.memory_space<vmem_shared>>
    %dma_start3A_41 = tpu.memref_slice %arg2[%add3A_35] : memref<25165824xf32, #tpu.memory_space<hbm>> -> memref<16384xf32, #tpu.memory_space<hbm>>
    tpu.enqueue_dma source(%dma_start3A_41 : memref<16384xf32, #tpu.memory_space<hbm>>) target(%dma_start3A_40 : memref<16384xf32, #tpu.memory_space<vmem_shared>>) target_semaphore(%arg22 : memref<!tpu.dma_semaphore, #tpu.memory_space<semaphore_mem>>)
    %mul3A_42 = arith.constant 16384 : i32
    %mul3A_43 = arith.muli %arg1, %mul3A_42 : i32
    %add3A_44 = arith.constant 1048576 : i32
    %add3A_45 = arith.addi %add3A_44, %mul3A_43 : i32
    %mul3A_46 = arith.constant 16384 : i32
    %mul3A_47 = arith.muli %arg1, %mul3A_46 : i32
    %add3A_48 = arith.constant 1049088 : i32
    %add3A_49 = arith.addi %add3A_48, %mul3A_47 : i32
    %dma_start3A_50 = tpu.memref_slice %arg8[%add3A_49] : memref<1573632xf32, #tpu.memory_space<vmem_shared>> -> memref<16384xf32, #tpu.memory_space<vmem_shared>>
    %dma_start3A_51 = tpu.memref_slice %arg2[%add3A_45] : memref<25165824xf32, #tpu.memory_space<hbm>> -> memref<16384xf32, #tpu.memory_space<hbm>>
    tpu.enqueue_dma source(%dma_start3A_51 : memref<16384xf32, #tpu.memory_space<hbm>>) target(%dma_start3A_50 : memref<16384xf32, #tpu.memory_space<vmem_shared>>) target_semaphore(%arg22 : memref<!tpu.dma_semaphore, #tpu.memory_space<semaphore_mem>>)
    %mul3A_52 = arith.constant 16384 : i32
    %mul3A_53 = arith.muli %arg1, %mul3A_52 : i32
    %add3A_54 = arith.constant 1310720 : i32
    %add3A_55 = arith.addi %add3A_54, %mul3A_53 : i32
    %mul3A_56 = arith.constant 16384 : i32
    %mul3A_57 = arith.muli %arg1, %mul3A_56 : i32
    %add3A_58 = arith.constant 1311360 : i32
    %add3A_59 = arith.addi %add3A_58, %mul3A_57 : i32
    %dma_start3A_60 = tpu.memref_slice %arg8[%add3A_59] : memref<1573632xf32, #tpu.memory_space<vmem_shared>> -> memref<16384xf32, #tpu.memory_space<vmem_shared>>
    %dma_start3A_61 = tpu.memref_slice %arg2[%add3A_55] : memref<25165824xf32, #tpu.memory_space<hbm>> -> memref<16384xf32, #tpu.memory_space<hbm>>
    tpu.enqueue_dma source(%dma_start3A_61 : memref<16384xf32, #tpu.memory_space<hbm>>) target(%dma_start3A_60 : memref<16384xf32, #tpu.memory_space<vmem_shared>>) target_semaphore(%arg22 : memref<!tpu.dma_semaphore, #tpu.memory_space<semaphore_mem>>)
    %get3A = arith.constant 0 : index
    %get3A_62 = tpu.vector_load %arg12[%get3A] {strides = array<i32>} : memref<1024xf32, #tpu.memory_space<vmem>>, vector<16xf32>,
    %get3A_63 = vector.shape_cast %get3A_62 : vector<16xf32> to vector<16xf32>
    %get3A_64 = arith.constant 16 : index
    %get3A_65 = tpu.vector_load %arg12[%get3A_64] {strides = array<i32>} : memref<1024xf32, #tpu.memory_space<vmem>>, vector<16xf32>,
    %get3A_66 = vector.shape_cast %get3A_65 : vector<16xf32> to vector<16xf32>
    %scan3A = arith.constant 0 : i32
    %scan3A_67 = arith.constant 0 : i32
    %scan3A_68 = arith.constant 128 : i32
    %scan3A_69 = arith.addi %scan3A_67, %scan3A_68 : i32
    %scan3A_70 = arith.constant 1 : i32
    %scan3A_71 = scf.for %scan3A_429 = %scan3A_67 to %scan3A_69 step %scan3A_70 iter_args(%scan3A_430 = %scan3A) -> (i32)  : i32 {
      %mul3A_431 = arith.constant 16 : i32
      %mul3A_432 = arith.muli %scan3A_429, %mul3A_431 : i32
      %get3A_433 = arith.index_cast %mul3A_432 : i32 to index
      %get3A_434 = tpu.vector_load %arg9[%get3A_433] {strides = array<i32>} : memref<2048xf32, #tpu.memory_space<vmem>>, vector<16xf32>,
      %get3A_435 = vector.shape_cast %get3A_434 : vector<16xf32> to vector<16xf32>
      %get3A_436 = arith.index_cast %mul3A_432 : i32 to index
      %get3A_437 = tpu.vector_load %arg10[%get3A_436] {strides = array<i32>} : memref<2048xf32, #tpu.memory_space<vmem>>, vector<16xf32>,
      %get3A_438 = vector.shape_cast %get3A_437 : vector<16xf32> to vector<16xf32>
      %add3A_439 = arith.addf %get3A_63, %get3A_435 : vector<16xf32>
      %max3A = arith.constant 5.000000e-01 : f32
      %max3A_440 = vector.broadcast %max3A : f32 to vector<16xf32>
      %max3A_441 = arith.maximumf %add3A_439, %max3A_440 : vector<16xf32>
      %add3A_442 = arith.constant 5.110000e+02 : f32
      %add3A_443 = arith.constant 5.000000e-01 : f32
      %add3A_444 = arith.addf %add3A_442, %add3A_443 : f32
      %min3A = vector.broadcast %add3A_444 : f32 to vector<16xf32>
      %min3A_445 = arith.minimumf %max3A_441, %min3A : vector<16xf32>
      %add3A_446 = arith.addf %get3A_66, %get3A_438 : vector<16xf32>
      %max3A_447 = arith.constant 5.000000e-01 : f32
      %max3A_448 = vector.broadcast %max3A_447 : f32 to vector<16xf32>
      %max3A_449 = arith.maximumf %add3A_446, %max3A_448 : vector<16xf32>
      %add3A_450 = arith.constant 5.110000e+02 : f32
      %add3A_451 = arith.constant 5.000000e-01 : f32
      %add3A_452 = arith.addf %add3A_450, %add3A_451 : f32
      %min3A_453 = vector.broadcast %add3A_452 : f32 to vector<16xf32>
      %min3A_454 = arith.minimumf %max3A_449, %min3A_453 : vector<16xf32>
      %convert_element_type3A = arith.fptosi %min3A_445 : vector<16xf32> to vector<16xi32>
      %convert_element_type3A_455 = arith.fptosi %min3A_454 : vector<16xf32> to vector<16xi32>
      %convert_element_type3A_456 = arith.sitofp %convert_element_type3A : vector<16xi32> to vector<16xf32>
      %eq3A = arith.cmpf oeq, %convert_element_type3A_456, %min3A_445 : vector<16xf32>
      %and3A = arith.constant 1 : i32
      %and3A_457 = vector.broadcast %and3A : i32 to vector<16xi32>
      %and3A_458 = arith.andi %convert_element_type3A, %and3A_457 : vector<16xi32>
      %jit3A = arith.constant 0 : i32
      %broadcast_in_dim3A = vector.broadcast %jit3A : i32 to vector<16xi32>
      %select_n3A = arith.select %eq3A, %and3A_458, %broadcast_in_dim3A : vector<16xi1>, vector<16xi32>
      %sub3A = arith.subi %convert_element_type3A, %select_n3A : vector<16xi32>
      %convert_element_type3A_459 = arith.sitofp %convert_element_type3A_455 : vector<16xi32> to vector<16xf32>
      %eq3A_460 = arith.cmpf oeq, %convert_element_type3A_459, %min3A_454 : vector<16xf32>
      %and3A_461 = arith.constant 1 : i32
      %and3A_462 = vector.broadcast %and3A_461 : i32 to vector<16xi32>
      %and3A_463 = arith.andi %convert_element_type3A_455, %and3A_462 : vector<16xi32>
      %jit3A_464 = arith.constant 0 : i32
      %broadcast_in_dim3A_465 = vector.broadcast %jit3A_464 : i32 to vector<16xi32>
      %select_n3A_466 = arith.select %eq3A_460, %and3A_463, %broadcast_in_dim3A_465 : vector<16xi1>, vector<16xi32>
      %sub3A_467 = arith.subi %convert_element_type3A_455, %select_n3A_466 : vector<16xi32>
      %mul3A_468 = arith.constant 512 : i32
      %mul3A_469 = vector.broadcast %mul3A_468 : i32 to vector<16xi32>
      %mul3A_470 = arith.muli %sub3A, %mul3A_469 : vector<16xi32>
      %add3A_471 = arith.addi %mul3A_470, %sub3A_467 : vector<16xi32>
      %add3A_472 = arith.constant 0 : i32
      %add3A_473 = vector.broadcast %add3A_472 : i32 to vector<16xi32>
      %add3A_474 = arith.addi %add3A_471, %add3A_473 : vector<16xi32>
      %swap3A = arith.index_cast %mul3A_432 : i32 to index
      %swap3A_475 = tpu.vector_load %arg13[%swap3A] {strides = array<i32>} : memref<2048xi32, #tpu.memory_space<vmem>>, vector<16xi32>,
      %swap3A_476 = vector.shape_cast %swap3A_475 : vector<16xi32> to vector<16xi32>
      %swap3A_477 = vector.shape_cast %add3A_474 : vector<16xi32> to vector<16xi32>
      tpu.vector_store %arg13[%swap3A], %swap3A_477 {strides = array<i32>} : memref<2048xi32, #tpu.memory_space<vmem>>, vector<16xi32>,
      %scan3A_478 = arith.constant 0 : i32
      scf.yield %scan3A_478 : i32
    }
    %scan3A_72 = arith.constant 128 : i32
    %get3A_73 = arith.constant 32 : index
    %get3A_74 = tpu.vector_load %arg12[%get3A_73] {strides = array<i32>} : memref<1024xf32, #tpu.memory_space<vmem>>, vector<16xf32>,
    %get3A_75 = vector.shape_cast %get3A_74 : vector<16xf32> to vector<16xf32>
    %get3A_76 = arith.constant 48 : index
    %get3A_77 = tpu.vector_load %arg12[%get3A_76] {strides = array<i32>} : memref<1024xf32, #tpu.memory_space<vmem>>, vector<16xf32>,
    %get3A_78 = vector.shape_cast %get3A_77 : vector<16xf32> to vector<16xf32>
    %scan3A_79 = arith.constant 0 : i32
    %scan3A_80 = arith.constant 0 : i32
    %scan3A_81 = arith.constant 128 : i32
    %scan3A_82 = arith.addi %scan3A_80, %scan3A_81 : i32
    %scan3A_83 = arith.constant 1 : i32
    %scan3A_84 = scf.for %scan3A_429 = %scan3A_80 to %scan3A_82 step %scan3A_83 iter_args(%scan3A_430 = %scan3A_79) -> (i32)  : i32 {
      %mul3A_431 = arith.constant 16 : i32
      %mul3A_432 = arith.muli %scan3A_429, %mul3A_431 : i32
      %get3A_433 = arith.index_cast %mul3A_432 : i32 to index
      %get3A_434 = tpu.vector_load %arg9[%get3A_433] {strides = array<i32>} : memref<2048xf32, #tpu.memory_space<vmem>>, vector<16xf32>,
      %get3A_435 = vector.shape_cast %get3A_434 : vector<16xf32> to vector<16xf32>
      %get3A_436 = arith.index_cast %mul3A_432 : i32 to index
      %get3A_437 = tpu.vector_load %arg10[%get3A_436] {strides = array<i32>} : memref<2048xf32, #tpu.memory_space<vmem>>, vector<16xf32>,
      %get3A_438 = vector.shape_cast %get3A_437 : vector<16xf32> to vector<16xf32>
      %add3A_439 = arith.addf %get3A_75, %get3A_435 : vector<16xf32>
      %max3A = arith.constant 5.000000e-01 : f32
      %max3A_440 = vector.broadcast %max3A : f32 to vector<16xf32>
      %max3A_441 = arith.maximumf %add3A_439, %max3A_440 : vector<16xf32>
      %add3A_442 = arith.constant 5.110000e+02 : f32
      %add3A_443 = arith.constant 5.000000e-01 : f32
      %add3A_444 = arith.addf %add3A_442, %add3A_443 : f32
      %min3A = vector.broadcast %add3A_444 : f32 to vector<16xf32>
      %min3A_445 = arith.minimumf %max3A_441, %min3A : vector<16xf32>
      %add3A_446 = arith.addf %get3A_78, %get3A_438 : vector<16xf32>
      %max3A_447 = arith.constant 5.000000e-01 : f32
      %max3A_448 = vector.broadcast %max3A_447 : f32 to vector<16xf32>
      %max3A_449 = arith.maximumf %add3A_446, %max3A_448 : vector<16xf32>
      %add3A_450 = arith.constant 5.110000e+02 : f32
      %add3A_451 = arith.constant 5.000000e-01 : f32
      %add3A_452 = arith.addf %add3A_450, %add3A_451 : f32
      %min3A_453 = vector.broadcast %add3A_452 : f32 to vector<16xf32>
      %min3A_454 = arith.minimumf %max3A_449, %min3A_453 : vector<16xf32>
      %convert_element_type3A = arith.fptosi %min3A_445 : vector<16xf32> to vector<16xi32>
      %convert_element_type3A_455 = arith.fptosi %min3A_454 : vector<16xf32> to vector<16xi32>
      %convert_element_type3A_456 = arith.sitofp %convert_element_type3A : vector<16xi32> to vector<16xf32>
      %eq3A = arith.cmpf oeq, %convert_element_type3A_456, %min3A_445 : vector<16xf32>
      %and3A = arith.constant 1 : i32
      %and3A_457 = vector.broadcast %and3A : i32 to vector<16xi32>
      %and3A_458 = arith.andi %convert_element_type3A, %and3A_457 : vector<16xi32>
      %jit3A = arith.constant 0 : i32
      %broadcast_in_dim3A = vector.broadcast %jit3A : i32 to vector<16xi32>
      %select_n3A = arith.select %eq3A, %and3A_458, %broadcast_in_dim3A : vector<16xi1>, vector<16xi32>
      %sub3A = arith.subi %convert_element_type3A, %select_n3A : vector<16xi32>
      %convert_element_type3A_459 = arith.sitofp %convert_element_type3A_455 : vector<16xi32> to vector<16xf32>
      %eq3A_460 = arith.cmpf oeq, %convert_element_type3A_459, %min3A_454 : vector<16xf32>
      %and3A_461 = arith.constant 1 : i32
      %and3A_462 = vector.broadcast %and3A_461 : i32 to vector<16xi32>
      %and3A_463 = arith.andi %convert_element_type3A_455, %and3A_462 : vector<16xi32>
      %jit3A_464 = arith.constant 0 : i32
      %broadcast_in_dim3A_465 = vector.broadcast %jit3A_464 : i32 to vector<16xi32>
      %select_n3A_466 = arith.select %eq3A_460, %and3A_463, %broadcast_in_dim3A_465 : vector<16xi1>, vector<16xi32>
      %sub3A_467 = arith.subi %convert_element_type3A_455, %select_n3A_466 : vector<16xi32>
      %mul3A_468 = arith.constant 512 : i32
      %mul3A_469 = vector.broadcast %mul3A_468 : i32 to vector<16xi32>
      %mul3A_470 = arith.muli %sub3A, %mul3A_469 : vector<16xi32>
      %add3A_471 = arith.addi %mul3A_470, %sub3A_467 : vector<16xi32>
      %add3A_472 = arith.constant 786816 : i32
      %add3A_473 = vector.broadcast %add3A_472 : i32 to vector<16xi32>
      %add3A_474 = arith.addi %add3A_471, %add3A_473 : vector<16xi32>
      %swap3A = arith.index_cast %mul3A_432 : i32 to index
      %swap3A_475 = tpu.vector_load %arg14[%swap3A] {strides = array<i32>} : memref<2048xi32, #tpu.memory_space<vmem>>, vector<16xi32>,
      %swap3A_476 = vector.shape_cast %swap3A_475 : vector<16xi32> to vector<16xi32>
      %swap3A_477 = vector.shape_cast %add3A_474 : vector<16xi32> to vector<16xi32>
      tpu.vector_store %arg14[%swap3A], %swap3A_477 {strides = array<i32>} : memref<2048xi32, #tpu.memory_space<vmem>>, vector<16xi32>,
      %scan3A_478 = arith.constant 0 : i32
      scf.yield %scan3A_478 : i32
    }
    %scan3A_85 = arith.constant 128 : i32
    %dma_wait3A = arith.constant 0 : i32
    %dma_wait3A_86 = tpu.memref_slice %arg8[%dma_wait3A] : memref<1573632xf32, #tpu.memory_space<vmem_shared>> -> memref<49152xf32, #tpu.memory_space<vmem_shared>>
    %dma_wait3A_87 = arith.constant 0 : i32
    %dma_wait3A_88 = tpu.memref_slice %arg2[%dma_wait3A_87] : memref<25165824xf32, #tpu.memory_space<hbm>> -> memref<49152xf32, #tpu.memory_space<hbm>>
    tpu.wait_dma2 semaphore(%arg21 : memref<!tpu.dma_semaphore, #tpu.memory_space<semaphore_mem>>) src(%dma_wait3A_88 : memref<49152xf32, #tpu.memory_space<hbm>>) dst(%dma_wait3A_86 : memref<49152xf32, #tpu.memory_space<vmem_shared>>)
    %barrier3A = arith.constant 0 : index
    tpu.barrier barrier_id(%barrier3A)
    %dma_start3A_89 = arith.constant 0 : i32
    %dma_start3A_90 = tpu.memref_slice %arg15[%dma_start3A_89] : memref<6144xf32, #tpu.memory_space<vmem>> -> memref<2048xf32, #tpu.memory_space<vmem>>
    %dma_start3A_91 = arith.constant 0 : i32
    %dma_start3A_92 = tpu.memref_slice %arg8[%dma_start3A_91] : memref<1573632xf32, #tpu.memory_space<vmem_shared>> -> memref<1049088xf32, #tpu.memory_space<vmem_shared>>
    %dma_start3A_93 = arith.constant 0 : i32
    %dma_start3A_94 = tpu.memref_slice %dma_start3A_92[%dma_start3A_93] : memref<1049088xf32, #tpu.memory_space<vmem_shared>> -> memref<1049088xf32, #tpu.memory_space<vmem_shared>>
    tpu.enqueue_indirect_dma source(%dma_start3A_94 : memref<1049088xf32, #tpu.memory_space<vmem_shared>>) target(%dma_start3A_90 : memref<2048xf32, #tpu.memory_space<vmem>>) offsets(%arg13 : memref<2048xi32, #tpu.memory_space<vmem>>) semaphore(%arg17 : memref<!tpu.dma_semaphore, #tpu.memory_space<semaphore_mem>>)
    %dma_start3A_95 = arith.constant 2048 : i32
    %dma_start3A_96 = tpu.memref_slice %arg15[%dma_start3A_95] : memref<6144xf32, #tpu.memory_space<vmem>> -> memref<2048xf32, #tpu.memory_space<vmem>>
    %dma_start3A_97 = arith.constant 262272 : i32
    %dma_start3A_98 = tpu.memref_slice %arg8[%dma_start3A_97] : memref<1573632xf32, #tpu.memory_space<vmem_shared>> -> memref<1049088xf32, #tpu.memory_space<vmem_shared>>
    %dma_start3A_99 = arith.constant 0 : i32
    %dma_start3A_100 = tpu.memref_slice %dma_start3A_98[%dma_start3A_99] : memref<1049088xf32, #tpu.memory_space<vmem_shared>> -> memref<1049088xf32, #tpu.memory_space<vmem_shared>>
    tpu.enqueue_indirect_dma source(%dma_start3A_100 : memref<1049088xf32, #tpu.memory_space<vmem_shared>>) target(%dma_start3A_96 : memref<2048xf32, #tpu.memory_space<vmem>>) offsets(%arg13 : memref<2048xi32, #tpu.memory_space<vmem>>) semaphore(%arg17 : memref<!tpu.dma_semaphore, #tpu.memory_space<semaphore_mem>>)
    %dma_start3A_101 = arith.constant 4096 : i32
    %dma_start3A_102 = tpu.memref_slice %arg15[%dma_start3A_101] : memref<6144xf32, #tpu.memory_space<vmem>> -> memref<2048xf32, #tpu.memory_space<vmem>>
    %dma_start3A_103 = arith.constant 524544 : i32
    %dma_start3A_104 = tpu.memref_slice %arg8[%dma_start3A_103] : memref<1573632xf32, #tpu.memory_space<vmem_shared>> -> memref<1049088xf32, #tpu.memory_space<vmem_shared>>
    %dma_start3A_105 = arith.constant 0 : i32
    %dma_start3A_106 = tpu.memref_slice %dma_start3A_104[%dma_start3A_105] : memref<1049088xf32, #tpu.memory_space<vmem_shared>> -> memref<1049088xf32, #tpu.memory_space<vmem_shared>>
    tpu.enqueue_indirect_dma source(%dma_start3A_106 : memref<1049088xf32, #tpu.memory_space<vmem_shared>>) target(%dma_start3A_102 : memref<2048xf32, #tpu.memory_space<vmem>>) offsets(%arg13 : memref<2048xi32, #tpu.memory_space<vmem>>) semaphore(%arg17 : memref<!tpu.dma_semaphore, #tpu.memory_space<semaphore_mem>>)
    %dma_wait3A_107 = arith.constant 0 : i32
    %dma_wait3A_108 = tpu.memref_slice %arg8[%dma_wait3A_107] : memref<1573632xf32, #tpu.memory_space<vmem_shared>> -> memref<49152xf32, #tpu.memory_space<vmem_shared>>
    %dma_wait3A_109 = arith.constant 0 : i32
    %dma_wait3A_110 = tpu.memref_slice %arg2[%dma_wait3A_109] : memref<25165824xf32, #tpu.memory_space<hbm>> -> memref<49152xf32, #tpu.memory_space<hbm>>
    tpu.wait_dma2 semaphore(%arg22 : memref<!tpu.dma_semaphore, #tpu.memory_space<semaphore_mem>>) src(%dma_wait3A_110 : memref<49152xf32, #tpu.memory_space<hbm>>) dst(%dma_wait3A_108 : memref<49152xf32, #tpu.memory_space<vmem_shared>>)
    %barrier3A_111 = arith.constant 0 : index
    tpu.barrier barrier_id(%barrier3A_111)
    %dma_start3A_112 = arith.constant 0 : i32
    %dma_start3A_113 = tpu.memref_slice %arg16[%dma_start3A_112] : memref<6144xf32, #tpu.memory_space<vmem>> -> memref<2048xf32, #tpu.memory_space<vmem>>
    %dma_start3A_114 = arith.constant 0 : i32
    %dma_start3A_115 = tpu.memref_slice %arg8[%dma_start3A_114] : memref<1573632xf32, #tpu.memory_space<vmem_shared>> -> memref<1049088xf32, #tpu.memory_space<vmem_shared>>
    %dma_start3A_116 = arith.constant 0 : i32
    %dma_start3A_117 = tpu.memref_slice %dma_start3A_115[%dma_start3A_116] : memref<1049088xf32, #tpu.memory_space<vmem_shared>> -> memref<1049088xf32, #tpu.memory_space<vmem_shared>>
    tpu.enqueue_indirect_dma source(%dma_start3A_117 : memref<1049088xf32, #tpu.memory_space<vmem_shared>>) target(%dma_start3A_113 : memref<2048xf32, #tpu.memory_space<vmem>>) offsets(%arg14 : memref<2048xi32, #tpu.memory_space<vmem>>) semaphore(%arg18 : memref<!tpu.dma_semaphore, #tpu.memory_space<semaphore_mem>>)
    %dma_start3A_118 = arith.constant 2048 : i32
    %dma_start3A_119 = tpu.memref_slice %arg16[%dma_start3A_118] : memref<6144xf32, #tpu.memory_space<vmem>> -> memref<2048xf32, #tpu.memory_space<vmem>>
    %dma_start3A_120 = arith.constant 262272 : i32
    %dma_start3A_121 = tpu.memref_slice %arg8[%dma_start3A_120] : memref<1573632xf32, #tpu.memory_space<vmem_shared>> -> memref<1049088xf32, #tpu.memory_space<vmem_shared>>
    %dma_start3A_122 = arith.constant 0 : i32
    %dma_start3A_123 = tpu.memref_slice %dma_start3A_121[%dma_start3A_122] : memref<1049088xf32, #tpu.memory_space<vmem_shared>> -> memref<1049088xf32, #tpu.memory_space<vmem_shared>>
    tpu.enqueue_indirect_dma source(%dma_start3A_123 : memref<1049088xf32, #tpu.memory_space<vmem_shared>>) target(%dma_start3A_119 : memref<2048xf32, #tpu.memory_space<vmem>>) offsets(%arg14 : memref<2048xi32, #tpu.memory_space<vmem>>) semaphore(%arg18 : memref<!tpu.dma_semaphore, #tpu.memory_space<semaphore_mem>>)
    %dma_start3A_124 = arith.constant 4096 : i32
    %dma_start3A_125 = tpu.memref_slice %arg16[%dma_start3A_124] : memref<6144xf32, #tpu.memory_space<vmem>> -> memref<2048xf32, #tpu.memory_space<vmem>>
    %dma_start3A_126 = arith.constant 524544 : i32
    %dma_start3A_127 = tpu.memref_slice %arg8[%dma_start3A_126] : memref<1573632xf32, #tpu.memory_space<vmem_shared>> -> memref<1049088xf32, #tpu.memory_space<vmem_shared>>
    %dma_start3A_128 = arith.constant 0 : i32
    %dma_start3A_129 = tpu.memref_slice %dma_start3A_127[%dma_start3A_128] : memref<1049088xf32, #tpu.memory_space<vmem_shared>> -> memref<1049088xf32, #tpu.memory_space<vmem_shared>>
    tpu.enqueue_indirect_dma source(%dma_start3A_129 : memref<1049088xf32, #tpu.memory_space<vmem_shared>>) target(%dma_start3A_125 : memref<2048xf32, #tpu.memory_space<vmem>>) offsets(%arg14 : memref<2048xi32, #tpu.memory_space<vmem>>) semaphore(%arg18 : memref<!tpu.dma_semaphore, #tpu.memory_space<semaphore_mem>>)
    %dma_wait3A_130 = arith.constant 0 : i32
    %dma_wait3A_131 = tpu.memref_slice %arg2[%dma_wait3A_130] : memref<25165824xf32, #tpu.memory_space<hbm>> -> memref<6144xf32, #tpu.memory_space<hbm>>
    %dma_wait3A_132 = arith.constant 0 : i32
    %dma_wait3A_133 = tpu.memref_slice %arg2[%dma_wait3A_132] : memref<25165824xf32, #tpu.memory_space<hbm>> -> memref<6144xf32, #tpu.memory_space<hbm>>
    tpu.wait_dma2 semaphore(%arg17 : memref<!tpu.dma_semaphore, #tpu.memory_space<semaphore_mem>>) src(%dma_wait3A_133 : memref<6144xf32, #tpu.memory_space<hbm>>) dst(%arg15 : memref<6144xf32, #tpu.memory_space<vmem>>)
    %barrier3A_134 = arith.constant 0 : index
    tpu.barrier barrier_id(%barrier3A_134)
    %mul3A_135 = arith.constant 16384 : i32
    %mul3A_136 = arith.muli %arg1, %mul3A_135 : i32
    %add3A_137 = arith.constant 1572864 : i32
    %add3A_138 = arith.addi %add3A_137, %mul3A_136 : i32
    %mul3A_139 = arith.constant 16384 : i32
    %mul3A_140 = arith.muli %arg1, %mul3A_139 : i32
    %add3A_141 = arith.constant 0 : i32
    %add3A_142 = arith.addi %add3A_141, %mul3A_140 : i32
    %dma_start3A_143 = tpu.memref_slice %arg8[%add3A_142] : memref<1573632xf32, #tpu.memory_space<vmem_shared>> -> memref<16384xf32, #tpu.memory_space<vmem_shared>>
    %dma_start3A_144 = tpu.memref_slice %arg2[%add3A_138] : memref<25165824xf32, #tpu.memory_space<hbm>> -> memref<16384xf32, #tpu.memory_space<hbm>>
    tpu.enqueue_dma source(%dma_start3A_144 : memref<16384xf32, #tpu.memory_space<hbm>>) target(%dma_start3A_143 : memref<16384xf32, #tpu.memory_space<vmem_shared>>) target_semaphore(%arg21 : memref<!tpu.dma_semaphore, #tpu.memory_space<semaphore_mem>>)
    %mul3A_145 = arith.constant 16384 : i32
    %mul3A_146 = arith.muli %arg1, %mul3A_145 : i32
    %add3A_147 = arith.constant 1835008 : i32
    %add3A_148 = arith.addi %add3A_147, %mul3A_146 : i32
    %mul3A_149 = arith.constant 16384 : i32
    %mul3A_150 = arith.muli %arg1, %mul3A_149 : i32
    %add3A_151 = arith.constant 262272 : i32
    %add3A_152 = arith.addi %add3A_151, %mul3A_150 : i32
    %dma_start3A_153 = tpu.memref_slice %arg8[%add3A_152] : memref<1573632xf32, #tpu.memory_space<vmem_shared>> -> memref<16384xf32, #tpu.memory_space<vmem_shared>>
    %dma_start3A_154 = tpu.memref_slice %arg2[%add3A_148] : memref<25165824xf32, #tpu.memory_space<hbm>> -> memref<16384xf32, #tpu.memory_space<hbm>>
    tpu.enqueue_dma source(%dma_start3A_154 : memref<16384xf32, #tpu.memory_space<hbm>>) target(%dma_start3A_153 : memref<16384xf32, #tpu.memory_space<vmem_shared>>) target_semaphore(%arg21 : memref<!tpu.dma_semaphore, #tpu.memory_space<semaphore_mem>>)
    %mul3A_155 = arith.constant 16384 : i32
    %mul3A_156 = arith.muli %arg1, %mul3A_155 : i32
    %add3A_157 = arith.constant 2097152 : i32
    %add3A_158 = arith.addi %add3A_157, %mul3A_156 : i32
    %mul3A_159 = arith.constant 16384 : i32
    %mul3A_160 = arith.muli %arg1, %mul3A_159 : i32
    %add3A_161 = arith.constant 524544 : i32
    %add3A_162 = arith.addi %add3A_161, %mul3A_160 : i32
    %dma_start3A_163 = tpu.memref_slice %arg8[%add3A_162] : memref<1573632xf32, #tpu.memory_space<vmem_shared>> -> memref<16384xf32, #tpu.memory_space<vmem_shared>>
    %dma_start3A_164 = tpu.memref_slice %arg2[%add3A_158] : memref<25165824xf32, #tpu.memory_space<hbm>> -> memref<16384xf32, #tpu.memory_space<hbm>>
    tpu.enqueue_dma source(%dma_start3A_164 : memref<16384xf32, #tpu.memory_space<hbm>>) target(%dma_start3A_163 : memref<16384xf32, #tpu.memory_space<vmem_shared>>) target_semaphore(%arg21 : memref<!tpu.dma_semaphore, #tpu.memory_space<semaphore_mem>>)
    %scan3A_165 = arith.constant 0 : i32
    %scan3A_166 = arith.constant 0 : i32
    %scan3A_167 = arith.constant 128 : i32
    %scan3A_168 = arith.addi %scan3A_166, %scan3A_167 : i32
    %scan3A_169 = arith.constant 1 : i32
    %scan3A_170 = scf.for %scan3A_429 = %scan3A_166 to %scan3A_168 step %scan3A_169 iter_args(%scan3A_430 = %scan3A_165) -> (i32)  : i32 {
      %mul3A_431 = arith.constant 16 : i32
      %mul3A_432 = arith.muli %scan3A_429, %mul3A_431 : i32
      %get3A_433 = arith.index_cast %mul3A_432 : i32 to index
      %get3A_434 = tpu.vector_load %arg11[%get3A_433] {strides = array<i32>} : memref<2048xf32, #tpu.memory_space<vmem>>, vector<16xf32>,
      %get3A_435 = vector.shape_cast %get3A_434 : vector<16xf32> to vector<16xf32>
      %get3A_436 = arith.index_cast %mul3A_432 : i32 to index
      %get3A_437 = tpu.vector_load %arg15[%get3A_436] {strides = array<i32>} : memref<6144xf32, #tpu.memory_space<vmem>>, vector<16xf32>,
      %get3A_438 = vector.shape_cast %get3A_437 : vector<16xf32> to vector<16xf32>
      %mul3A_439 = arith.mulf %get3A_438, %get3A_435 : vector<16xf32>
      %swap3A = arith.index_cast %mul3A_432 : i32 to index
      %swap3A_440 = tpu.vector_load %arg15[%swap3A] {strides = array<i32>} : memref<6144xf32, #tpu.memory_space<vmem>>, vector<16xf32>,
      %swap3A_441 = vector.shape_cast %swap3A_440 : vector<16xf32> to vector<16xf32>
      %swap3A_442 = vector.shape_cast %mul3A_439 : vector<16xf32> to vector<16xf32>
      tpu.vector_store %arg15[%swap3A], %swap3A_442 {strides = array<i32>} : memref<6144xf32, #tpu.memory_space<vmem>>, vector<16xf32>,
      %add3A_443 = arith.constant 2048 : i32
      %add3A_444 = arith.addi %mul3A_432, %add3A_443 : i32
      %get3A_445 = arith.index_cast %add3A_444 : i32 to index
      %get3A_446 = tpu.vector_load %arg15[%get3A_445] {strides = array<i32>} : memref<6144xf32, #tpu.memory_space<vmem>>, vector<16xf32>,
      %get3A_447 = vector.shape_cast %get3A_446 : vector<16xf32> to vector<16xf32>
      %mul3A_448 = arith.mulf %get3A_447, %get3A_435 : vector<16xf32>
      %add3A_449 = arith.constant 2048 : i32
      %add3A_450 = arith.addi %mul3A_432, %add3A_449 : i32
      %swap3A_451 = arith.index_cast %add3A_450 : i32 to index
      %swap3A_452 = tpu.vector_load %arg15[%swap3A_451] {strides = array<i32>} : memref<6144xf32, #tpu.memory_space<vmem>>, vector<16xf32>,
      %swap3A_453 = vector.shape_cast %swap3A_452 : vector<16xf32> to vector<16xf32>
      %swap3A_454 = vector.shape_cast %mul3A_448 : vector<16xf32> to vector<16xf32>
      tpu.vector_store %arg15[%swap3A_451], %swap3A_454 {strides = array<i32>} : memref<6144xf32, #tpu.memory_space<vmem>>, vector<16xf32>,
      %add3A_455 = arith.constant 4096 : i32
      %add3A_456 = arith.addi %mul3A_432, %add3A_455 : i32
      %get3A_457 = arith.index_cast %add3A_456 : i32 to index
      %get3A_458 = tpu.vector_load %arg15[%get3A_457] {strides = array<i32>} : memref<6144xf32, #tpu.memory_space<vmem>>, vector<16xf32>,
      %get3A_459 = vector.shape_cast %get3A_458 : vector<16xf32> to vector<16xf32>
      %mul3A_460 = arith.mulf %get3A_459, %get3A_435 : vector<16xf32>
      %add3A_461 = arith.constant 4096 : i32
      %add3A_462 = arith.addi %mul3A_432, %add3A_461 : i32
      %swap3A_463 = arith.index_cast %add3A_462 : i32 to index
      %swap3A_464 = tpu.vector_load %arg15[%swap3A_463] {strides = array<i32>} : memref<6144xf32, #tpu.memory_space<vmem>>, vector<16xf32>,
      %swap3A_465 = vector.shape_cast %swap3A_464 : vector<16xf32> to vector<16xf32>
      %swap3A_466 = vector.shape_cast %mul3A_460 : vector<16xf32> to vector<16xf32>
      tpu.vector_store %arg15[%swap3A_463], %swap3A_466 {strides = array<i32>} : memref<6144xf32, #tpu.memory_space<vmem>>, vector<16xf32>,
      %scan3A_467 = arith.constant 0 : i32
      scf.yield %scan3A_467 : i32
    }
    %scan3A_171 = arith.constant 128 : i32
    %add3A_172 = arith.constant 0 : i32
    %add3A_173 = arith.addi %add3A_172, %mul3A_2 : i32
    %dma_start3A_174 = arith.constant 0 : i32
    %dma_start3A_175 = tpu.memref_slice %arg15[%dma_start3A_174] : memref<6144xf32, #tpu.memory_space<vmem>> -> memref<2048xf32, #tpu.memory_space<vmem>>
    %dma_start3A_176 = tpu.memref_slice %arg7[%add3A_173] : memref<6291456xf32, #tpu.memory_space<hbm>> -> memref<2048xf32, #tpu.memory_space<hbm>>
    %dma_start3A_177 = tpu.memref_slice %arg7[%add3A_173] : memref<6291456xf32, #tpu.memory_space<hbm>> -> memref<2048xf32, #tpu.memory_space<hbm>>
    %dma_start3A_178 = arith.constant 0 : i32
    %dma_start3A_179 = tpu.memref_slice %arg15[%dma_start3A_178] : memref<6144xf32, #tpu.memory_space<vmem>> -> memref<2048xf32, #tpu.memory_space<vmem>>
    tpu.enqueue_dma source(%dma_start3A_179 : memref<2048xf32, #tpu.memory_space<vmem>>) target(%dma_start3A_177 : memref<2048xf32, #tpu.memory_space<hbm>>) target_semaphore(%arg19 : memref<!tpu.dma_semaphore, #tpu.memory_space<semaphore_mem>>)
    %add3A_180 = arith.constant 65536 : i32
    %add3A_181 = arith.addi %add3A_173, %add3A_180 : i32
    %dma_start3A_182 = arith.constant 2048 : i32
    %dma_start3A_183 = tpu.memref_slice %arg15[%dma_start3A_182] : memref<6144xf32, #tpu.memory_space<vmem>> -> memref<2048xf32, #tpu.memory_space<vmem>>
    %dma_start3A_184 = tpu.memref_slice %arg7[%add3A_181] : memref<6291456xf32, #tpu.memory_space<hbm>> -> memref<2048xf32, #tpu.memory_space<hbm>>
    %dma_start3A_185 = tpu.memref_slice %arg7[%add3A_181] : memref<6291456xf32, #tpu.memory_space<hbm>> -> memref<2048xf32, #tpu.memory_space<hbm>>
    %dma_start3A_186 = arith.constant 2048 : i32
    %dma_start3A_187 = tpu.memref_slice %arg15[%dma_start3A_186] : memref<6144xf32, #tpu.memory_space<vmem>> -> memref<2048xf32, #tpu.memory_space<vmem>>
    tpu.enqueue_dma source(%dma_start3A_187 : memref<2048xf32, #tpu.memory_space<vmem>>) target(%dma_start3A_185 : memref<2048xf32, #tpu.memory_space<hbm>>) target_semaphore(%arg19 : memref<!tpu.dma_semaphore, #tpu.memory_space<semaphore_mem>>)
    %add3A_188 = arith.constant 131072 : i32
    %add3A_189 = arith.addi %add3A_173, %add3A_188 : i32
    %dma_start3A_190 = arith.constant 4096 : i32
    %dma_start3A_191 = tpu.memref_slice %arg15[%dma_start3A_190] : memref<6144xf32, #tpu.memory_space<vmem>> -> memref<2048xf32, #tpu.memory_space<vmem>>
    %dma_start3A_192 = tpu.memref_slice %arg7[%add3A_189] : memref<6291456xf32, #tpu.memory_space<hbm>> -> memref<2048xf32, #tpu.memory_space<hbm>>
    %dma_start3A_193 = tpu.memref_slice %arg7[%add3A_189] : memref<6291456xf32, #tpu.memory_space<hbm>> -> memref<2048xf32, #tpu.memory_space<hbm>>
    %dma_start3A_194 = arith.constant 4096 : i32
    %dma_start3A_195 = tpu.memref_slice %arg15[%dma_start3A_194] : memref<6144xf32, #tpu.memory_space<vmem>> -> memref<2048xf32, #tpu.memory_space<vmem>>
    tpu.enqueue_dma source(%dma_start3A_195 : memref<2048xf32, #tpu.memory_space<vmem>>) target(%dma_start3A_193 : memref<2048xf32, #tpu.memory_space<hbm>>) target_semaphore(%arg19 : memref<!tpu.dma_semaphore, #tpu.memory_space<semaphore_mem>>)
    %get3A_196 = arith.constant 64 : index
    %get3A_197 = tpu.vector_load %arg12[%get3A_196] {strides = array<i32>} : memref<1024xf32, #tpu.memory_space<vmem>>, vector<16xf32>,
    %get3A_198 = vector.shape_cast %get3A_197 : vector<16xf32> to vector<16xf32>
    %get3A_199 = arith.constant 80 : index
    %get3A_200 = tpu.vector_load %arg12[%get3A_199] {strides = array<i32>} : memref<1024xf32, #tpu.memory_space<vmem>>, vector<16xf32>,
    %get3A_201 = vector.shape_cast %get3A_200 : vector<16xf32> to vector<16xf32>
    %scan3A_202 = arith.constant 0 : i32
    %scan3A_203 = arith.constant 0 : i32
    %scan3A_204 = arith.constant 128 : i32
    %scan3A_205 = arith.addi %scan3A_203, %scan3A_204 : i32
    %scan3A_206 = arith.constant 1 : i32
    %scan3A_207 = scf.for %scan3A_429 = %scan3A_203 to %scan3A_205 step %scan3A_206 iter_args(%scan3A_430 = %scan3A_202) -> (i32)  : i32 {
      %mul3A_431 = arith.constant 16 : i32
      %mul3A_432 = arith.muli %scan3A_429, %mul3A_431 : i32
      %get3A_433 = arith.index_cast %mul3A_432 : i32 to index
      %get3A_434 = tpu.vector_load %arg9[%get3A_433] {strides = array<i32>} : memref<2048xf32, #tpu.memory_space<vmem>>, vector<16xf32>,
      %get3A_435 = vector.shape_cast %get3A_434 : vector<16xf32> to vector<16xf32>
      %get3A_436 = arith.index_cast %mul3A_432 : i32 to index
      %get3A_437 = tpu.vector_load %arg10[%get3A_436] {strides = array<i32>} : memref<2048xf32, #tpu.memory_space<vmem>>, vector<16xf32>,
      %get3A_438 = vector.shape_cast %get3A_437 : vector<16xf32> to vector<16xf32>
      %add3A_439 = arith.addf %get3A_198, %get3A_435 : vector<16xf32>
      %max3A = arith.constant 5.000000e-01 : f32
      %max3A_440 = vector.broadcast %max3A : f32 to vector<16xf32>
      %max3A_441 = arith.maximumf %add3A_439, %max3A_440 : vector<16xf32>
      %add3A_442 = arith.constant 5.110000e+02 : f32
      %add3A_443 = arith.constant 5.000000e-01 : f32
      %add3A_444 = arith.addf %add3A_442, %add3A_443 : f32
      %min3A = vector.broadcast %add3A_444 : f32 to vector<16xf32>
      %min3A_445 = arith.minimumf %max3A_441, %min3A : vector<16xf32>
      %add3A_446 = arith.addf %get3A_201, %get3A_438 : vector<16xf32>
      %max3A_447 = arith.constant 5.000000e-01 : f32
      %max3A_448 = vector.broadcast %max3A_447 : f32 to vector<16xf32>
      %max3A_449 = arith.maximumf %add3A_446, %max3A_448 : vector<16xf32>
      %add3A_450 = arith.constant 5.110000e+02 : f32
      %add3A_451 = arith.constant 5.000000e-01 : f32
      %add3A_452 = arith.addf %add3A_450, %add3A_451 : f32
      %min3A_453 = vector.broadcast %add3A_452 : f32 to vector<16xf32>
      %min3A_454 = arith.minimumf %max3A_449, %min3A_453 : vector<16xf32>
      %convert_element_type3A = arith.fptosi %min3A_445 : vector<16xf32> to vector<16xi32>
      %convert_element_type3A_455 = arith.fptosi %min3A_454 : vector<16xf32> to vector<16xi32>
      %convert_element_type3A_456 = arith.sitofp %convert_element_type3A : vector<16xi32> to vector<16xf32>
      %eq3A = arith.cmpf oeq, %convert_element_type3A_456, %min3A_445 : vector<16xf32>
      %and3A = arith.constant 1 : i32
      %and3A_457 = vector.broadcast %and3A : i32 to vector<16xi32>
      %and3A_458 = arith.andi %convert_element_type3A, %and3A_457 : vector<16xi32>
      %jit3A = arith.constant 0 : i32
      %broadcast_in_dim3A = vector.broadcast %jit3A : i32 to vector<16xi32>
      %select_n3A = arith.select %eq3A, %and3A_458, %broadcast_in_dim3A : vector<16xi1>, vector<16xi32>
      %sub3A = arith.subi %convert_element_type3A, %select_n3A : vector<16xi32>
      %convert_element_type3A_459 = arith.sitofp %convert_element_type3A_455 : vector<16xi32> to vector<16xf32>
      %eq3A_460 = arith.cmpf oeq, %convert_element_type3A_459, %min3A_454 : vector<16xf32>
      %and3A_461 = arith.constant 1 : i32
      %and3A_462 = vector.broadcast %and3A_461 : i32 to vector<16xi32>
      %and3A_463 = arith.andi %convert_element_type3A_455, %and3A_462 : vector<16xi32>
      %jit3A_464 = arith.constant 0 : i32
      %broadcast_in_dim3A_465 = vector.broadcast %jit3A_464 : i32 to vector<16xi32>
      %select_n3A_466 = arith.select %eq3A_460, %and3A_463, %broadcast_in_dim3A_465 : vector<16xi1>, vector<16xi32>
      %sub3A_467 = arith.subi %convert_element_type3A_455, %select_n3A_466 : vector<16xi32>
      %mul3A_468 = arith.constant 512 : i32
      %mul3A_469 = vector.broadcast %mul3A_468 : i32 to vector<16xi32>
      %mul3A_470 = arith.muli %sub3A, %mul3A_469 : vector<16xi32>
      %add3A_471 = arith.addi %mul3A_470, %sub3A_467 : vector<16xi32>
      %add3A_472 = arith.constant 0 : i32
      %add3A_473 = vector.broadcast %add3A_472 : i32 to vector<16xi32>
      %add3A_474 = arith.addi %add3A_471, %add3A_473 : vector<16xi32>
      %swap3A = arith.index_cast %mul3A_432 : i32 to index
      %swap3A_475 = tpu.vector_load %arg13[%swap3A] {strides = array<i32>} : memref<2048xi32, #tpu.memory_space<vmem>>, vector<16xi32>,
      %swap3A_476 = vector.shape_cast %swap3A_475 : vector<16xi32> to vector<16xi32>
      %swap3A_477 = vector.shape_cast %add3A_474 : vector<16xi32> to vector<16xi32>
      tpu.vector_store %arg13[%swap3A], %swap3A_477 {strides = array<i32>} : memref<2048xi32, #tpu.memory_space<vmem>>, vector<16xi32>,
      %scan3A_478 = arith.constant 0 : i32
      scf.yield %scan3A_478 : i32
    }
    %scan3A_208 = arith.constant 128 : i32
    %dma_wait3A_209 = arith.constant 0 : i32
    %dma_wait3A_210 = tpu.memref_slice %arg7[%dma_wait3A_209] : memref<6291456xf32, #tpu.memory_space<hbm>> -> memref<6144xf32, #tpu.memory_space<hbm>>
    %dma_wait3A_211 = arith.constant 0 : i32
    %dma_wait3A_212 = tpu.memref_slice %arg7[%dma_wait3A_211] : memref<6291456xf32, #tpu.memory_space<hbm>> -> memref<6144xf32, #tpu.memory_space<hbm>>
    tpu.wait_dma2 semaphore(%arg19 : memref<!tpu.dma_semaphore, #tpu.memory_space<semaphore_mem>>) src(%arg15 : memref<6144xf32, #tpu.memory_space<vmem>>) dst(%dma_wait3A_212 : memref<6144xf32, #tpu.memory_space<hbm>>)
    %dma_wait3A_213 = arith.constant 0 : i32
    %dma_wait3A_214 = tpu.memref_slice %arg8[%dma_wait3A_213] : memref<1573632xf32, #tpu.memory_space<vmem_shared>> -> memref<49152xf32, #tpu.memory_space<vmem_shared>>
    %dma_wait3A_215 = arith.constant 0 : i32
    %dma_wait3A_216 = tpu.memref_slice %arg2[%dma_wait3A_215] : memref<25165824xf32, #tpu.memory_space<hbm>> -> memref<49152xf32, #tpu.memory_space<hbm>>
    tpu.wait_dma2 semaphore(%arg21 : memref<!tpu.dma_semaphore, #tpu.memory_space<semaphore_mem>>) src(%dma_wait3A_216 : memref<49152xf32, #tpu.memory_space<hbm>>) dst(%dma_wait3A_214 : memref<49152xf32, #tpu.memory_space<vmem_shared>>)
    %barrier3A_217 = arith.constant 0 : index
    tpu.barrier barrier_id(%barrier3A_217)
    %dma_start3A_218 = arith.constant 0 : i32
    %dma_start3A_219 = tpu.memref_slice %arg15[%dma_start3A_218] : memref<6144xf32, #tpu.memory_space<vmem>> -> memref<2048xf32, #tpu.memory_space<vmem>>
    %dma_start3A_220 = arith.constant 0 : i32
    %dma_start3A_221 = tpu.memref_slice %arg8[%dma_start3A_220] : memref<1573632xf32, #tpu.memory_space<vmem_shared>> -> memref<1049088xf32, #tpu.memory_space<vmem_shared>>
    %dma_start3A_222 = arith.constant 0 : i32
    %dma_start3A_223 = tpu.memref_slice %dma_start3A_221[%dma_start3A_222] : memref<1049088xf32, #tpu.memory_space<vmem_shared>> -> memref<1049088xf32, #tpu.memory_space<vmem_shared>>
    tpu.enqueue_indirect_dma source(%dma_start3A_223 : memref<1049088xf32, #tpu.memory_space<vmem_shared>>) target(%dma_start3A_219 : memref<2048xf32, #tpu.memory_space<vmem>>) offsets(%arg13 : memref<2048xi32, #tpu.memory_space<vmem>>) semaphore(%arg17 : memref<!tpu.dma_semaphore, #tpu.memory_space<semaphore_mem>>)
    %dma_start3A_224 = arith.constant 2048 : i32
    %dma_start3A_225 = tpu.memref_slice %arg15[%dma_start3A_224] : memref<6144xf32, #tpu.memory_space<vmem>> -> memref<2048xf32, #tpu.memory_space<vmem>>
    %dma_start3A_226 = arith.constant 262272 : i32
    %dma_start3A_227 = tpu.memref_slice %arg8[%dma_start3A_226] : memref<1573632xf32, #tpu.memory_space<vmem_shared>> -> memref<1049088xf32, #tpu.memory_space<vmem_shared>>
    %dma_start3A_228 = arith.constant 0 : i32
    %dma_start3A_229 = tpu.memref_slice %dma_start3A_227[%dma_start3A_228] : memref<1049088xf32, #tpu.memory_space<vmem_shared>> -> memref<1049088xf32, #tpu.memory_space<vmem_shared>>
    tpu.enqueue_indirect_dma source(%dma_start3A_229 : memref<1049088xf32, #tpu.memory_space<vmem_shared>>) target(%dma_start3A_225 : memref<2048xf32, #tpu.memory_space<vmem>>) offsets(%arg13 : memref<2048xi32, #tpu.memory_space<vmem>>) semaphore(%arg17 : memref<!tpu.dma_semaphore, #tpu.memory_space<semaphore_mem>>)
    %dma_start3A_230 = arith.constant 4096 : i32
    %dma_start3A_231 = tpu.memref_slice %arg15[%dma_start3A_230] : memref<6144xf32, #tpu.memory_space<vmem>> -> memref<2048xf32, #tpu.memory_space<vmem>>
    %dma_start3A_232 = arith.constant 524544 : i32
    %dma_start3A_233 = tpu.memref_slice %arg8[%dma_start3A_232] : memref<1573632xf32, #tpu.memory_space<vmem_shared>> -> memref<1049088xf32, #tpu.memory_space<vmem_shared>>
    %dma_start3A_234 = arith.constant 0 : i32
    %dma_start3A_235 = tpu.memref_slice %dma_start3A_233[%dma_start3A_234] : memref<1049088xf32, #tpu.memory_space<vmem_shared>> -> memref<1049088xf32, #tpu.memory_space<vmem_shared>>
    tpu.enqueue_indirect_dma source(%dma_start3A_235 : memref<1049088xf32, #tpu.memory_space<vmem_shared>>) target(%dma_start3A_231 : memref<2048xf32, #tpu.memory_space<vmem>>) offsets(%arg13 : memref<2048xi32, #tpu.memory_space<vmem>>) semaphore(%arg17 : memref<!tpu.dma_semaphore, #tpu.memory_space<semaphore_mem>>)
    %dma_wait3A_236 = arith.constant 0 : i32
    %dma_wait3A_237 = tpu.memref_slice %arg2[%dma_wait3A_236] : memref<25165824xf32, #tpu.memory_space<hbm>> -> memref<6144xf32, #tpu.memory_space<hbm>>
    %dma_wait3A_238 = arith.constant 0 : i32
    %dma_wait3A_239 = tpu.memref_slice %arg2[%dma_wait3A_238] : memref<25165824xf32, #tpu.memory_space<hbm>> -> memref<6144xf32, #tpu.memory_space<hbm>>
    tpu.wait_dma2 semaphore(%arg18 : memref<!tpu.dma_semaphore, #tpu.memory_space<semaphore_mem>>) src(%dma_wait3A_239 : memref<6144xf32, #tpu.memory_space<hbm>>) dst(%arg16 : memref<6144xf32, #tpu.memory_space<vmem>>)
    %barrier3A_240 = arith.constant 0 : index
    tpu.barrier barrier_id(%barrier3A_240)
    %mul3A_241 = arith.constant 16384 : i32
    %mul3A_242 = arith.muli %arg1, %mul3A_241 : i32
    %add3A_243 = arith.constant 2359296 : i32
    %add3A_244 = arith.addi %add3A_243, %mul3A_242 : i32
    %mul3A_245 = arith.constant 16384 : i32
    %mul3A_246 = arith.muli %arg1, %mul3A_245 : i32
    %add3A_247 = arith.constant 786816 : i32
    %add3A_248 = arith.addi %add3A_247, %mul3A_246 : i32
    %dma_start3A_249 = tpu.memref_slice %arg8[%add3A_248] : memref<1573632xf32, #tpu.memory_space<vmem_shared>> -> memref<16384xf32, #tpu.memory_space<vmem_shared>>
    %dma_start3A_250 = tpu.memref_slice %arg2[%add3A_244] : memref<25165824xf32, #tpu.memory_space<hbm>> -> memref<16384xf32, #tpu.memory_space<hbm>>
    tpu.enqueue_dma source(%dma_start3A_250 : memref<16384xf32, #tpu.memory_space<hbm>>) target(%dma_start3A_249 : memref<16384xf32, #tpu.memory_space<vmem_shared>>) target_semaphore(%arg22 : memref<!tpu.dma_semaphore, #tpu.memory_space<semaphore_mem>>)
    %mul3A_251 = arith.constant 16384 : i32
    %mul3A_252 = arith.muli %arg1, %mul3A_251 : i32
    %add3A_253 = arith.constant 2621440 : i32
    %add3A_254 = arith.addi %add3A_253, %mul3A_252 : i32
    %mul3A_255 = arith.constant 16384 : i32
    %mul3A_256 = arith.muli %arg1, %mul3A_255 : i32
    %add3A_257 = arith.constant 1049088 : i32
    %add3A_258 = arith.addi %add3A_257, %mul3A_256 : i32
    %dma_start3A_259 = tpu.memref_slice %arg8[%add3A_258] : memref<1573632xf32, #tpu.memory_space<vmem_shared>> -> memref<16384xf32, #tpu.memory_space<vmem_shared>>
    %dma_start3A_260 = tpu.memref_slice %arg2[%add3A_254] : memref<25165824xf32, #tpu.memory_space<hbm>> -> memref<16384xf32, #tpu.memory_space<hbm>>
    tpu.enqueue_dma source(%dma_start3A_260 : memref<16384xf32, #tpu.memory_space<hbm>>) target(%dma_start3A_259 : memref<16384xf32, #tpu.memory_space<vmem_shared>>) target_semaphore(%arg22 : memref<!tpu.dma_semaphore, #tpu.memory_space<semaphore_mem>>)
    %mul3A_261 = arith.constant 16384 : i32
    %mul3A_262 = arith.muli %arg1, %mul3A_261 : i32
    %add3A_263 = arith.constant 2883584 : i32
    %add3A_264 = arith.addi %add3A_263, %mul3A_262 : i32
    %mul3A_265 = arith.constant 16384 : i32
    %mul3A_266 = arith.muli %arg1, %mul3A_265 : i32
    %add3A_267 = arith.constant 1311360 : i32
    %add3A_268 = arith.addi %add3A_267, %mul3A_266 : i32
    %dma_start3A_269 = tpu.memref_slice %arg8[%add3A_268] : memref<1573632xf32, #tpu.memory_space<vmem_shared>> -> memref<16384xf32, #tpu.memory_space<vmem_shared>>
    %dma_start3A_270 = tpu.memref_slice %arg2[%add3A_264] : memref<25165824xf32, #tpu.memory_space<hbm>> -> memref<16384xf32, #tpu.memory_space<hbm>>
    tpu.enqueue_dma source(%dma_start3A_270 : memref<16384xf32, #tpu.memory_space<hbm>>) target(%dma_start3A_269 : memref<16384xf32, #tpu.memory_space<vmem_shared>>) target_semaphore(%arg22 : memref<!tpu.dma_semaphore, #tpu.memory_space<semaphore_mem>>)
    %scan3A_271 = arith.constant 0 : i32
    %scan3A_272 = arith.constant 0 : i32
    %scan3A_273 = arith.constant 128 : i32
    %scan3A_274 = arith.addi %scan3A_272, %scan3A_273 : i32
    %scan3A_275 = arith.constant 1 : i32
    %scan3A_276 = scf.for %scan3A_429 = %scan3A_272 to %scan3A_274 step %scan3A_275 iter_args(%scan3A_430 = %scan3A_271) -> (i32)  : i32 {
      %mul3A_431 = arith.constant 16 : i32
      %mul3A_432 = arith.muli %scan3A_429, %mul3A_431 : i32
      %get3A_433 = arith.index_cast %mul3A_432 : i32 to index
      %get3A_434 = tpu.vector_load %arg11[%get3A_433] {strides = array<i32>} : memref<2048xf32, #tpu.memory_space<vmem>>, vector<16xf32>,
      %get3A_435 = vector.shape_cast %get3A_434 : vector<16xf32> to vector<16xf32>
      %get3A_436 = arith.index_cast %mul3A_432 : i32 to index
      %get3A_437 = tpu.vector_load %arg16[%get3A_436] {strides = array<i32>} : memref<6144xf32, #tpu.memory_space<vmem>>, vector<16xf32>,
      %get3A_438 = vector.shape_cast %get3A_437 : vector<16xf32> to vector<16xf32>
      %mul3A_439 = arith.mulf %get3A_438, %get3A_435 : vector<16xf32>
      %swap3A = arith.index_cast %mul3A_432 : i32 to index
      %swap3A_440 = tpu.vector_load %arg16[%swap3A] {strides = array<i32>} : memref<6144xf32, #tpu.memory_space<vmem>>, vector<16xf32>,
      %swap3A_441 = vector.shape_cast %swap3A_440 : vector<16xf32> to vector<16xf32>
      %swap3A_442 = vector.shape_cast %mul3A_439 : vector<16xf32> to vector<16xf32>
      tpu.vector_store %arg16[%swap3A], %swap3A_442 {strides = array<i32>} : memref<6144xf32, #tpu.memory_space<vmem>>, vector<16xf32>,
      %add3A_443 = arith.constant 2048 : i32
      %add3A_444 = arith.addi %mul3A_432, %add3A_443 : i32
      %get3A_445 = arith.index_cast %add3A_444 : i32 to index
      %get3A_446 = tpu.vector_load %arg16[%get3A_445] {strides = array<i32>} : memref<6144xf32, #tpu.memory_space<vmem>>, vector<16xf32>,
      %get3A_447 = vector.shape_cast %get3A_446 : vector<16xf32> to vector<16xf32>
      %mul3A_448 = arith.mulf %get3A_447, %get3A_435 : vector<16xf32>
      %add3A_449 = arith.constant 2048 : i32
      %add3A_450 = arith.addi %mul3A_432, %add3A_449 : i32
      %swap3A_451 = arith.index_cast %add3A_450 : i32 to index
      %swap3A_452 = tpu.vector_load %arg16[%swap3A_451] {strides = array<i32>} : memref<6144xf32, #tpu.memory_space<vmem>>, vector<16xf32>,
      %swap3A_453 = vector.shape_cast %swap3A_452 : vector<16xf32> to vector<16xf32>
      %swap3A_454 = vector.shape_cast %mul3A_448 : vector<16xf32> to vector<16xf32>
      tpu.vector_store %arg16[%swap3A_451], %swap3A_454 {strides = array<i32>} : memref<6144xf32, #tpu.memory_space<vmem>>, vector<16xf32>,
      %add3A_455 = arith.constant 4096 : i32
      %add3A_456 = arith.addi %mul3A_432, %add3A_455 : i32
      %get3A_457 = arith.index_cast %add3A_456 : i32 to index
      %get3A_458 = tpu.vector_load %arg16[%get3A_457] {strides = array<i32>} : memref<6144xf32, #tpu.memory_space<vmem>>, vector<16xf32>,
      %get3A_459 = vector.shape_cast %get3A_458 : vector<16xf32> to vector<16xf32>
      %mul3A_460 = arith.mulf %get3A_459, %get3A_435 : vector<16xf32>
      %add3A_461 = arith.constant 4096 : i32
      %add3A_462 = arith.addi %mul3A_432, %add3A_461 : i32
      %swap3A_463 = arith.index_cast %add3A_462 : i32 to index
      %swap3A_464 = tpu.vector_load %arg16[%swap3A_463] {strides = array<i32>} : memref<6144xf32, #tpu.memory_space<vmem>>, vector<16xf32>,
      %swap3A_465 = vector.shape_cast %swap3A_464 : vector<16xf32> to vector<16xf32>
      %swap3A_466 = vector.shape_cast %mul3A_460 : vector<16xf32> to vector<16xf32>
      tpu.vector_store %arg16[%swap3A_463], %swap3A_466 {strides = array<i32>} : memref<6144xf32, #tpu.memory_space<vmem>>, vector<16xf32>,
      %scan3A_467 = arith.constant 0 : i32
      scf.yield %scan3A_467 : i32
    }
    %scan3A_277 = arith.constant 128 : i32
    %add3A_278 = arith.constant 196608 : i32
    %add3A_279 = arith.addi %add3A_278, %mul3A_2 : i32
    %dma_start3A_280 = arith.constant 0 : i32
    %dma_start3A_281 = tpu.memref_slice %arg16[%dma_start3A_280] : memref<6144xf32, #tpu.memory_space<vmem>> -> memref<2048xf32, #tpu.memory_space<vmem>>
    %dma_start3A_282 = tpu.memref_slice %arg7[%add3A_279] : memref<6291456xf32, #tpu.memory_space<hbm>> -> memref<2048xf32, #tpu.memory_space<hbm>>
    %dma_start3A_283 = tpu.memref_slice %arg7[%add3A_279] : memref<6291456xf32, #tpu.memory_space<hbm>> -> memref<2048xf32, #tpu.memory_space<hbm>>
    %dma_start3A_284 = arith.constant 0 : i32
    %dma_start3A_285 = tpu.memref_slice %arg16[%dma_start3A_284] : memref<6144xf32, #tpu.memory_space<vmem>> -> memref<2048xf32, #tpu.memory_space<vmem>>
    tpu.enqueue_dma source(%dma_start3A_285 : memref<2048xf32, #tpu.memory_space<vmem>>) target(%dma_start3A_283 : memref<2048xf32, #tpu.memory_space<hbm>>) target_semaphore(%arg20 : memref<!tpu.dma_semaphore, #tpu.memory_space<semaphore_mem>>)
    %add3A_286 = arith.constant 65536 : i32
    %add3A_287 = arith.addi %add3A_279, %add3A_286 : i32
    %dma_start3A_288 = arith.constant 2048 : i32
    %dma_start3A_289 = tpu.memref_slice %arg16[%dma_start3A_288] : memref<6144xf32, #tpu.memory_space<vmem>> -> memref<2048xf32, #tpu.memory_space<vmem>>
    %dma_start3A_290 = tpu.memref_slice %arg7[%add3A_287] : memref<6291456xf32, #tpu.memory_space<hbm>> -> memref<2048xf32, #tpu.memory_space<hbm>>
    %dma_start3A_291 = tpu.memref_slice %arg7[%add3A_287] : memref<6291456xf32, #tpu.memory_space<hbm>> -> memref<2048xf32, #tpu.memory_space<hbm>>
    %dma_start3A_292 = arith.constant 2048 : i32
    %dma_start3A_293 = tpu.memref_slice %arg16[%dma_start3A_292] : memref<6144xf32, #tpu.memory_space<vmem>> -> memref<2048xf32, #tpu.memory_space<vmem>>
    tpu.enqueue_dma source(%dma_start3A_293 : memref<2048xf32, #tpu.memory_space<vmem>>) target(%dma_start3A_291 : memref<2048xf32, #tpu.memory_space<hbm>>) target_semaphore(%arg20 : memref<!tpu.dma_semaphore, #tpu.memory_space<semaphore_mem>>)
    %add3A_294 = arith.constant 131072 : i32
    %add3A_295 = arith.addi %add3A_279, %add3A_294 : i32
    %dma_start3A_296 = arith.constant 4096 : i32
    %dma_start3A_297 = tpu.memref_slice %arg16[%dma_start3A_296] : memref<6144xf32, #tpu.memory_space<vmem>> -> memref<2048xf32, #tpu.memory_space<vmem>>
    %dma_start3A_298 = tpu.memref_slice %arg7[%add3A_295] : memref<6291456xf32, #tpu.memory_space<hbm>> -> memref<2048xf32, #tpu.memory_space<hbm>>
    %dma_start3A_299 = tpu.memref_slice %arg7[%add3A_295] : memref<6291456xf32, #tpu.memory_space<hbm>> -> memref<2048xf32, #tpu.memory_space<hbm>>
    %dma_start3A_300 = arith.constant 4096 : i32
    %dma_start3A_301 = tpu.memref_slice %arg16[%dma_start3A_300] : memref<6144xf32, #tpu.memory_space<vmem>> -> memref<2048xf32, #tpu.memory_space<vmem>>
    tpu.enqueue_dma source(%dma_start3A_301 : memref<2048xf32, #tpu.memory_space<vmem>>) target(%dma_start3A_299 : memref<2048xf32, #tpu.memory_space<hbm>>) target_semaphore(%arg20 : memref<!tpu.dma_semaphore, #tpu.memory_space<semaphore_mem>>)
    %get3A_302 = arith.constant 96 : index
    %get3A_303 = tpu.vector_load %arg12[%get3A_302] {strides = array<i32>} : memref<1024xf32, #tpu.memory_space<vmem>>, vector<16xf32>,
    %get3A_304 = vector.shape_cast %get3A_303 : vector<16xf32> to vector<16xf32>
    %get3A_305 = arith.constant 112 : index
    %get3A_306 = tpu.vector_load %arg12[%get3A_305] {strides = array<i32>} : memref<1024xf32, #tpu.memory_space<vmem>>, vector<16xf32>,
    %get3A_307 = vector.shape_cast %get3A_306 : vector<16xf32> to vector<16xf32>
    %scan3A_308 = arith.constant 0 : i32
    %scan3A_309 = arith.constant 0 : i32
    %scan3A_310 = arith.constant 128 : i32
    %scan3A_311 = arith.addi %scan3A_309, %scan3A_310 : i32
    %scan3A_312 = arith.constant 1 : i32
    %scan3A_313 = scf.for %scan3A_429 = %scan3A_309 to %scan3A_311 step %scan3A_312 iter_args(%scan3A_430 = %scan3A_308) -> (i32)  : i32 {
      %mul3A_431 = arith.constant 16 : i32
      %mul3A_432 = arith.muli %scan3A_429, %mul3A_431 : i32
      %get3A_433 = arith.index_cast %mul3A_432 : i32 to index
      %get3A_434 = tpu.vector_load %arg9[%get3A_433] {strides = array<i32>} : memref<2048xf32, #tpu.memory_space<vmem>>, vector<16xf32>,
      %get3A_435 = vector.shape_cast %get3A_434 : vector<16xf32> to vector<16xf32>
      %get3A_436 = arith.index_cast %mul3A_432 : i32 to index
      %get3A_437 = tpu.vector_load %arg10[%get3A_436] {strides = array<i32>} : memref<2048xf32, #tpu.memory_space<vmem>>, vector<16xf32>,
      %get3A_438 = vector.shape_cast %get3A_437 : vector<16xf32> to vector<16xf32>
      %add3A_439 = arith.addf %get3A_304, %get3A_435 : vector<16xf32>
      %max3A = arith.constant 5.000000e-01 : f32
      %max3A_440 = vector.broadcast %max3A : f32 to vector<16xf32>
      %max3A_441 = arith.maximumf %add3A_439, %max3A_440 : vector<16xf32>
      %add3A_442 = arith.constant 5.110000e+02 : f32
      %add3A_443 = arith.constant 5.000000e-01 : f32
      %add3A_444 = arith.addf %add3A_442, %add3A_443 : f32
      %min3A = vector.broadcast %add3A_444 : f32 to vector<16xf32>
      %min3A_445 = arith.minimumf %max3A_441, %min3A : vector<16xf32>
      %add3A_446 = arith.addf %get3A_307, %get3A_438 : vector<16xf32>
      %max3A_447 = arith.constant 5.000000e-01 : f32
      %max3A_448 = vector.broadcast %max3A_447 : f32 to vector<16xf32>
      %max3A_449 = arith.maximumf %add3A_446, %max3A_448 : vector<16xf32>
      %add3A_450 = arith.constant 5.110000e+02 : f32
      %add3A_451 = arith.constant 5.000000e-01 : f32
      %add3A_452 = arith.addf %add3A_450, %add3A_451 : f32
      %min3A_453 = vector.broadcast %add3A_452 : f32 to vector<16xf32>
      %min3A_454 = arith.minimumf %max3A_449, %min3A_453 : vector<16xf32>
      %convert_element_type3A = arith.fptosi %min3A_445 : vector<16xf32> to vector<16xi32>
      %convert_element_type3A_455 = arith.fptosi %min3A_454 : vector<16xf32> to vector<16xi32>
      %convert_element_type3A_456 = arith.sitofp %convert_element_type3A : vector<16xi32> to vector<16xf32>
      %eq3A = arith.cmpf oeq, %convert_element_type3A_456, %min3A_445 : vector<16xf32>
      %and3A = arith.constant 1 : i32
      %and3A_457 = vector.broadcast %and3A : i32 to vector<16xi32>
      %and3A_458 = arith.andi %convert_element_type3A, %and3A_457 : vector<16xi32>
      %jit3A = arith.constant 0 : i32
      %broadcast_in_dim3A = vector.broadcast %jit3A : i32 to vector<16xi32>
      %select_n3A = arith.select %eq3A, %and3A_458, %broadcast_in_dim3A : vector<16xi1>, vector<16xi32>
      %sub3A = arith.subi %convert_element_type3A, %select_n3A : vector<16xi32>
      %convert_element_type3A_459 = arith.sitofp %convert_element_type3A_455 : vector<16xi32> to vector<16xf32>
      %eq3A_460 = arith.cmpf oeq, %convert_element_type3A_459, %min3A_454 : vector<16xf32>
      %and3A_461 = arith.constant 1 : i32
      %and3A_462 = vector.broadcast %and3A_461 : i32 to vector<16xi32>
      %and3A_463 = arith.andi %convert_element_type3A_455, %and3A_462 : vector<16xi32>
      %jit3A_464 = arith.constant 0 : i32
      %broadcast_in_dim3A_465 = vector.broadcast %jit3A_464 : i32 to vector<16xi32>
      %select_n3A_466 = arith.select %eq3A_460, %and3A_463, %broadcast_in_dim3A_465 : vector<16xi1>, vector<16xi32>
      %sub3A_467 = arith.subi %convert_element_type3A_455, %select_n3A_466 : vector<16xi32>
      %mul3A_468 = arith.constant 512 : i32
      %mul3A_469 = vector.broadcast %mul3A_468 : i32 to vector<16xi32>
      %mul3A_470 = arith.muli %sub3A, %mul3A_469 : vector<16xi32>
      %add3A_471 = arith.addi %mul3A_470, %sub3A_467 : vector<16xi32>
      %add3A_472 = arith.constant 786816 : i32
      %add3A_473 = vector.broadcast %add3A_472 : i32 to vector<16xi32>
      %add3A_474 = arith.addi %add3A_471, %add3A_473 : vector<16xi32>
      %swap3A = arith.index_cast %mul3A_432 : i32 to index
      %swap3A_475 = tpu.vector_load %arg14[%swap3A] {strides = array<i32>} : memref<2048xi32, #tpu.memory_space<vmem>>, vector<16xi32>,
      %swap3A_476 = vector.shape_cast %swap3A_475 : vector<16xi32> to vector<16xi32>
      %swap3A_477 = vector.shape_cast %add3A_474 : vector<16xi32> to vector<16xi32>
      tpu.vector_store %arg14[%swap3A], %swap3A_477 {strides = array<i32>} : memref<2048xi32, #tpu.memory_space<vmem>>, vector<16xi32>,
      %scan3A_478 = arith.constant 0 : i32
      scf.yield %scan3A_478 : i32
    }
    %scan3A_314 = arith.constant 128 : i32
    %scan3A_315 = arith.constant 0 : i32
    %scan3A_316 = arith.constant 1 : i32
    %scan3A_317 = arith.constant 14 : i32
    %scan3A_318 = arith.addi %scan3A_316, %scan3A_317 : i32
    %scan3A_319 = arith.constant 1 : i32
    %scan3A_320 = scf.for %scan3A_429 = %scan3A_316 to %scan3A_318 step %scan3A_319 iter_args(%scan3A_430 = %scan3A_315) -> (i32)  : i32 {
      %mul3A_431 = arith.constant 2 : i32
      %mul3A_432 = arith.muli %mul3A_431, %scan3A_429 : i32
      %dma_wait3A_433 = arith.constant 0 : i32
      %dma_wait3A_434 = tpu.memref_slice %arg7[%dma_wait3A_433] : memref<6291456xf32, #tpu.memory_space<hbm>> -> memref<6144xf32, #tpu.memory_space<hbm>>
      %dma_wait3A_435 = arith.constant 0 : i32
      %dma_wait3A_436 = tpu.memref_slice %arg7[%dma_wait3A_435] : memref<6291456xf32, #tpu.memory_space<hbm>> -> memref<6144xf32, #tpu.memory_space<hbm>>
      tpu.wait_dma2 semaphore(%arg20 : memref<!tpu.dma_semaphore, #tpu.memory_space<semaphore_mem>>) src(%arg16 : memref<6144xf32, #tpu.memory_space<vmem>>) dst(%dma_wait3A_436 : memref<6144xf32, #tpu.memory_space<hbm>>)
      %dma_wait3A_437 = arith.constant 0 : i32
      %dma_wait3A_438 = tpu.memref_slice %arg8[%dma_wait3A_437] : memref<1573632xf32, #tpu.memory_space<vmem_shared>> -> memref<49152xf32, #tpu.memory_space<vmem_shared>>
      %dma_wait3A_439 = arith.constant 0 : i32
      %dma_wait3A_440 = tpu.memref_slice %arg2[%dma_wait3A_439] : memref<25165824xf32, #tpu.memory_space<hbm>> -> memref<49152xf32, #tpu.memory_space<hbm>>
      tpu.wait_dma2 semaphore(%arg22 : memref<!tpu.dma_semaphore, #tpu.memory_space<semaphore_mem>>) src(%dma_wait3A_440 : memref<49152xf32, #tpu.memory_space<hbm>>) dst(%dma_wait3A_438 : memref<49152xf32, #tpu.memory_space<vmem_shared>>)
      %barrier3A_441 = arith.constant 0 : index
      tpu.barrier barrier_id(%barrier3A_441)
      %dma_start3A_442 = arith.constant 0 : i32
      %dma_start3A_443 = tpu.memref_slice %arg16[%dma_start3A_442] : memref<6144xf32, #tpu.memory_space<vmem>> -> memref<2048xf32, #tpu.memory_space<vmem>>
      %dma_start3A_444 = arith.constant 0 : i32
      %dma_start3A_445 = tpu.memref_slice %arg8[%dma_start3A_444] : memref<1573632xf32, #tpu.memory_space<vmem_shared>> -> memref<1049088xf32, #tpu.memory_space<vmem_shared>>
      %dma_start3A_446 = arith.constant 0 : i32
      %dma_start3A_447 = tpu.memref_slice %dma_start3A_445[%dma_start3A_446] : memref<1049088xf32, #tpu.memory_space<vmem_shared>> -> memref<1049088xf32, #tpu.memory_space<vmem_shared>>
      tpu.enqueue_indirect_dma source(%dma_start3A_447 : memref<1049088xf32, #tpu.memory_space<vmem_shared>>) target(%dma_start3A_443 : memref<2048xf32, #tpu.memory_space<vmem>>) offsets(%arg14 : memref<2048xi32, #tpu.memory_space<vmem>>) semaphore(%arg18 : memref<!tpu.dma_semaphore, #tpu.memory_space<semaphore_mem>>)
      %dma_start3A_448 = arith.constant 2048 : i32
      %dma_start3A_449 = tpu.memref_slice %arg16[%dma_start3A_448] : memref<6144xf32, #tpu.memory_space<vmem>> -> memref<2048xf32, #tpu.memory_space<vmem>>
      %dma_start3A_450 = arith.constant 262272 : i32
      %dma_start3A_451 = tpu.memref_slice %arg8[%dma_start3A_450] : memref<1573632xf32, #tpu.memory_space<vmem_shared>> -> memref<1049088xf32, #tpu.memory_space<vmem_shared>>
      %dma_start3A_452 = arith.constant 0 : i32
      %dma_start3A_453 = tpu.memref_slice %dma_start3A_451[%dma_start3A_452] : memref<1049088xf32, #tpu.memory_space<vmem_shared>> -> memref<1049088xf32, #tpu.memory_space<vmem_shared>>
      tpu.enqueue_indirect_dma source(%dma_start3A_453 : memref<1049088xf32, #tpu.memory_space<vmem_shared>>) target(%dma_start3A_449 : memref<2048xf32, #tpu.memory_space<vmem>>) offsets(%arg14 : memref<2048xi32, #tpu.memory_space<vmem>>) semaphore(%arg18 : memref<!tpu.dma_semaphore, #tpu.memory_space<semaphore_mem>>)
      %dma_start3A_454 = arith.constant 4096 : i32
      %dma_start3A_455 = tpu.memref_slice %arg16[%dma_start3A_454] : memref<6144xf32, #tpu.memory_space<vmem>> -> memref<2048xf32, #tpu.memory_space<vmem>>
      %dma_start3A_456 = arith.constant 524544 : i32
      %dma_start3A_457 = tpu.memref_slice %arg8[%dma_start3A_456] : memref<1573632xf32, #tpu.memory_space<vmem_shared>> -> memref<1049088xf32, #tpu.memory_space<vmem_shared>>
      %dma_start3A_458 = arith.constant 0 : i32
      %dma_start3A_459 = tpu.memref_slice %dma_start3A_457[%dma_start3A_458] : memref<1049088xf32, #tpu.memory_space<vmem_shared>> -> memref<1049088xf32, #tpu.memory_space<vmem_shared>>
      tpu.enqueue_indirect_dma source(%dma_start3A_459 : memref<1049088xf32, #tpu.memory_space<vmem_shared>>) target(%dma_start3A_455 : memref<2048xf32, #tpu.memory_space<vmem>>) offsets(%arg14 : memref<2048xi32, #tpu.memory_space<vmem>>) semaphore(%arg18 : memref<!tpu.dma_semaphore, #tpu.memory_space<semaphore_mem>>)
      %dma_wait3A_460 = arith.constant 0 : i32
      %dma_wait3A_461 = tpu.memref_slice %arg2[%dma_wait3A_460] : memref<25165824xf32, #tpu.memory_space<hbm>> -> memref<6144xf32, #tpu.memory_space<hbm>>
      %dma_wait3A_462 = arith.constant 0 : i32
      %dma_wait3A_463 = tpu.memref_slice %arg2[%dma_wait3A_462] : memref<25165824xf32, #tpu.memory_space<hbm>> -> memref<6144xf32, #tpu.memory_space<hbm>>
      tpu.wait_dma2 semaphore(%arg17 : memref<!tpu.dma_semaphore, #tpu.memory_space<semaphore_mem>>) src(%dma_wait3A_463 : memref<6144xf32, #tpu.memory_space<hbm>>) dst(%arg15 : memref<6144xf32, #tpu.memory_space<vmem>>)
      %barrier3A_464 = arith.constant 0 : index
      tpu.barrier barrier_id(%barrier3A_464)
      %add3A_465 = arith.constant 2 : i32
      %add3A_466 = arith.addi %mul3A_432, %add3A_465 : i32
      %mul3A_467 = arith.constant 786432 : i32
      %mul3A_468 = arith.muli %add3A_466, %mul3A_467 : i32
      %add3A_469 = arith.constant 0 : i32
      %add3A_470 = arith.addi %mul3A_468, %add3A_469 : i32
      %mul3A_471 = arith.constant 16384 : i32
      %mul3A_472 = arith.muli %arg1, %mul3A_471 : i32
      %add3A_473 = arith.addi %add3A_470, %mul3A_472 : i32
      %and3A = arith.constant 1 : i32
      %and3A_474 = arith.andi %add3A_466, %and3A : i32
      %mul3A_475 = arith.constant 786816 : i32
      %mul3A_476 = arith.muli %and3A_474, %mul3A_475 : i32
      %add3A_477 = arith.constant 0 : i32
      %add3A_478 = arith.addi %mul3A_476, %add3A_477 : i32
      %mul3A_479 = arith.constant 16384 : i32
      %mul3A_480 = arith.muli %arg1, %mul3A_479 : i32
      %add3A_481 = arith.addi %add3A_478, %mul3A_480 : i32
      %dma_start3A_482 = tpu.memref_slice %arg8[%add3A_481] : memref<1573632xf32, #tpu.memory_space<vmem_shared>> -> memref<16384xf32, #tpu.memory_space<vmem_shared>>
      %dma_start3A_483 = tpu.memref_slice %arg2[%add3A_473] : memref<25165824xf32, #tpu.memory_space<hbm>> -> memref<16384xf32, #tpu.memory_space<hbm>>
      tpu.enqueue_dma source(%dma_start3A_483 : memref<16384xf32, #tpu.memory_space<hbm>>) target(%dma_start3A_482 : memref<16384xf32, #tpu.memory_space<vmem_shared>>) target_semaphore(%arg21 : memref<!tpu.dma_semaphore, #tpu.memory_space<semaphore_mem>>)
      %mul3A_484 = arith.constant 786432 : i32
      %mul3A_485 = arith.muli %add3A_466, %mul3A_484 : i32
      %add3A_486 = arith.constant 262144 : i32
      %add3A_487 = arith.addi %mul3A_485, %add3A_486 : i32
      %mul3A_488 = arith.constant 16384 : i32
      %mul3A_489 = arith.muli %arg1, %mul3A_488 : i32
      %add3A_490 = arith.addi %add3A_487, %mul3A_489 : i32
      %and3A_491 = arith.constant 1 : i32
      %and3A_492 = arith.andi %add3A_466, %and3A_491 : i32
      %mul3A_493 = arith.constant 786816 : i32
      %mul3A_494 = arith.muli %and3A_492, %mul3A_493 : i32
      %add3A_495 = arith.constant 262272 : i32
      %add3A_496 = arith.addi %mul3A_494, %add3A_495 : i32
      %mul3A_497 = arith.constant 16384 : i32
      %mul3A_498 = arith.muli %arg1, %mul3A_497 : i32
      %add3A_499 = arith.addi %add3A_496, %mul3A_498 : i32
      %dma_start3A_500 = tpu.memref_slice %arg8[%add3A_499] : memref<1573632xf32, #tpu.memory_space<vmem_shared>> -> memref<16384xf32, #tpu.memory_space<vmem_shared>>
      %dma_start3A_501 = tpu.memref_slice %arg2[%add3A_490] : memref<25165824xf32, #tpu.memory_space<hbm>> -> memref<16384xf32, #tpu.memory_space<hbm>>
      tpu.enqueue_dma source(%dma_start3A_501 : memref<16384xf32, #tpu.memory_space<hbm>>) target(%dma_start3A_500 : memref<16384xf32, #tpu.memory_space<vmem_shared>>) target_semaphore(%arg21 : memref<!tpu.dma_semaphore, #tpu.memory_space<semaphore_mem>>)
      %mul3A_502 = arith.constant 786432 : i32
      %mul3A_503 = arith.muli %add3A_466, %mul3A_502 : i32
      %add3A_504 = arith.constant 524288 : i32
      %add3A_505 = arith.addi %mul3A_503, %add3A_504 : i32
      %mul3A_506 = arith.constant 16384 : i32
      %mul3A_507 = arith.muli %arg1, %mul3A_506 : i32
      %add3A_508 = arith.addi %add3A_505, %mul3A_507 : i32
      %and3A_509 = arith.constant 1 : i32
      %and3A_510 = arith.andi %add3A_466, %and3A_509 : i32
      %mul3A_511 = arith.constant 786816 : i32
      %mul3A_512 = arith.muli %and3A_510, %mul3A_511 : i32
      %add3A_513 = arith.constant 524544 : i32
      %add3A_514 = arith.addi %mul3A_512, %add3A_513 : i32
      %mul3A_515 = arith.constant 16384 : i32
      %mul3A_516 = arith.muli %arg1, %mul3A_515 : i32
      %add3A_517 = arith.addi %add3A_514, %mul3A_516 : i32
      %dma_start3A_518 = tpu.memref_slice %arg8[%add3A_517] : memref<1573632xf32, #tpu.memory_space<vmem_shared>> -> memref<16384xf32, #tpu.memory_space<vmem_shared>>
      %dma_start3A_519 = tpu.memref_slice %arg2[%add3A_508] : memref<25165824xf32, #tpu.memory_space<hbm>> -> memref<16384xf32, #tpu.memory_space<hbm>>
      tpu.enqueue_dma source(%dma_start3A_519 : memref<16384xf32, #tpu.memory_space<hbm>>) target(%dma_start3A_518 : memref<16384xf32, #tpu.memory_space<vmem_shared>>) target_semaphore(%arg21 : memref<!tpu.dma_semaphore, #tpu.memory_space<semaphore_mem>>)
      %scan3A_520 = arith.constant 0 : i32
      %scan3A_521 = arith.constant 0 : i32
      %scan3A_522 = arith.constant 128 : i32
      %scan3A_523 = arith.addi %scan3A_521, %scan3A_522 : i32
      %scan3A_524 = arith.constant 1 : i32
      %scan3A_525 = scf.for %scan3A_733 = %scan3A_521 to %scan3A_523 step %scan3A_524 iter_args(%scan3A_734 = %scan3A_520) -> (i32)  : i32 {
        %mul3A_735 = arith.constant 16 : i32
        %mul3A_736 = arith.muli %scan3A_733, %mul3A_735 : i32
        %get3A_737 = arith.index_cast %mul3A_736 : i32 to index
        %get3A_738 = tpu.vector_load %arg11[%get3A_737] {strides = array<i32>} : memref<2048xf32, #tpu.memory_space<vmem>>, vector<16xf32>,
        %get3A_739 = vector.shape_cast %get3A_738 : vector<16xf32> to vector<16xf32>
        %get3A_740 = arith.index_cast %mul3A_736 : i32 to index
        %get3A_741 = tpu.vector_load %arg15[%get3A_740] {strides = array<i32>} : memref<6144xf32, #tpu.memory_space<vmem>>, vector<16xf32>,
        %get3A_742 = vector.shape_cast %get3A_741 : vector<16xf32> to vector<16xf32>
        %mul3A_743 = arith.mulf %get3A_742, %get3A_739 : vector<16xf32>
        %swap3A = arith.index_cast %mul3A_736 : i32 to index
        %swap3A_744 = tpu.vector_load %arg15[%swap3A] {strides = array<i32>} : memref<6144xf32, #tpu.memory_space<vmem>>, vector<16xf32>,
        %swap3A_745 = vector.shape_cast %swap3A_744 : vector<16xf32> to vector<16xf32>
        %swap3A_746 = vector.shape_cast %mul3A_743 : vector<16xf32> to vector<16xf32>
        tpu.vector_store %arg15[%swap3A], %swap3A_746 {strides = array<i32>} : memref<6144xf32, #tpu.memory_space<vmem>>, vector<16xf32>,
        %add3A_747 = arith.constant 2048 : i32
        %add3A_748 = arith.addi %mul3A_736, %add3A_747 : i32
        %get3A_749 = arith.index_cast %add3A_748 : i32 to index
        %get3A_750 = tpu.vector_load %arg15[%get3A_749] {strides = array<i32>} : memref<6144xf32, #tpu.memory_space<vmem>>, vector<16xf32>,
        %get3A_751 = vector.shape_cast %get3A_750 : vector<16xf32> to vector<16xf32>
        %mul3A_752 = arith.mulf %get3A_751, %get3A_739 : vector<16xf32>
        %add3A_753 = arith.constant 2048 : i32
        %add3A_754 = arith.addi %mul3A_736, %add3A_753 : i32
        %swap3A_755 = arith.index_cast %add3A_754 : i32 to index
        %swap3A_756 = tpu.vector_load %arg15[%swap3A_755] {strides = array<i32>} : memref<6144xf32, #tpu.memory_space<vmem>>, vector<16xf32>,
        %swap3A_757 = vector.shape_cast %swap3A_756 : vector<16xf32> to vector<16xf32>
        %swap3A_758 = vector.shape_cast %mul3A_752 : vector<16xf32> to vector<16xf32>
        tpu.vector_store %arg15[%swap3A_755], %swap3A_758 {strides = array<i32>} : memref<6144xf32, #tpu.memory_space<vmem>>, vector<16xf32>,
        %add3A_759 = arith.constant 4096 : i32
        %add3A_760 = arith.addi %mul3A_736, %add3A_759 : i32
        %get3A_761 = arith.index_cast %add3A_760 : i32 to index
        %get3A_762 = tpu.vector_load %arg15[%get3A_761] {strides = array<i32>} : memref<6144xf32, #tpu.memory_space<vmem>>, vector<16xf32>,
        %get3A_763 = vector.shape_cast %get3A_762 : vector<16xf32> to vector<16xf32>
        %mul3A_764 = arith.mulf %get3A_763, %get3A_739 : vector<16xf32>
        %add3A_765 = arith.constant 4096 : i32
        %add3A_766 = arith.addi %mul3A_736, %add3A_765 : i32
        %swap3A_767 = arith.index_cast %add3A_766 : i32 to index
        %swap3A_768 = tpu.vector_load %arg15[%swap3A_767] {strides = array<i32>} : memref<6144xf32, #tpu.memory_space<vmem>>, vector<16xf32>,
        %swap3A_769 = vector.shape_cast %swap3A_768 : vector<16xf32> to vector<16xf32>
        %swap3A_770 = vector.shape_cast %mul3A_764 : vector<16xf32> to vector<16xf32>
        tpu.vector_store %arg15[%swap3A_767], %swap3A_770 {strides = array<i32>} : memref<6144xf32, #tpu.memory_space<vmem>>, vector<16xf32>,
        %scan3A_771 = arith.constant 0 : i32
        scf.yield %scan3A_771 : i32
      }
      %scan3A_526 = arith.constant 128 : i32
      %mul3A_527 = arith.constant 196608 : i32
      %mul3A_528 = arith.muli %mul3A_432, %mul3A_527 : i32
      %add3A_529 = arith.addi %mul3A_528, %mul3A_2 : i32
      %dma_start3A_530 = arith.constant 0 : i32
      %dma_start3A_531 = tpu.memref_slice %arg15[%dma_start3A_530] : memref<6144xf32, #tpu.memory_space<vmem>> -> memref<2048xf32, #tpu.memory_space<vmem>>
      %dma_start3A_532 = tpu.memref_slice %arg7[%add3A_529] : memref<6291456xf32, #tpu.memory_space<hbm>> -> memref<2048xf32, #tpu.memory_space<hbm>>
      %dma_start3A_533 = tpu.memref_slice %arg7[%add3A_529] : memref<6291456xf32, #tpu.memory_space<hbm>> -> memref<2048xf32, #tpu.memory_space<hbm>>
      %dma_start3A_534 = arith.constant 0 : i32
      %dma_start3A_535 = tpu.memref_slice %arg15[%dma_start3A_534] : memref<6144xf32, #tpu.memory_space<vmem>> -> memref<2048xf32, #tpu.memory_space<vmem>>
      tpu.enqueue_dma source(%dma_start3A_535 : memref<2048xf32, #tpu.memory_space<vmem>>) target(%dma_start3A_533 : memref<2048xf32, #tpu.memory_space<hbm>>) target_semaphore(%arg19 : memref<!tpu.dma_semaphore, #tpu.memory_space<semaphore_mem>>)
      %add3A_536 = arith.constant 65536 : i32
      %add3A_537 = arith.addi %add3A_529, %add3A_536 : i32
      %dma_start3A_538 = arith.constant 2048 : i32
      %dma_start3A_539 = tpu.memref_slice %arg15[%dma_start3A_538] : memref<6144xf32, #tpu.memory_space<vmem>> -> memref<2048xf32, #tpu.memory_space<vmem>>
      %dma_start3A_540 = tpu.memref_slice %arg7[%add3A_537] : memref<6291456xf32, #tpu.memory_space<hbm>> -> memref<2048xf32, #tpu.memory_space<hbm>>
      %dma_start3A_541 = tpu.memref_slice %arg7[%add3A_537] : memref<6291456xf32, #tpu.memory_space<hbm>> -> memref<2048xf32, #tpu.memory_space<hbm>>
      %dma_start3A_542 = arith.constant 2048 : i32
      %dma_start3A_543 = tpu.memref_slice %arg15[%dma_start3A_542] : memref<6144xf32, #tpu.memory_space<vmem>> -> memref<2048xf32, #tpu.memory_space<vmem>>
      tpu.enqueue_dma source(%dma_start3A_543 : memref<2048xf32, #tpu.memory_space<vmem>>) target(%dma_start3A_541 : memref<2048xf32, #tpu.memory_space<hbm>>) target_semaphore(%arg19 : memref<!tpu.dma_semaphore, #tpu.memory_space<semaphore_mem>>)
      %add3A_544 = arith.constant 131072 : i32
      %add3A_545 = arith.addi %add3A_529, %add3A_544 : i32
      %dma_start3A_546 = arith.constant 4096 : i32
      %dma_start3A_547 = tpu.memref_slice %arg15[%dma_start3A_546] : memref<6144xf32, #tpu.memory_space<vmem>> -> memref<2048xf32, #tpu.memory_space<vmem>>
      %dma_start3A_548 = tpu.memref_slice %arg7[%add3A_545] : memref<6291456xf32, #tpu.memory_space<hbm>> -> memref<2048xf32, #tpu.memory_space<hbm>>
      %dma_start3A_549 = tpu.memref_slice %arg7[%add3A_545] : memref<6291456xf32, #tpu.memory_space<hbm>> -> memref<2048xf32, #tpu.memory_space<hbm>>
      %dma_start3A_550 = arith.constant 4096 : i32
      %dma_start3A_551 = tpu.memref_slice %arg15[%dma_start3A_550] : memref<6144xf32, #tpu.memory_space<vmem>> -> memref<2048xf32, #tpu.memory_space<vmem>>
      tpu.enqueue_dma source(%dma_start3A_551 : memref<2048xf32, #tpu.memory_space<vmem>>) target(%dma_start3A_549 : memref<2048xf32, #tpu.memory_space<hbm>>) target_semaphore(%arg19 : memref<!tpu.dma_semaphore, #tpu.memory_space<semaphore_mem>>)
      %add3A_552 = arith.constant 2 : i32
      %add3A_553 = arith.addi %mul3A_432, %add3A_552 : i32
      %mul3A_554 = arith.constant 2 : i32
      %mul3A_555 = arith.muli %mul3A_554, %add3A_553 : i32
      %mul3A_556 = arith.constant 16 : i32
      %mul3A_557 = arith.muli %mul3A_555, %mul3A_556 : i32
      %get3A_558 = arith.index_cast %mul3A_557 : i32 to index
      %get3A_559 = tpu.vector_load %arg12[%get3A_558] {strides = array<i32>} : memref<1024xf32, #tpu.memory_space<vmem>>, vector<16xf32>,
      %get3A_560 = vector.shape_cast %get3A_559 : vector<16xf32> to vector<16xf32>
      %mul3A_561 = arith.constant 2 : i32
      %mul3A_562 = arith.muli %mul3A_561, %add3A_553 : i32
      %add3A_563 = arith.constant 1 : i32
      %add3A_564 = arith.addi %mul3A_562, %add3A_563 : i32
      %mul3A_565 = arith.constant 16 : i32
      %mul3A_566 = arith.muli %add3A_564, %mul3A_565 : i32
      %get3A_567 = arith.index_cast %mul3A_566 : i32 to index
      %get3A_568 = tpu.vector_load %arg12[%get3A_567] {strides = array<i32>} : memref<1024xf32, #tpu.memory_space<vmem>>, vector<16xf32>,
      %get3A_569 = vector.shape_cast %get3A_568 : vector<16xf32> to vector<16xf32>
      %and3A_570 = arith.constant 1 : i32
      %and3A_571 = arith.andi %add3A_553, %and3A_570 : i32
      %mul3A_572 = arith.constant 786816 : i32
      %mul3A_573 = arith.muli %and3A_571, %mul3A_572 : i32
      %scan3A_574 = arith.constant 0 : i32
      %scan3A_575 = arith.constant 0 : i32
      %scan3A_576 = arith.constant 128 : i32
      %scan3A_577 = arith.addi %scan3A_575, %scan3A_576 : i32
      %scan3A_578 = arith.constant 1 : i32
      %scan3A_579 = scf.for %scan3A_733 = %scan3A_575 to %scan3A_577 step %scan3A_578 iter_args(%scan3A_734 = %scan3A_574) -> (i32)  : i32 {
        %mul3A_735 = arith.constant 16 : i32
        %mul3A_736 = arith.muli %scan3A_733, %mul3A_735 : i32
        %get3A_737 = arith.index_cast %mul3A_736 : i32 to index
        %get3A_738 = tpu.vector_load %arg9[%get3A_737] {strides = array<i32>} : memref<2048xf32, #tpu.memory_space<vmem>>, vector<16xf32>,
        %get3A_739 = vector.shape_cast %get3A_738 : vector<16xf32> to vector<16xf32>
        %get3A_740 = arith.index_cast %mul3A_736 : i32 to index
        %get3A_741 = tpu.vector_load %arg10[%get3A_740] {strides = array<i32>} : memref<2048xf32, #tpu.memory_space<vmem>>, vector<16xf32>,
        %get3A_742 = vector.shape_cast %get3A_741 : vector<16xf32> to vector<16xf32>
        %add3A_743 = arith.addf %get3A_560, %get3A_739 : vector<16xf32>
        %max3A = arith.constant 5.000000e-01 : f32
        %max3A_744 = vector.broadcast %max3A : f32 to vector<16xf32>
        %max3A_745 = arith.maximumf %add3A_743, %max3A_744 : vector<16xf32>
        %add3A_746 = arith.constant 5.110000e+02 : f32
        %add3A_747 = arith.constant 5.000000e-01 : f32
        %add3A_748 = arith.addf %add3A_746, %add3A_747 : f32
        %min3A = vector.broadcast %add3A_748 : f32 to vector<16xf32>
        %min3A_749 = arith.minimumf %max3A_745, %min3A : vector<16xf32>
        %add3A_750 = arith.addf %get3A_569, %get3A_742 : vector<16xf32>
        %max3A_751 = arith.constant 5.000000e-01 : f32
        %max3A_752 = vector.broadcast %max3A_751 : f32 to vector<16xf32>
        %max3A_753 = arith.maximumf %add3A_750, %max3A_752 : vector<16xf32>
        %add3A_754 = arith.constant 5.110000e+02 : f32
        %add3A_755 = arith.constant 5.000000e-01 : f32
        %add3A_756 = arith.addf %add3A_754, %add3A_755 : f32
        %min3A_757 = vector.broadcast %add3A_756 : f32 to vector<16xf32>
        %min3A_758 = arith.minimumf %max3A_753, %min3A_757 : vector<16xf32>
        %convert_element_type3A = arith.fptosi %min3A_749 : vector<16xf32> to vector<16xi32>
        %convert_element_type3A_759 = arith.fptosi %min3A_758 : vector<16xf32> to vector<16xi32>
        %convert_element_type3A_760 = arith.sitofp %convert_element_type3A : vector<16xi32> to vector<16xf32>
        %eq3A = arith.cmpf oeq, %convert_element_type3A_760, %min3A_749 : vector<16xf32>
        %and3A_761 = arith.constant 1 : i32
        %and3A_762 = vector.broadcast %and3A_761 : i32 to vector<16xi32>
        %and3A_763 = arith.andi %convert_element_type3A, %and3A_762 : vector<16xi32>
        %jit3A = arith.constant 0 : i32
        %broadcast_in_dim3A = vector.broadcast %jit3A : i32 to vector<16xi32>
        %select_n3A = arith.select %eq3A, %and3A_763, %broadcast_in_dim3A : vector<16xi1>, vector<16xi32>
        %sub3A = arith.subi %convert_element_type3A, %select_n3A : vector<16xi32>
        %convert_element_type3A_764 = arith.sitofp %convert_element_type3A_759 : vector<16xi32> to vector<16xf32>
        %eq3A_765 = arith.cmpf oeq, %convert_element_type3A_764, %min3A_758 : vector<16xf32>
        %and3A_766 = arith.constant 1 : i32
        %and3A_767 = vector.broadcast %and3A_766 : i32 to vector<16xi32>
        %and3A_768 = arith.andi %convert_element_type3A_759, %and3A_767 : vector<16xi32>
        %jit3A_769 = arith.constant 0 : i32
        %broadcast_in_dim3A_770 = vector.broadcast %jit3A_769 : i32 to vector<16xi32>
        %select_n3A_771 = arith.select %eq3A_765, %and3A_768, %broadcast_in_dim3A_770 : vector<16xi1>, vector<16xi32>
        %sub3A_772 = arith.subi %convert_element_type3A_759, %select_n3A_771 : vector<16xi32>
        %mul3A_773 = arith.constant 512 : i32
        %mul3A_774 = vector.broadcast %mul3A_773 : i32 to vector<16xi32>
        %mul3A_775 = arith.muli %sub3A, %mul3A_774 : vector<16xi32>
        %add3A_776 = arith.addi %mul3A_775, %sub3A_772 : vector<16xi32>
        %add3A_777 = vector.broadcast %mul3A_573 : i32 to vector<16xi32>
        %add3A_778 = arith.addi %add3A_776, %add3A_777 : vector<16xi32>
        %swap3A = arith.index_cast %mul3A_736 : i32 to index
        %swap3A_779 = tpu.vector_load %arg13[%swap3A] {strides = array<i32>} : memref<2048xi32, #tpu.memory_space<vmem>>, vector<16xi32>,
        %swap3A_780 = vector.shape_cast %swap3A_779 : vector<16xi32> to vector<16xi32>
        %swap3A_781 = vector.shape_cast %add3A_778 : vector<16xi32> to vector<16xi32>
        tpu.vector_store %arg13[%swap3A], %swap3A_781 {strides = array<i32>} : memref<2048xi32, #tpu.memory_space<vmem>>, vector<16xi32>,
        %scan3A_782 = arith.constant 0 : i32
        scf.yield %scan3A_782 : i32
      }
      %scan3A_580 = arith.constant 128 : i32
      %add3A_581 = arith.constant 1 : i32
      %add3A_582 = arith.addi %mul3A_432, %add3A_581 : i32
      %dma_wait3A_583 = arith.constant 0 : i32
      %dma_wait3A_584 = tpu.memref_slice %arg7[%dma_wait3A_583] : memref<6291456xf32, #tpu.memory_space<hbm>> -> memref<6144xf32, #tpu.memory_space<hbm>>
      %dma_wait3A_585 = arith.constant 0 : i32
      %dma_wait3A_586 = tpu.memref_slice %arg7[%dma_wait3A_585] : memref<6291456xf32, #tpu.memory_space<hbm>> -> memref<6144xf32, #tpu.memory_space<hbm>>
      tpu.wait_dma2 semaphore(%arg19 : memref<!tpu.dma_semaphore, #tpu.memory_space<semaphore_mem>>) src(%arg15 : memref<6144xf32, #tpu.memory_space<vmem>>) dst(%dma_wait3A_586 : memref<6144xf32, #tpu.memory_space<hbm>>)
      %dma_wait3A_587 = arith.constant 0 : i32
      %dma_wait3A_588 = tpu.memref_slice %arg8[%dma_wait3A_587] : memref<1573632xf32, #tpu.memory_space<vmem_shared>> -> memref<49152xf32, #tpu.memory_space<vmem_shared>>
      %dma_wait3A_589 = arith.constant 0 : i32
      %dma_wait3A_590 = tpu.memref_slice %arg2[%dma_wait3A_589] : memref<25165824xf32, #tpu.memory_space<hbm>> -> memref<49152xf32, #tpu.memory_space<hbm>>
      tpu.wait_dma2 semaphore(%arg21 : memref<!tpu.dma_semaphore, #tpu.memory_space<semaphore_mem>>) src(%dma_wait3A_590 : memref<49152xf32, #tpu.memory_space<hbm>>) dst(%dma_wait3A_588 : memref<49152xf32, #tpu.memory_space<vmem_shared>>)
      %barrier3A_591 = arith.constant 0 : index
      tpu.barrier barrier_id(%barrier3A_591)
      %dma_start3A_592 = arith.constant 0 : i32
      %dma_start3A_593 = tpu.memref_slice %arg15[%dma_start3A_592] : memref<6144xf32, #tpu.memory_space<vmem>> -> memref<2048xf32, #tpu.memory_space<vmem>>
      %dma_start3A_594 = arith.constant 0 : i32
      %dma_start3A_595 = tpu.memref_slice %arg8[%dma_start3A_594] : memref<1573632xf32, #tpu.memory_space<vmem_shared>> -> memref<1049088xf32, #tpu.memory_space<vmem_shared>>
      %dma_start3A_596 = arith.constant 0 : i32
      %dma_start3A_597 = tpu.memref_slice %dma_start3A_595[%dma_start3A_596] : memref<1049088xf32, #tpu.memory_space<vmem_shared>> -> memref<1049088xf32, #tpu.memory_space<vmem_shared>>
      tpu.enqueue_indirect_dma source(%dma_start3A_597 : memref<1049088xf32, #tpu.memory_space<vmem_shared>>) target(%dma_start3A_593 : memref<2048xf32, #tpu.memory_space<vmem>>) offsets(%arg13 : memref<2048xi32, #tpu.memory_space<vmem>>) semaphore(%arg17 : memref<!tpu.dma_semaphore, #tpu.memory_space<semaphore_mem>>)
      %dma_start3A_598 = arith.constant 2048 : i32
      %dma_start3A_599 = tpu.memref_slice %arg15[%dma_start3A_598] : memref<6144xf32, #tpu.memory_space<vmem>> -> memref<2048xf32, #tpu.memory_space<vmem>>
      %dma_start3A_600 = arith.constant 262272 : i32
      %dma_start3A_601 = tpu.memref_slice %arg8[%dma_start3A_600] : memref<1573632xf32, #tpu.memory_space<vmem_shared>> -> memref<1049088xf32, #tpu.memory_space<vmem_shared>>
      %dma_start3A_602 = arith.constant 0 : i32
      %dma_start3A_603 = tpu.memref_slice %dma_start3A_601[%dma_start3A_602] : memref<1049088xf32, #tpu.memory_space<vmem_shared>> -> memref<1049088xf32, #tpu.memory_space<vmem_shared>>
      tpu.enqueue_indirect_dma source(%dma_start3A_603 : memref<1049088xf32, #tpu.memory_space<vmem_shared>>) target(%dma_start3A_599 : memref<2048xf32, #tpu.memory_space<vmem>>) offsets(%arg13 : memref<2048xi32, #tpu.memory_space<vmem>>) semaphore(%arg17 : memref<!tpu.dma_semaphore, #tpu.memory_space<semaphore_mem>>)
      %dma_start3A_604 = arith.constant 4096 : i32
      %dma_start3A_605 = tpu.memref_slice %arg15[%dma_start3A_604] : memref<6144xf32, #tpu.memory_space<vmem>> -> memref<2048xf32, #tpu.memory_space<vmem>>
      %dma_start3A_606 = arith.constant 524544 : i32
      %dma_start3A_607 = tpu.memref_slice %arg8[%dma_start3A_606] : memref<1573632xf32, #tpu.memory_space<vmem_shared>> -> memref<1049088xf32, #tpu.memory_space<vmem_shared>>
      %dma_start3A_608 = arith.constant 0 : i32
      %dma_start3A_609 = tpu.memref_slice %dma_start3A_607[%dma_start3A_608] : memref<1049088xf32, #tpu.memory_space<vmem_shared>> -> memref<1049088xf32, #tpu.memory_space<vmem_shared>>
      tpu.enqueue_indirect_dma source(%dma_start3A_609 : memref<1049088xf32, #tpu.memory_space<vmem_shared>>) target(%dma_start3A_605 : memref<2048xf32, #tpu.memory_space<vmem>>) offsets(%arg13 : memref<2048xi32, #tpu.memory_space<vmem>>) semaphore(%arg17 : memref<!tpu.dma_semaphore, #tpu.memory_space<semaphore_mem>>)
      %dma_wait3A_610 = arith.constant 0 : i32
      %dma_wait3A_611 = tpu.memref_slice %arg2[%dma_wait3A_610] : memref<25165824xf32, #tpu.memory_space<hbm>> -> memref<6144xf32, #tpu.memory_space<hbm>>
      %dma_wait3A_612 = arith.constant 0 : i32
      %dma_wait3A_613 = tpu.memref_slice %arg2[%dma_wait3A_612] : memref<25165824xf32, #tpu.memory_space<hbm>> -> memref<6144xf32, #tpu.memory_space<hbm>>
      tpu.wait_dma2 semaphore(%arg18 : memref<!tpu.dma_semaphore, #tpu.memory_space<semaphore_mem>>) src(%dma_wait3A_613 : memref<6144xf32, #tpu.memory_space<hbm>>) dst(%arg16 : memref<6144xf32, #tpu.memory_space<vmem>>)
      %barrier3A_614 = arith.constant 0 : index
      tpu.barrier barrier_id(%barrier3A_614)
      %add3A_615 = arith.constant 2 : i32
      %add3A_616 = arith.addi %add3A_582, %add3A_615 : i32
      %mul3A_617 = arith.constant 786432 : i32
      %mul3A_618 = arith.muli %add3A_616, %mul3A_617 : i32
      %add3A_619 = arith.constant 0 : i32
      %add3A_620 = arith.addi %mul3A_618, %add3A_619 : i32
      %mul3A_621 = arith.constant 16384 : i32
      %mul3A_622 = arith.muli %arg1, %mul3A_621 : i32
      %add3A_623 = arith.addi %add3A_620, %mul3A_622 : i32
      %and3A_624 = arith.constant 1 : i32
      %and3A_625 = arith.andi %add3A_616, %and3A_624 : i32
      %mul3A_626 = arith.constant 786816 : i32
      %mul3A_627 = arith.muli %and3A_625, %mul3A_626 : i32
      %add3A_628 = arith.constant 0 : i32
      %add3A_629 = arith.addi %mul3A_627, %add3A_628 : i32
      %mul3A_630 = arith.constant 16384 : i32
      %mul3A_631 = arith.muli %arg1, %mul3A_630 : i32
      %add3A_632 = arith.addi %add3A_629, %mul3A_631 : i32
      %dma_start3A_633 = tpu.memref_slice %arg8[%add3A_632] : memref<1573632xf32, #tpu.memory_space<vmem_shared>> -> memref<16384xf32, #tpu.memory_space<vmem_shared>>
      %dma_start3A_634 = tpu.memref_slice %arg2[%add3A_623] : memref<25165824xf32, #tpu.memory_space<hbm>> -> memref<16384xf32, #tpu.memory_space<hbm>>
      tpu.enqueue_dma source(%dma_start3A_634 : memref<16384xf32, #tpu.memory_space<hbm>>) target(%dma_start3A_633 : memref<16384xf32, #tpu.memory_space<vmem_shared>>) target_semaphore(%arg22 : memref<!tpu.dma_semaphore, #tpu.memory_space<semaphore_mem>>)
      %mul3A_635 = arith.constant 786432 : i32
      %mul3A_636 = arith.muli %add3A_616, %mul3A_635 : i32
      %add3A_637 = arith.constant 262144 : i32
      %add3A_638 = arith.addi %mul3A_636, %add3A_637 : i32
      %mul3A_639 = arith.constant 16384 : i32
      %mul3A_640 = arith.muli %arg1, %mul3A_639 : i32
      %add3A_641 = arith.addi %add3A_638, %mul3A_640 : i32
      %and3A_642 = arith.constant 1 : i32
      %and3A_643 = arith.andi %add3A_616, %and3A_642 : i32
      %mul3A_644 = arith.constant 786816 : i32
      %mul3A_645 = arith.muli %and3A_643, %mul3A_644 : i32
      %add3A_646 = arith.constant 262272 : i32
      %add3A_647 = arith.addi %mul3A_645, %add3A_646 : i32
      %mul3A_648 = arith.constant 16384 : i32
      %mul3A_649 = arith.muli %arg1, %mul3A_648 : i32
      %add3A_650 = arith.addi %add3A_647, %mul3A_649 : i32
      %dma_start3A_651 = tpu.memref_slice %arg8[%add3A_650] : memref<1573632xf32, #tpu.memory_space<vmem_shared>> -> memref<16384xf32, #tpu.memory_space<vmem_shared>>
      %dma_start3A_652 = tpu.memref_slice %arg2[%add3A_641] : memref<25165824xf32, #tpu.memory_space<hbm>> -> memref<16384xf32, #tpu.memory_space<hbm>>
      tpu.enqueue_dma source(%dma_start3A_652 : memref<16384xf32, #tpu.memory_space<hbm>>) target(%dma_start3A_651 : memref<16384xf32, #tpu.memory_space<vmem_shared>>) target_semaphore(%arg22 : memref<!tpu.dma_semaphore, #tpu.memory_space<semaphore_mem>>)
      %mul3A_653 = arith.constant 786432 : i32
      %mul3A_654 = arith.muli %add3A_616, %mul3A_653 : i32
      %add3A_655 = arith.constant 524288 : i32
      %add3A_656 = arith.addi %mul3A_654, %add3A_655 : i32
      %mul3A_657 = arith.constant 16384 : i32
      %mul3A_658 = arith.muli %arg1, %mul3A_657 : i32
      %add3A_659 = arith.addi %add3A_656, %mul3A_658 : i32
      %and3A_660 = arith.constant 1 : i32
      %and3A_661 = arith.andi %add3A_616, %and3A_660 : i32
      %mul3A_662 = arith.constant 786816 : i32
      %mul3A_663 = arith.muli %and3A_661, %mul3A_662 : i32
      %add3A_664 = arith.constant 524544 : i32
      %add3A_665 = arith.addi %mul3A_663, %add3A_664 : i32
      %mul3A_666 = arith.constant 16384 : i32
      %mul3A_667 = arith.muli %arg1, %mul3A_666 : i32
      %add3A_668 = arith.addi %add3A_665, %mul3A_667 : i32
      %dma_start3A_669 = tpu.memref_slice %arg8[%add3A_668] : memref<1573632xf32, #tpu.memory_space<vmem_shared>> -> memref<16384xf32, #tpu.memory_space<vmem_shared>>
      %dma_start3A_670 = tpu.memref_slice %arg2[%add3A_659] : memref<25165824xf32, #tpu.memory_space<hbm>> -> memref<16384xf32, #tpu.memory_space<hbm>>
      tpu.enqueue_dma source(%dma_start3A_670 : memref<16384xf32, #tpu.memory_space<hbm>>) target(%dma_start3A_669 : memref<16384xf32, #tpu.memory_space<vmem_shared>>) target_semaphore(%arg22 : memref<!tpu.dma_semaphore, #tpu.memory_space<semaphore_mem>>)
      %scan3A_671 = arith.constant 0 : i32
      %scan3A_672 = arith.constant 0 : i32
      %scan3A_673 = arith.constant 128 : i32
      %scan3A_674 = arith.addi %scan3A_672, %scan3A_673 : i32
      %scan3A_675 = arith.constant 1 : i32
      %scan3A_676 = scf.for %scan3A_733 = %scan3A_672 to %scan3A_674 step %scan3A_675 iter_args(%scan3A_734 = %scan3A_671) -> (i32)  : i32 {
        %mul3A_735 = arith.constant 16 : i32
        %mul3A_736 = arith.muli %scan3A_733, %mul3A_735 : i32
        %get3A_737 = arith.index_cast %mul3A_736 : i32 to index
        %get3A_738 = tpu.vector_load %arg11[%get3A_737] {strides = array<i32>} : memref<2048xf32, #tpu.memory_space<vmem>>, vector<16xf32>,
        %get3A_739 = vector.shape_cast %get3A_738 : vector<16xf32> to vector<16xf32>
        %get3A_740 = arith.index_cast %mul3A_736 : i32 to index
        %get3A_741 = tpu.vector_load %arg16[%get3A_740] {strides = array<i32>} : memref<6144xf32, #tpu.memory_space<vmem>>, vector<16xf32>,
        %get3A_742 = vector.shape_cast %get3A_741 : vector<16xf32> to vector<16xf32>
        %mul3A_743 = arith.mulf %get3A_742, %get3A_739 : vector<16xf32>
        %swap3A = arith.index_cast %mul3A_736 : i32 to index
        %swap3A_744 = tpu.vector_load %arg16[%swap3A] {strides = array<i32>} : memref<6144xf32, #tpu.memory_space<vmem>>, vector<16xf32>,
        %swap3A_745 = vector.shape_cast %swap3A_744 : vector<16xf32> to vector<16xf32>
        %swap3A_746 = vector.shape_cast %mul3A_743 : vector<16xf32> to vector<16xf32>
        tpu.vector_store %arg16[%swap3A], %swap3A_746 {strides = array<i32>} : memref<6144xf32, #tpu.memory_space<vmem>>, vector<16xf32>,
        %add3A_747 = arith.constant 2048 : i32
        %add3A_748 = arith.addi %mul3A_736, %add3A_747 : i32
        %get3A_749 = arith.index_cast %add3A_748 : i32 to index
        %get3A_750 = tpu.vector_load %arg16[%get3A_749] {strides = array<i32>} : memref<6144xf32, #tpu.memory_space<vmem>>, vector<16xf32>,
        %get3A_751 = vector.shape_cast %get3A_750 : vector<16xf32> to vector<16xf32>
        %mul3A_752 = arith.mulf %get3A_751, %get3A_739 : vector<16xf32>
        %add3A_753 = arith.constant 2048 : i32
        %add3A_754 = arith.addi %mul3A_736, %add3A_753 : i32
        %swap3A_755 = arith.index_cast %add3A_754 : i32 to index
        %swap3A_756 = tpu.vector_load %arg16[%swap3A_755] {strides = array<i32>} : memref<6144xf32, #tpu.memory_space<vmem>>, vector<16xf32>,
        %swap3A_757 = vector.shape_cast %swap3A_756 : vector<16xf32> to vector<16xf32>
        %swap3A_758 = vector.shape_cast %mul3A_752 : vector<16xf32> to vector<16xf32>
        tpu.vector_store %arg16[%swap3A_755], %swap3A_758 {strides = array<i32>} : memref<6144xf32, #tpu.memory_space<vmem>>, vector<16xf32>,
        %add3A_759 = arith.constant 4096 : i32
        %add3A_760 = arith.addi %mul3A_736, %add3A_759 : i32
        %get3A_761 = arith.index_cast %add3A_760 : i32 to index
        %get3A_762 = tpu.vector_load %arg16[%get3A_761] {strides = array<i32>} : memref<6144xf32, #tpu.memory_space<vmem>>, vector<16xf32>,
        %get3A_763 = vector.shape_cast %get3A_762 : vector<16xf32> to vector<16xf32>
        %mul3A_764 = arith.mulf %get3A_763, %get3A_739 : vector<16xf32>
        %add3A_765 = arith.constant 4096 : i32
        %add3A_766 = arith.addi %mul3A_736, %add3A_765 : i32
        %swap3A_767 = arith.index_cast %add3A_766 : i32 to index
        %swap3A_768 = tpu.vector_load %arg16[%swap3A_767] {strides = array<i32>} : memref<6144xf32, #tpu.memory_space<vmem>>, vector<16xf32>,
        %swap3A_769 = vector.shape_cast %swap3A_768 : vector<16xf32> to vector<16xf32>
        %swap3A_770 = vector.shape_cast %mul3A_764 : vector<16xf32> to vector<16xf32>
        tpu.vector_store %arg16[%swap3A_767], %swap3A_770 {strides = array<i32>} : memref<6144xf32, #tpu.memory_space<vmem>>, vector<16xf32>,
        %scan3A_771 = arith.constant 0 : i32
        scf.yield %scan3A_771 : i32
      }
      %scan3A_677 = arith.constant 128 : i32
      %mul3A_678 = arith.constant 196608 : i32
      %mul3A_679 = arith.muli %add3A_582, %mul3A_678 : i32
      %add3A_680 = arith.addi %mul3A_679, %mul3A_2 : i32
      %dma_start3A_681 = arith.constant 0 : i32
      %dma_start3A_682 = tpu.memref_slice %arg16[%dma_start3A_681] : memref<6144xf32, #tpu.memory_space<vmem>> -> memref<2048xf32, #tpu.memory_space<vmem>>
      %dma_start3A_683 = tpu.memref_slice %arg7[%add3A_680] : memref<6291456xf32, #tpu.memory_space<hbm>> -> memref<2048xf32, #tpu.memory_space<hbm>>
      %dma_start3A_684 = tpu.memref_slice %arg7[%add3A_680] : memref<6291456xf32, #tpu.memory_space<hbm>> -> memref<2048xf32, #tpu.memory_space<hbm>>
      %dma_start3A_685 = arith.constant 0 : i32
      %dma_start3A_686 = tpu.memref_slice %arg16[%dma_start3A_685] : memref<6144xf32, #tpu.memory_space<vmem>> -> memref<2048xf32, #tpu.memory_space<vmem>>
      tpu.enqueue_dma source(%dma_start3A_686 : memref<2048xf32, #tpu.memory_space<vmem>>) target(%dma_start3A_684 : memref<2048xf32, #tpu.memory_space<hbm>>) target_semaphore(%arg20 : memref<!tpu.dma_semaphore, #tpu.memory_space<semaphore_mem>>)
      %add3A_687 = arith.constant 65536 : i32
      %add3A_688 = arith.addi %add3A_680, %add3A_687 : i32
      %dma_start3A_689 = arith.constant 2048 : i32
      %dma_start3A_690 = tpu.memref_slice %arg16[%dma_start3A_689] : memref<6144xf32, #tpu.memory_space<vmem>> -> memref<2048xf32, #tpu.memory_space<vmem>>
      %dma_start3A_691 = tpu.memref_slice %arg7[%add3A_688] : memref<6291456xf32, #tpu.memory_space<hbm>> -> memref<2048xf32, #tpu.memory_space<hbm>>
      %dma_start3A_692 = tpu.memref_slice %arg7[%add3A_688] : memref<6291456xf32, #tpu.memory_space<hbm>> -> memref<2048xf32, #tpu.memory_space<hbm>>
      %dma_start3A_693 = arith.constant 2048 : i32
      %dma_start3A_694 = tpu.memref_slice %arg16[%dma_start3A_693] : memref<6144xf32, #tpu.memory_space<vmem>> -> memref<2048xf32, #tpu.memory_space<vmem>>
      tpu.enqueue_dma source(%dma_start3A_694 : memref<2048xf32, #tpu.memory_space<vmem>>) target(%dma_start3A_692 : memref<2048xf32, #tpu.memory_space<hbm>>) target_semaphore(%arg20 : memref<!tpu.dma_semaphore, #tpu.memory_space<semaphore_mem>>)
      %add3A_695 = arith.constant 131072 : i32
      %add3A_696 = arith.addi %add3A_680, %add3A_695 : i32
      %dma_start3A_697 = arith.constant 4096 : i32
      %dma_start3A_698 = tpu.memref_slice %arg16[%dma_start3A_697] : memref<6144xf32, #tpu.memory_space<vmem>> -> memref<2048xf32, #tpu.memory_space<vmem>>
      %dma_start3A_699 = tpu.memref_slice %arg7[%add3A_696] : memref<6291456xf32, #tpu.memory_space<hbm>> -> memref<2048xf32, #tpu.memory_space<hbm>>
      %dma_start3A_700 = tpu.memref_slice %arg7[%add3A_696] : memref<6291456xf32, #tpu.memory_space<hbm>> -> memref<2048xf32, #tpu.memory_space<hbm>>
      %dma_start3A_701 = arith.constant 4096 : i32
      %dma_start3A_702 = tpu.memref_slice %arg16[%dma_start3A_701] : memref<6144xf32, #tpu.memory_space<vmem>> -> memref<2048xf32, #tpu.memory_space<vmem>>
      tpu.enqueue_dma source(%dma_start3A_702 : memref<2048xf32, #tpu.memory_space<vmem>>) target(%dma_start3A_700 : memref<2048xf32, #tpu.memory_space<hbm>>) target_semaphore(%arg20 : memref<!tpu.dma_semaphore, #tpu.memory_space<semaphore_mem>>)
      %add3A_703 = arith.constant 2 : i32
      %add3A_704 = arith.addi %add3A_582, %add3A_703 : i32
      %mul3A_705 = arith.constant 2 : i32
      %mul3A_706 = arith.muli %mul3A_705, %add3A_704 : i32
      %mul3A_707 = arith.constant 16 : i32
      %mul3A_708 = arith.muli %mul3A_706, %mul3A_707 : i32
      %get3A_709 = arith.index_cast %mul3A_708 : i32 to index
      %get3A_710 = tpu.vector_load %arg12[%get3A_709] {strides = array<i32>} : memref<1024xf32, #tpu.memory_space<vmem>>, vector<16xf32>,
      %get3A_711 = vector.shape_cast %get3A_710 : vector<16xf32> to vector<16xf32>
      %mul3A_712 = arith.constant 2 : i32
      %mul3A_713 = arith.muli %mul3A_712, %add3A_704 : i32
      %add3A_714 = arith.constant 1 : i32
      %add3A_715 = arith.addi %mul3A_713, %add3A_714 : i32
      %mul3A_716 = arith.constant 16 : i32
      %mul3A_717 = arith.muli %add3A_715, %mul3A_716 : i32
      %get3A_718 = arith.index_cast %mul3A_717 : i32 to index
      %get3A_719 = tpu.vector_load %arg12[%get3A_718] {strides = array<i32>} : memref<1024xf32, #tpu.memory_space<vmem>>, vector<16xf32>,
      %get3A_720 = vector.shape_cast %get3A_719 : vector<16xf32> to vector<16xf32>
      %and3A_721 = arith.constant 1 : i32
      %and3A_722 = arith.andi %add3A_704, %and3A_721 : i32
      %mul3A_723 = arith.constant 786816 : i32
      %mul3A_724 = arith.muli %and3A_722, %mul3A_723 : i32
      %scan3A_725 = arith.constant 0 : i32
      %scan3A_726 = arith.constant 0 : i32
      %scan3A_727 = arith.constant 128 : i32
      %scan3A_728 = arith.addi %scan3A_726, %scan3A_727 : i32
      %scan3A_729 = arith.constant 1 : i32
      %scan3A_730 = scf.for %scan3A_733 = %scan3A_726 to %scan3A_728 step %scan3A_729 iter_args(%scan3A_734 = %scan3A_725) -> (i32)  : i32 {
        %mul3A_735 = arith.constant 16 : i32
        %mul3A_736 = arith.muli %scan3A_733, %mul3A_735 : i32
        %get3A_737 = arith.index_cast %mul3A_736 : i32 to index
        %get3A_738 = tpu.vector_load %arg9[%get3A_737] {strides = array<i32>} : memref<2048xf32, #tpu.memory_space<vmem>>, vector<16xf32>,
        %get3A_739 = vector.shape_cast %get3A_738 : vector<16xf32> to vector<16xf32>
        %get3A_740 = arith.index_cast %mul3A_736 : i32 to index
        %get3A_741 = tpu.vector_load %arg10[%get3A_740] {strides = array<i32>} : memref<2048xf32, #tpu.memory_space<vmem>>, vector<16xf32>,
        %get3A_742 = vector.shape_cast %get3A_741 : vector<16xf32> to vector<16xf32>
        %add3A_743 = arith.addf %get3A_711, %get3A_739 : vector<16xf32>
        %max3A = arith.constant 5.000000e-01 : f32
        %max3A_744 = vector.broadcast %max3A : f32 to vector<16xf32>
        %max3A_745 = arith.maximumf %add3A_743, %max3A_744 : vector<16xf32>
        %add3A_746 = arith.constant 5.110000e+02 : f32
        %add3A_747 = arith.constant 5.000000e-01 : f32
        %add3A_748 = arith.addf %add3A_746, %add3A_747 : f32
        %min3A = vector.broadcast %add3A_748 : f32 to vector<16xf32>
        %min3A_749 = arith.minimumf %max3A_745, %min3A : vector<16xf32>
        %add3A_750 = arith.addf %get3A_720, %get3A_742 : vector<16xf32>
        %max3A_751 = arith.constant 5.000000e-01 : f32
        %max3A_752 = vector.broadcast %max3A_751 : f32 to vector<16xf32>
        %max3A_753 = arith.maximumf %add3A_750, %max3A_752 : vector<16xf32>
        %add3A_754 = arith.constant 5.110000e+02 : f32
        %add3A_755 = arith.constant 5.000000e-01 : f32
        %add3A_756 = arith.addf %add3A_754, %add3A_755 : f32
        %min3A_757 = vector.broadcast %add3A_756 : f32 to vector<16xf32>
        %min3A_758 = arith.minimumf %max3A_753, %min3A_757 : vector<16xf32>
        %convert_element_type3A = arith.fptosi %min3A_749 : vector<16xf32> to vector<16xi32>
        %convert_element_type3A_759 = arith.fptosi %min3A_758 : vector<16xf32> to vector<16xi32>
        %convert_element_type3A_760 = arith.sitofp %convert_element_type3A : vector<16xi32> to vector<16xf32>
        %eq3A = arith.cmpf oeq, %convert_element_type3A_760, %min3A_749 : vector<16xf32>
        %and3A_761 = arith.constant 1 : i32
        %and3A_762 = vector.broadcast %and3A_761 : i32 to vector<16xi32>
        %and3A_763 = arith.andi %convert_element_type3A, %and3A_762 : vector<16xi32>
        %jit3A = arith.constant 0 : i32
        %broadcast_in_dim3A = vector.broadcast %jit3A : i32 to vector<16xi32>
        %select_n3A = arith.select %eq3A, %and3A_763, %broadcast_in_dim3A : vector<16xi1>, vector<16xi32>
        %sub3A = arith.subi %convert_element_type3A, %select_n3A : vector<16xi32>
        %convert_element_type3A_764 = arith.sitofp %convert_element_type3A_759 : vector<16xi32> to vector<16xf32>
        %eq3A_765 = arith.cmpf oeq, %convert_element_type3A_764, %min3A_758 : vector<16xf32>
        %and3A_766 = arith.constant 1 : i32
        %and3A_767 = vector.broadcast %and3A_766 : i32 to vector<16xi32>
        %and3A_768 = arith.andi %convert_element_type3A_759, %and3A_767 : vector<16xi32>
        %jit3A_769 = arith.constant 0 : i32
        %broadcast_in_dim3A_770 = vector.broadcast %jit3A_769 : i32 to vector<16xi32>
        %select_n3A_771 = arith.select %eq3A_765, %and3A_768, %broadcast_in_dim3A_770 : vector<16xi1>, vector<16xi32>
        %sub3A_772 = arith.subi %convert_element_type3A_759, %select_n3A_771 : vector<16xi32>
        %mul3A_773 = arith.constant 512 : i32
        %mul3A_774 = vector.broadcast %mul3A_773 : i32 to vector<16xi32>
        %mul3A_775 = arith.muli %sub3A, %mul3A_774 : vector<16xi32>
        %add3A_776 = arith.addi %mul3A_775, %sub3A_772 : vector<16xi32>
        %add3A_777 = vector.broadcast %mul3A_724 : i32 to vector<16xi32>
        %add3A_778 = arith.addi %add3A_776, %add3A_777 : vector<16xi32>
        %swap3A = arith.index_cast %mul3A_736 : i32 to index
        %swap3A_779 = tpu.vector_load %arg14[%swap3A] {strides = array<i32>} : memref<2048xi32, #tpu.memory_space<vmem>>, vector<16xi32>,
        %swap3A_780 = vector.shape_cast %swap3A_779 : vector<16xi32> to vector<16xi32>
        %swap3A_781 = vector.shape_cast %add3A_778 : vector<16xi32> to vector<16xi32>
        tpu.vector_store %arg14[%swap3A], %swap3A_781 {strides = array<i32>} : memref<2048xi32, #tpu.memory_space<vmem>>, vector<16xi32>,
        %scan3A_782 = arith.constant 0 : i32
        scf.yield %scan3A_782 : i32
      }
      %scan3A_731 = arith.constant 128 : i32
      %scan3A_732 = arith.constant 0 : i32
      scf.yield %scan3A_732 : i32
    }
    %scan3A_321 = arith.constant 14 : i32
    %dma_wait3A_322 = arith.constant 0 : i32
    %dma_wait3A_323 = tpu.memref_slice %arg7[%dma_wait3A_322] : memref<6291456xf32, #tpu.memory_space<hbm>> -> memref<6144xf32, #tpu.memory_space<hbm>>
    %dma_wait3A_324 = arith.constant 0 : i32
    %dma_wait3A_325 = tpu.memref_slice %arg7[%dma_wait3A_324] : memref<6291456xf32, #tpu.memory_space<hbm>> -> memref<6144xf32, #tpu.memory_space<hbm>>
    tpu.wait_dma2 semaphore(%arg20 : memref<!tpu.dma_semaphore, #tpu.memory_space<semaphore_mem>>) src(%arg16 : memref<6144xf32, #tpu.memory_space<vmem>>) dst(%dma_wait3A_325 : memref<6144xf32, #tpu.memory_space<hbm>>)
    %dma_wait3A_326 = arith.constant 0 : i32
    %dma_wait3A_327 = tpu.memref_slice %arg8[%dma_wait3A_326] : memref<1573632xf32, #tpu.memory_space<vmem_shared>> -> memref<49152xf32, #tpu.memory_space<vmem_shared>>
    %dma_wait3A_328 = arith.constant 0 : i32
    %dma_wait3A_329 = tpu.memref_slice %arg2[%dma_wait3A_328] : memref<25165824xf32, #tpu.memory_space<hbm>> -> memref<49152xf32, #tpu.memory_space<hbm>>
    tpu.wait_dma2 semaphore(%arg22 : memref<!tpu.dma_semaphore, #tpu.memory_space<semaphore_mem>>) src(%dma_wait3A_329 : memref<49152xf32, #tpu.memory_space<hbm>>) dst(%dma_wait3A_327 : memref<49152xf32, #tpu.memory_space<vmem_shared>>)
    %barrier3A_330 = arith.constant 0 : index
    tpu.barrier barrier_id(%barrier3A_330)
    %dma_start3A_331 = arith.constant 0 : i32
    %dma_start3A_332 = tpu.memref_slice %arg16[%dma_start3A_331] : memref<6144xf32, #tpu.memory_space<vmem>> -> memref<2048xf32, #tpu.memory_space<vmem>>
    %dma_start3A_333 = arith.constant 0 : i32
    %dma_start3A_334 = tpu.memref_slice %arg8[%dma_start3A_333] : memref<1573632xf32, #tpu.memory_space<vmem_shared>> -> memref<1049088xf32, #tpu.memory_space<vmem_shared>>
    %dma_start3A_335 = arith.constant 0 : i32
    %dma_start3A_336 = tpu.memref_slice %dma_start3A_334[%dma_start3A_335] : memref<1049088xf32, #tpu.memory_space<vmem_shared>> -> memref<1049088xf32, #tpu.memory_space<vmem_shared>>
    tpu.enqueue_indirect_dma source(%dma_start3A_336 : memref<1049088xf32, #tpu.memory_space<vmem_shared>>) target(%dma_start3A_332 : memref<2048xf32, #tpu.memory_space<vmem>>) offsets(%arg14 : memref<2048xi32, #tpu.memory_space<vmem>>) semaphore(%arg18 : memref<!tpu.dma_semaphore, #tpu.memory_space<semaphore_mem>>)
    %dma_start3A_337 = arith.constant 2048 : i32
    %dma_start3A_338 = tpu.memref_slice %arg16[%dma_start3A_337] : memref<6144xf32, #tpu.memory_space<vmem>> -> memref<2048xf32, #tpu.memory_space<vmem>>
    %dma_start3A_339 = arith.constant 262272 : i32
    %dma_start3A_340 = tpu.memref_slice %arg8[%dma_start3A_339] : memref<1573632xf32, #tpu.memory_space<vmem_shared>> -> memref<1049088xf32, #tpu.memory_space<vmem_shared>>
    %dma_start3A_341 = arith.constant 0 : i32
    %dma_start3A_342 = tpu.memref_slice %dma_start3A_340[%dma_start3A_341] : memref<1049088xf32, #tpu.memory_space<vmem_shared>> -> memref<1049088xf32, #tpu.memory_space<vmem_shared>>
    tpu.enqueue_indirect_dma source(%dma_start3A_342 : memref<1049088xf32, #tpu.memory_space<vmem_shared>>) target(%dma_start3A_338 : memref<2048xf32, #tpu.memory_space<vmem>>) offsets(%arg14 : memref<2048xi32, #tpu.memory_space<vmem>>) semaphore(%arg18 : memref<!tpu.dma_semaphore, #tpu.memory_space<semaphore_mem>>)
    %dma_start3A_343 = arith.constant 4096 : i32
    %dma_start3A_344 = tpu.memref_slice %arg16[%dma_start3A_343] : memref<6144xf32, #tpu.memory_space<vmem>> -> memref<2048xf32, #tpu.memory_space<vmem>>
    %dma_start3A_345 = arith.constant 524544 : i32
    %dma_start3A_346 = tpu.memref_slice %arg8[%dma_start3A_345] : memref<1573632xf32, #tpu.memory_space<vmem_shared>> -> memref<1049088xf32, #tpu.memory_space<vmem_shared>>
    %dma_start3A_347 = arith.constant 0 : i32
    %dma_start3A_348 = tpu.memref_slice %dma_start3A_346[%dma_start3A_347] : memref<1049088xf32, #tpu.memory_space<vmem_shared>> -> memref<1049088xf32, #tpu.memory_space<vmem_shared>>
    tpu.enqueue_indirect_dma source(%dma_start3A_348 : memref<1049088xf32, #tpu.memory_space<vmem_shared>>) target(%dma_start3A_344 : memref<2048xf32, #tpu.memory_space<vmem>>) offsets(%arg14 : memref<2048xi32, #tpu.memory_space<vmem>>) semaphore(%arg18 : memref<!tpu.dma_semaphore, #tpu.memory_space<semaphore_mem>>)
    %dma_wait3A_349 = arith.constant 0 : i32
    %dma_wait3A_350 = tpu.memref_slice %arg2[%dma_wait3A_349] : memref<25165824xf32, #tpu.memory_space<hbm>> -> memref<6144xf32, #tpu.memory_space<hbm>>
    %dma_wait3A_351 = arith.constant 0 : i32
    %dma_wait3A_352 = tpu.memref_slice %arg2[%dma_wait3A_351] : memref<25165824xf32, #tpu.memory_space<hbm>> -> memref<6144xf32, #tpu.memory_space<hbm>>
    tpu.wait_dma2 semaphore(%arg17 : memref<!tpu.dma_semaphore, #tpu.memory_space<semaphore_mem>>) src(%dma_wait3A_352 : memref<6144xf32, #tpu.memory_space<hbm>>) dst(%arg15 : memref<6144xf32, #tpu.memory_space<vmem>>)
    %barrier3A_353 = arith.constant 0 : index
    tpu.barrier barrier_id(%barrier3A_353)
    %scan3A_354 = arith.constant 0 : i32
    %scan3A_355 = arith.constant 0 : i32
    %scan3A_356 = arith.constant 128 : i32
    %scan3A_357 = arith.addi %scan3A_355, %scan3A_356 : i32
    %scan3A_358 = arith.constant 1 : i32
    %scan3A_359 = scf.for %scan3A_429 = %scan3A_355 to %scan3A_357 step %scan3A_358 iter_args(%scan3A_430 = %scan3A_354) -> (i32)  : i32 {
      %mul3A_431 = arith.constant 16 : i32
      %mul3A_432 = arith.muli %scan3A_429, %mul3A_431 : i32
      %get3A_433 = arith.index_cast %mul3A_432 : i32 to index
      %get3A_434 = tpu.vector_load %arg11[%get3A_433] {strides = array<i32>} : memref<2048xf32, #tpu.memory_space<vmem>>, vector<16xf32>,
      %get3A_435 = vector.shape_cast %get3A_434 : vector<16xf32> to vector<16xf32>
      %get3A_436 = arith.index_cast %mul3A_432 : i32 to index
      %get3A_437 = tpu.vector_load %arg15[%get3A_436] {strides = array<i32>} : memref<6144xf32, #tpu.memory_space<vmem>>, vector<16xf32>,
      %get3A_438 = vector.shape_cast %get3A_437 : vector<16xf32> to vector<16xf32>
      %mul3A_439 = arith.mulf %get3A_438, %get3A_435 : vector<16xf32>
      %swap3A = arith.index_cast %mul3A_432 : i32 to index
      %swap3A_440 = tpu.vector_load %arg15[%swap3A] {strides = array<i32>} : memref<6144xf32, #tpu.memory_space<vmem>>, vector<16xf32>,
      %swap3A_441 = vector.shape_cast %swap3A_440 : vector<16xf32> to vector<16xf32>
      %swap3A_442 = vector.shape_cast %mul3A_439 : vector<16xf32> to vector<16xf32>
      tpu.vector_store %arg15[%swap3A], %swap3A_442 {strides = array<i32>} : memref<6144xf32, #tpu.memory_space<vmem>>, vector<16xf32>,
      %add3A_443 = arith.constant 2048 : i32
      %add3A_444 = arith.addi %mul3A_432, %add3A_443 : i32
      %get3A_445 = arith.index_cast %add3A_444 : i32 to index
      %get3A_446 = tpu.vector_load %arg15[%get3A_445] {strides = array<i32>} : memref<6144xf32, #tpu.memory_space<vmem>>, vector<16xf32>,
      %get3A_447 = vector.shape_cast %get3A_446 : vector<16xf32> to vector<16xf32>
      %mul3A_448 = arith.mulf %get3A_447, %get3A_435 : vector<16xf32>
      %add3A_449 = arith.constant 2048 : i32
      %add3A_450 = arith.addi %mul3A_432, %add3A_449 : i32
      %swap3A_451 = arith.index_cast %add3A_450 : i32 to index
      %swap3A_452 = tpu.vector_load %arg15[%swap3A_451] {strides = array<i32>} : memref<6144xf32, #tpu.memory_space<vmem>>, vector<16xf32>,
      %swap3A_453 = vector.shape_cast %swap3A_452 : vector<16xf32> to vector<16xf32>
      %swap3A_454 = vector.shape_cast %mul3A_448 : vector<16xf32> to vector<16xf32>
      tpu.vector_store %arg15[%swap3A_451], %swap3A_454 {strides = array<i32>} : memref<6144xf32, #tpu.memory_space<vmem>>, vector<16xf32>,
      %add3A_455 = arith.constant 4096 : i32
      %add3A_456 = arith.addi %mul3A_432, %add3A_455 : i32
      %get3A_457 = arith.index_cast %add3A_456 : i32 to index
      %get3A_458 = tpu.vector_load %arg15[%get3A_457] {strides = array<i32>} : memref<6144xf32, #tpu.memory_space<vmem>>, vector<16xf32>,
      %get3A_459 = vector.shape_cast %get3A_458 : vector<16xf32> to vector<16xf32>
      %mul3A_460 = arith.mulf %get3A_459, %get3A_435 : vector<16xf32>
      %add3A_461 = arith.constant 4096 : i32
      %add3A_462 = arith.addi %mul3A_432, %add3A_461 : i32
      %swap3A_463 = arith.index_cast %add3A_462 : i32 to index
      %swap3A_464 = tpu.vector_load %arg15[%swap3A_463] {strides = array<i32>} : memref<6144xf32, #tpu.memory_space<vmem>>, vector<16xf32>,
      %swap3A_465 = vector.shape_cast %swap3A_464 : vector<16xf32> to vector<16xf32>
      %swap3A_466 = vector.shape_cast %mul3A_460 : vector<16xf32> to vector<16xf32>
      tpu.vector_store %arg15[%swap3A_463], %swap3A_466 {strides = array<i32>} : memref<6144xf32, #tpu.memory_space<vmem>>, vector<16xf32>,
      %scan3A_467 = arith.constant 0 : i32
      scf.yield %scan3A_467 : i32
    }
    %scan3A_360 = arith.constant 128 : i32
    %add3A_361 = arith.constant 5898240 : i32
    %add3A_362 = arith.addi %add3A_361, %mul3A_2 : i32
    %dma_start3A_363 = arith.constant 0 : i32
    %dma_start3A_364 = tpu.memref_slice %arg15[%dma_start3A_363] : memref<6144xf32, #tpu.memory_space<vmem>> -> memref<2048xf32, #tpu.memory_space<vmem>>
    %dma_start3A_365 = tpu.memref_slice %arg7[%add3A_362] : memref<6291456xf32, #tpu.memory_space<hbm>> -> memref<2048xf32, #tpu.memory_space<hbm>>
    %dma_start3A_366 = tpu.memref_slice %arg7[%add3A_362] : memref<6291456xf32, #tpu.memory_space<hbm>> -> memref<2048xf32, #tpu.memory_space<hbm>>
    %dma_start3A_367 = arith.constant 0 : i32
    %dma_start3A_368 = tpu.memref_slice %arg15[%dma_start3A_367] : memref<6144xf32, #tpu.memory_space<vmem>> -> memref<2048xf32, #tpu.memory_space<vmem>>
    tpu.enqueue_dma source(%dma_start3A_368 : memref<2048xf32, #tpu.memory_space<vmem>>) target(%dma_start3A_366 : memref<2048xf32, #tpu.memory_space<hbm>>) target_semaphore(%arg19 : memref<!tpu.dma_semaphore, #tpu.memory_space<semaphore_mem>>)
    %add3A_369 = arith.constant 65536 : i32
    %add3A_370 = arith.addi %add3A_362, %add3A_369 : i32
    %dma_start3A_371 = arith.constant 2048 : i32
    %dma_start3A_372 = tpu.memref_slice %arg15[%dma_start3A_371] : memref<6144xf32, #tpu.memory_space<vmem>> -> memref<2048xf32, #tpu.memory_space<vmem>>
    %dma_start3A_373 = tpu.memref_slice %arg7[%add3A_370] : memref<6291456xf32, #tpu.memory_space<hbm>> -> memref<2048xf32, #tpu.memory_space<hbm>>
    %dma_start3A_374 = tpu.memref_slice %arg7[%add3A_370] : memref<6291456xf32, #tpu.memory_space<hbm>> -> memref<2048xf32, #tpu.memory_space<hbm>>
    %dma_start3A_375 = arith.constant 2048 : i32
    %dma_start3A_376 = tpu.memref_slice %arg15[%dma_start3A_375] : memref<6144xf32, #tpu.memory_space<vmem>> -> memref<2048xf32, #tpu.memory_space<vmem>>
    tpu.enqueue_dma source(%dma_start3A_376 : memref<2048xf32, #tpu.memory_space<vmem>>) target(%dma_start3A_374 : memref<2048xf32, #tpu.memory_space<hbm>>) target_semaphore(%arg19 : memref<!tpu.dma_semaphore, #tpu.memory_space<semaphore_mem>>)
    %add3A_377 = arith.constant 131072 : i32
    %add3A_378 = arith.addi %add3A_362, %add3A_377 : i32
    %dma_start3A_379 = arith.constant 4096 : i32
    %dma_start3A_380 = tpu.memref_slice %arg15[%dma_start3A_379] : memref<6144xf32, #tpu.memory_space<vmem>> -> memref<2048xf32, #tpu.memory_space<vmem>>
    %dma_start3A_381 = tpu.memref_slice %arg7[%add3A_378] : memref<6291456xf32, #tpu.memory_space<hbm>> -> memref<2048xf32, #tpu.memory_space<hbm>>
    %dma_start3A_382 = tpu.memref_slice %arg7[%add3A_378] : memref<6291456xf32, #tpu.memory_space<hbm>> -> memref<2048xf32, #tpu.memory_space<hbm>>
    %dma_start3A_383 = arith.constant 4096 : i32
    %dma_start3A_384 = tpu.memref_slice %arg15[%dma_start3A_383] : memref<6144xf32, #tpu.memory_space<vmem>> -> memref<2048xf32, #tpu.memory_space<vmem>>
    tpu.enqueue_dma source(%dma_start3A_384 : memref<2048xf32, #tpu.memory_space<vmem>>) target(%dma_start3A_382 : memref<2048xf32, #tpu.memory_space<hbm>>) target_semaphore(%arg19 : memref<!tpu.dma_semaphore, #tpu.memory_space<semaphore_mem>>)
    %dma_wait3A_385 = arith.constant 0 : i32
    %dma_wait3A_386 = tpu.memref_slice %arg7[%dma_wait3A_385] : memref<6291456xf32, #tpu.memory_space<hbm>> -> memref<6144xf32, #tpu.memory_space<hbm>>
    %dma_wait3A_387 = arith.constant 0 : i32
    %dma_wait3A_388 = tpu.memref_slice %arg7[%dma_wait3A_387] : memref<6291456xf32, #tpu.memory_space<hbm>> -> memref<6144xf32, #tpu.memory_space<hbm>>
    tpu.wait_dma2 semaphore(%arg19 : memref<!tpu.dma_semaphore, #tpu.memory_space<semaphore_mem>>) src(%arg15 : memref<6144xf32, #tpu.memory_space<vmem>>) dst(%dma_wait3A_388 : memref<6144xf32, #tpu.memory_space<hbm>>)
    %dma_wait3A_389 = arith.constant 0 : i32
    %dma_wait3A_390 = tpu.memref_slice %arg2[%dma_wait3A_389] : memref<25165824xf32, #tpu.memory_space<hbm>> -> memref<6144xf32, #tpu.memory_space<hbm>>
    %dma_wait3A_391 = arith.constant 0 : i32
    %dma_wait3A_392 = tpu.memref_slice %arg2[%dma_wait3A_391] : memref<25165824xf32, #tpu.memory_space<hbm>> -> memref<6144xf32, #tpu.memory_space<hbm>>
    tpu.wait_dma2 semaphore(%arg18 : memref<!tpu.dma_semaphore, #tpu.memory_space<semaphore_mem>>) src(%dma_wait3A_392 : memref<6144xf32, #tpu.memory_space<hbm>>) dst(%arg16 : memref<6144xf32, #tpu.memory_space<vmem>>)
    %barrier3A_393 = arith.constant 0 : index
    tpu.barrier barrier_id(%barrier3A_393)
    %scan3A_394 = arith.constant 0 : i32
    %scan3A_395 = arith.constant 0 : i32
    %scan3A_396 = arith.constant 128 : i32
    %scan3A_397 = arith.addi %scan3A_395, %scan3A_396 : i32
    %scan3A_398 = arith.constant 1 : i32
    %scan3A_399 = scf.for %scan3A_429 = %scan3A_395 to %scan3A_397 step %scan3A_398 iter_args(%scan3A_430 = %scan3A_394) -> (i32)  : i32 {
      %mul3A_431 = arith.constant 16 : i32
      %mul3A_432 = arith.muli %scan3A_429, %mul3A_431 : i32
      %get3A_433 = arith.index_cast %mul3A_432 : i32 to index
      %get3A_434 = tpu.vector_load %arg11[%get3A_433] {strides = array<i32>} : memref<2048xf32, #tpu.memory_space<vmem>>, vector<16xf32>,
      %get3A_435 = vector.shape_cast %get3A_434 : vector<16xf32> to vector<16xf32>
      %get3A_436 = arith.index_cast %mul3A_432 : i32 to index
      %get3A_437 = tpu.vector_load %arg16[%get3A_436] {strides = array<i32>} : memref<6144xf32, #tpu.memory_space<vmem>>, vector<16xf32>,
      %get3A_438 = vector.shape_cast %get3A_437 : vector<16xf32> to vector<16xf32>
      %mul3A_439 = arith.mulf %get3A_438, %get3A_435 : vector<16xf32>
      %swap3A = arith.index_cast %mul3A_432 : i32 to index
      %swap3A_440 = tpu.vector_load %arg16[%swap3A] {strides = array<i32>} : memref<6144xf32, #tpu.memory_space<vmem>>, vector<16xf32>,
      %swap3A_441 = vector.shape_cast %swap3A_440 : vector<16xf32> to vector<16xf32>
      %swap3A_442 = vector.shape_cast %mul3A_439 : vector<16xf32> to vector<16xf32>
      tpu.vector_store %arg16[%swap3A], %swap3A_442 {strides = array<i32>} : memref<6144xf32, #tpu.memory_space<vmem>>, vector<16xf32>,
      %add3A_443 = arith.constant 2048 : i32
      %add3A_444 = arith.addi %mul3A_432, %add3A_443 : i32
      %get3A_445 = arith.index_cast %add3A_444 : i32 to index
      %get3A_446 = tpu.vector_load %arg16[%get3A_445] {strides = array<i32>} : memref<6144xf32, #tpu.memory_space<vmem>>, vector<16xf32>,
      %get3A_447 = vector.shape_cast %get3A_446 : vector<16xf32> to vector<16xf32>
      %mul3A_448 = arith.mulf %get3A_447, %get3A_435 : vector<16xf32>
      %add3A_449 = arith.constant 2048 : i32
      %add3A_450 = arith.addi %mul3A_432, %add3A_449 : i32
      %swap3A_451 = arith.index_cast %add3A_450 : i32 to index
      %swap3A_452 = tpu.vector_load %arg16[%swap3A_451] {strides = array<i32>} : memref<6144xf32, #tpu.memory_space<vmem>>, vector<16xf32>,
      %swap3A_453 = vector.shape_cast %swap3A_452 : vector<16xf32> to vector<16xf32>
      %swap3A_454 = vector.shape_cast %mul3A_448 : vector<16xf32> to vector<16xf32>
      tpu.vector_store %arg16[%swap3A_451], %swap3A_454 {strides = array<i32>} : memref<6144xf32, #tpu.memory_space<vmem>>, vector<16xf32>,
      %add3A_455 = arith.constant 4096 : i32
      %add3A_456 = arith.addi %mul3A_432, %add3A_455 : i32
      %get3A_457 = arith.index_cast %add3A_456 : i32 to index
      %get3A_458 = tpu.vector_load %arg16[%get3A_457] {strides = array<i32>} : memref<6144xf32, #tpu.memory_space<vmem>>, vector<16xf32>,
      %get3A_459 = vector.shape_cast %get3A_458 : vector<16xf32> to vector<16xf32>
      %mul3A_460 = arith.mulf %get3A_459, %get3A_435 : vector<16xf32>
      %add3A_461 = arith.constant 4096 : i32
      %add3A_462 = arith.addi %mul3A_432, %add3A_461 : i32
      %swap3A_463 = arith.index_cast %add3A_462 : i32 to index
      %swap3A_464 = tpu.vector_load %arg16[%swap3A_463] {strides = array<i32>} : memref<6144xf32, #tpu.memory_space<vmem>>, vector<16xf32>,
      %swap3A_465 = vector.shape_cast %swap3A_464 : vector<16xf32> to vector<16xf32>
      %swap3A_466 = vector.shape_cast %mul3A_460 : vector<16xf32> to vector<16xf32>
      tpu.vector_store %arg16[%swap3A_463], %swap3A_466 {strides = array<i32>} : memref<6144xf32, #tpu.memory_space<vmem>>, vector<16xf32>,
      %scan3A_467 = arith.constant 0 : i32
      scf.yield %scan3A_467 : i32
    }
    %scan3A_400 = arith.constant 128 : i32
    %add3A_401 = arith.constant 6094848 : i32
    %add3A_402 = arith.addi %add3A_401, %mul3A_2 : i32
    %dma_start3A_403 = arith.constant 0 : i32
    %dma_start3A_404 = tpu.memref_slice %arg16[%dma_start3A_403] : memref<6144xf32, #tpu.memory_space<vmem>> -> memref<2048xf32, #tpu.memory_space<vmem>>
    %dma_start3A_405 = tpu.memref_slice %arg7[%add3A_402] : memref<6291456xf32, #tpu.memory_space<hbm>> -> memref<2048xf32, #tpu.memory_space<hbm>>
    %dma_start3A_406 = tpu.memref_slice %arg7[%add3A_402] : memref<6291456xf32, #tpu.memory_space<hbm>> -> memref<2048xf32, #tpu.memory_space<hbm>>
    %dma_start3A_407 = arith.constant 0 : i32
    %dma_start3A_408 = tpu.memref_slice %arg16[%dma_start3A_407] : memref<6144xf32, #tpu.memory_space<vmem>> -> memref<2048xf32, #tpu.memory_space<vmem>>
    tpu.enqueue_dma source(%dma_start3A_408 : memref<2048xf32, #tpu.memory_space<vmem>>) target(%dma_start3A_406 : memref<2048xf32, #tpu.memory_space<hbm>>) target_semaphore(%arg20 : memref<!tpu.dma_semaphore, #tpu.memory_space<semaphore_mem>>)
    %add3A_409 = arith.constant 65536 : i32
    %add3A_410 = arith.addi %add3A_402, %add3A_409 : i32
    %dma_start3A_411 = arith.constant 2048 : i32
    %dma_start3A_412 = tpu.memref_slice %arg16[%dma_start3A_411] : memref<6144xf32, #tpu.memory_space<vmem>> -> memref<2048xf32, #tpu.memory_space<vmem>>
    %dma_start3A_413 = tpu.memref_slice %arg7[%add3A_410] : memref<6291456xf32, #tpu.memory_space<hbm>> -> memref<2048xf32, #tpu.memory_space<hbm>>
    %dma_start3A_414 = tpu.memref_slice %arg7[%add3A_410] : memref<6291456xf32, #tpu.memory_space<hbm>> -> memref<2048xf32, #tpu.memory_space<hbm>>
    %dma_start3A_415 = arith.constant 2048 : i32
    %dma_start3A_416 = tpu.memref_slice %arg16[%dma_start3A_415] : memref<6144xf32, #tpu.memory_space<vmem>> -> memref<2048xf32, #tpu.memory_space<vmem>>
    tpu.enqueue_dma source(%dma_start3A_416 : memref<2048xf32, #tpu.memory_space<vmem>>) target(%dma_start3A_414 : memref<2048xf32, #tpu.memory_space<hbm>>) target_semaphore(%arg20 : memref<!tpu.dma_semaphore, #tpu.memory_space<semaphore_mem>>)
    %add3A_417 = arith.constant 131072 : i32
    %add3A_418 = arith.addi %add3A_402, %add3A_417 : i32
    %dma_start3A_419 = arith.constant 4096 : i32
    %dma_start3A_420 = tpu.memref_slice %arg16[%dma_start3A_419] : memref<6144xf32, #tpu.memory_space<vmem>> -> memref<2048xf32, #tpu.memory_space<vmem>>
    %dma_start3A_421 = tpu.memref_slice %arg7[%add3A_418] : memref<6291456xf32, #tpu.memory_space<hbm>> -> memref<2048xf32, #tpu.memory_space<hbm>>
    %dma_start3A_422 = tpu.memref_slice %arg7[%add3A_418] : memref<6291456xf32, #tpu.memory_space<hbm>> -> memref<2048xf32, #tpu.memory_space<hbm>>
    %dma_start3A_423 = arith.constant 4096 : i32
    %dma_start3A_424 = tpu.memref_slice %arg16[%dma_start3A_423] : memref<6144xf32, #tpu.memory_space<vmem>> -> memref<2048xf32, #tpu.memory_space<vmem>>
    tpu.enqueue_dma source(%dma_start3A_424 : memref<2048xf32, #tpu.memory_space<vmem>>) target(%dma_start3A_422 : memref<2048xf32, #tpu.memory_space<hbm>>) target_semaphore(%arg20 : memref<!tpu.dma_semaphore, #tpu.memory_space<semaphore_mem>>)
    %dma_wait3A_425 = arith.constant 0 : i32
    %dma_wait3A_426 = tpu.memref_slice %arg7[%dma_wait3A_425] : memref<6291456xf32, #tpu.memory_space<hbm>> -> memref<6144xf32, #tpu.memory_space<hbm>>
    %dma_wait3A_427 = arith.constant 0 : i32
    %dma_wait3A_428 = tpu.memref_slice %arg7[%dma_wait3A_427] : memref<6291456xf32, #tpu.memory_space<hbm>> -> memref<6144xf32, #tpu.memory_space<hbm>>
    tpu.wait_dma2 semaphore(%arg20 : memref<!tpu.dma_semaphore, #tpu.memory_space<semaphore_mem>>) src(%arg16 : memref<6144xf32, #tpu.memory_space<vmem>>) dst(%dma_wait3A_428 : memref<6144xf32, #tpu.memory_space<hbm>>)
    return
  }
}

</mosaic_0001>

<sc_bundles>
// kernel: kernel.3.cloned.1.call-start
scs
__scs_entry_jumppad:
0x0: {  	(pc) =	sbr.rel $0x88, $3  }
0x1: {  	(tag) =	ssettag $0x0;
	lr =	simm.s32 $0x1  }
0x2: {  	[smem:$0x3F9F] =	sst lr;
	_ =	strace $0xD0000000  }
0x3: {  	_ = 	snop  }
0x4: {  	_ = 	snop  }
0x5: {  	_ = 	snop  }
0x6: {  	_ = 	snop  }
0x7: {  	_ = 	snop  }
__scs_overlays_trampoline_lowered:
0x8: {  	[smem:$0x3FAE] =	sst s0  }
0x9: {  	[smem:$0x3FAF] =	sst s1  }
0xa: {  	[smem:$0x3FB0] =	sst s2  }
0xb: {  	[smem:$0x3FB1] =	sst s3  }
0xc: {  	[smem:$0x3FB2] =	sst s4  }
0xd: {  	[smem:$0x3FB3] =	sst s5  }
0xe: {  	[smem:$0x3FB4] =	sst s6  }
0xf: {  	[smem:$0x3FB5] =	sst s7  }
0x10: {  	[smem:$0x3FB6] =	sst s8  }
0x11: {  	[smem:$0x3FB7] =	sst s9;
	s0 =	simm.s32 @!p0 $0x0  }
0x12: {  	s1 =	sld [smem:$0x3F9D];
	s0 =	simm.s32 @p0 $0x1  }
0x13: {  	[smem:$0x3FB8] =	sst s0;
	s0 =	simm.s32 @!p1 $0x0  }
0x14: {  	s2 =	sld [smem:$0x3F9C];
	s0 =	simm.s32 @p1 $0x1  }
0x15: {  	[smem:$0x3FB9] =	sst s0;
	s0 =	simm.s32 @!p2 $0x0  }
0x16: {  	s3 =	sld [smem:$0x3FDB];
	s0 =	simm.s32 @p2 $0x1  }
0x17: {  	s4 =	simm.s32 $0x1BF5;
	[smem:$0x3FBB] =	sst s0  }
0x18: {  	s0 =	sld [smem:$0x3F9E];
	_ =	swait.ge [sflag:s4], $0x0  }
0x19: {  	s7 =	sld [smem:$0x3F9F]  }
0x1a: {  	s8 =	sadd.s32 $0xFFFFE003, lr  }
0x1b: {  	s9 =	sadd.s32 $0xFFFFFEF7, lr;
	s5 =	simm.s32 $0xFFFFFFFF;
	p2 =	slt.u32 s8, $0xFFFFF086  }
0x1c: {  	p1 =	slt.u32 s9, $0xF7A;
	s5 =	simm.s32 @!p2 $0x0  }
0x1d: {  	s5 =	simm.s32 @p1 $0x1;
	p0 =	seq.s32 s7, s2  }
0x1e: {  	s7 =	smul.u32 @!p0 $0xF7A, s2;
	p2 =	seq.s32 @!p0 s5, $0x0  }
0x1f: {  	s9 =	smul.u32 $0xF7A, s1;
	s8 =	simm.s32 @!p0 $0x1BF5;
	p2 =	por !p2, p0  }
0x20: {  	[sflag:s8] =	ssyncset.s32 @!p0 $0xFFFFF086;
	s6 =	sadd.s32 @!p0 s3, s7;
	s7 =	simm.s32 @!p0 $0x108  }
0x21: {  	s3 =	sadd.s32 s3, s9;
	s6 =	sadd.s32 @!p0 $0x88, s6;
	s7 =	simm.s32 @p2 $0x1082  }
0x22: {  	[simem:s7], [sflag:s8] =	dma.local @!p0 [hbm:s6], $0xF7A  }
0x23: {  	s9 =	sor.u32 $0xD0000000, s2;
	s6 =	simm.s32 $0x108;
	_ =	swait.ge @!p0 [sflag:s8], $0x0  }
0x24: {  	s3 =	sadd.s32 $0x88, s3;
	s6 =	simm.s32 @!p1 $0x1082;
	[sflag:s4] =	ssyncset.s32 $0xFFFFF086  }
0x25: {  	[simem:s6], [sflag:s4] =	dma.local [hbm:s3], $0xF7A  }
0x26: {  	[smem:$0x3F9F] =	sst s1;
	(tag) =	ssettag s2;
	_ =	strace s9  }
0x27: {  	s1 =	sld [smem:$0x3FAF]  }
0x28: {  	s2 =	sld [smem:$0x3FB0]  }
0x29: {  	s4 =	sld [smem:$0x3FB2]  }
0x2a: {  	p0 =	seq.s32 s5, $0x0;
	s5 =	sld [smem:$0x3FB3]  }
0x2b: {  	s6 =	sld [smem:$0x3FB4]  }
0x2c: {  	s7 =	sld [smem:$0x3FB5]  }
0x2d: {  	s3 =	simm.s32 $0x108;
	s8 =	sld [smem:$0x3FB6]  }
0x2e: {  	s3 =	simm.s32 @!p0 $0x1082;
	s9 =	sld [smem:$0x3FB7]  }
0x2f: {  	lr =	sadd.s32 s0, s3;
	s0 =	sld [smem:$0x3FAE]  }
0x30: {  	s3 =	sld [smem:$0x3FB1]  }
0x31: {  	[smem:$0x3FBA] =	sst s10  }
0x32: {  	s10 =	sld [smem:$0x3FB8];
	_ =	sdelay $0x3  }
0x33: {  	p0 =	seq.s32 s10, $0x1;
	s10 =	sld [smem:$0x3FBA];
	_ =	sdelay $0x3  }
0x34: {  	[smem:$0x3FBA] =	sst s10  }
0x35: {  	s10 =	sld [smem:$0x3FB9];
	_ =	sdelay $0x3  }
0x36: {  	p1 =	seq.s32 s10, $0x1;
	s10 =	sld [smem:$0x3FBA];
	_ =	sdelay $0x3  }
0x37: {  	[smem:$0x3FBA] =	sst s10  }
0x38: {  	s10 =	sld [smem:$0x3FBB]  }
0x39: {  	_ = 	snop;
	(pc) =	sbr.ind lr, $3  }
0x3a: {  	_ = 	snop  }
0x3b: {  	_ = 	snop  }
0x3c: {  	p2 =	seq.s32 s10, $0x1;
	s10 =	sld [smem:$0x3FBA]  }
0x3d: {  	_ =	shalt  }
0x3e: {  	_ =	shalt  }
0x3f: {  	_ =	shalt  }
0x40: {  	_ =	shalt  }
0x41: {  	_ =	shalt  }
0x42: {  	_ =	shalt  }
0x43: {  	_ =	shalt  }
0x44: {  	_ =	shalt  }
0x45: {  	_ =	shalt  }
0x46: {  	_ =	shalt  }
0x47: {  	_ =	shalt  }
0x48: {  	_ =	shalt  }
0x49: {  	_ =	shalt  }
0x4a: {  	_ =	shalt  }
0x4b: {  	_ =	shalt  }
0x4c: {  	_ =	shalt  }
0x4d: {  	_ =	shalt  }
0x4e: {  	_ =	shalt  }
0x4f: {  	_ =	shalt  }
0x50: {  	_ =	shalt  }
0x51: {  	_ =	shalt  }
0x52: {  	_ =	shalt  }
0x53: {  	_ =	shalt  }
0x54: {  	_ =	shalt  }
0x55: {  	_ =	shalt  }
0x56: {  	_ =	shalt  }
0x57: {  	_ =	shalt  }
0x58: {  	_ =	shalt  }
0x59: {  	_ =	shalt  }
0x5a: {  	_ =	shalt  }
0x5b: {  	_ =	shalt  }
0x5c: {  	_ =	shalt  }
0x5d: {  	_ =	shalt  }
0x5e: {  	_ =	shalt  }
0x5f: {  	_ =	shalt  }
0x60: {  	_ =	shalt  }
0x61: {  	_ =	shalt  }
0x62: {  	_ =	shalt  }
0x63: {  	_ =	shalt  }
0x64: {  	_ =	shalt  }
0x65: {  	_ =	shalt  }
0x66: {  	_ =	shalt  }
0x67: {  	_ =	shalt  }
0x68: {  	_ =	shalt  }
0x69: {  	_ =	shalt  }
0x6a: {  	_ =	shalt  }
0x6b: {  	_ =	shalt  }
0x6c: {  	_ =	shalt  }
0x6d: {  	_ =	shalt  }
0x6e: {  	_ =	shalt  }
0x6f: {  	_ =	shalt  }
0x70: {  	_ =	shalt  }
0x71: {  	_ =	shalt  }
0x72: {  	_ =	shalt  }
0x73: {  	_ =	shalt  }
0x74: {  	_ =	shalt  }
0x75: {  	_ =	shalt  }
0x76: {  	_ =	shalt  }
0x77: {  	_ =	shalt  }
0x78: {  	_ =	shalt  }
0x79: {  	_ =	shalt  }
0x7a: {  	_ =	shalt  }
0x7b: {  	_ =	shalt  }
0x7c: {  	_ =	shalt  }
0x7d: {  	_ =	shalt  }
0x7e: {  	_ =	shalt  }
0x7f: {  	_ =	shalt  }
0x80: {  	_ =	shalt  }
0x81: {  	_ =	shalt  }
0x82: {  	_ =	shalt  }
0x83: {  	_ =	shalt  }
0x84: {  	_ =	shalt  }
0x85: {  	_ =	shalt  }
0x86: {  	_ =	shalt  }
0x87: {  	_ =	shalt  }
.Lfunc_end0:
.L_simem_size_0:
called_computation.1_lowered:
.L_overlay_start_0:
0x88: {  	s2 =	sld [smem:$0x3FD9]  }
0x89: {  	s3 =	sld [smem:$0x3FFE];
	_ =	sdelay $0x1  }
0x8a: {  	s1 =	srdreg.scid  }
0x8b: {  	s0 =	sand.u32 $0x1, s1  }
0x8c: {  	s17 =	sshll.u32 s0, $0xA;
	s2 =	sadd.s32 s3, s2  }
0x8d: {  	s2 =	sadd.s32 s2, s17  }
0x8e: {  	[smem:$0x3FC6] =	sst s2  }
0x8f: {  	_ = 	snop  }
0x90: {  	s2 =	sld [smem:$0x3FD0];
	(tm) =	ssettm $0x1  }
0x91: {  	s18 =	sld [smem:$0x3FFB];
	_ =	sdelay $0x3  }
0x92: {  	_ =	strace s18  }
0x93: {  	s3 =	sld [smem:$0x3FFC];
	_ =	sdelay $0x3  }
0x94: {  	_ =	strace s3  }
0x95: {  	s3 =	sld [smem:$0x3FFD];
	_ =	sdelay $0x3  }
0x96: {  	_ =	strace s3  }
0x97: {  	_ =	strace $0x8FFFFFFF  }
0x98: {  	s19 =	sld [smem:$0x3FDB];
	_ =	sdelay $0x1  }
0x99: {  	s4 =	simm.s32 $_scs_section_size  }
0x9a: {  	s5 =	simm.s32 $_size__tile_overlayer_lowered;
	s6 =	simm.s32 $_tile_overlayer_lowered  }
0x9b: {  	s22 =	simm.s32 $0x1BFF;
	s21 =	sshll.u32 s6, $0x1;
	s3 =	sadd.s32 s4, s19  }
0x9c: {  	s7 =	simm.s32 $0x0;
	s20 =	sshll.u32 s5, $0x1;
	s5 =	sadd.s32 s21, s3  }
0x9d: {  	[timem:s7], [sflag:s22] =	dma.local [hbm:s5], s20  }
0x9e: {  	_ =	swait.ge [sflag:s22], s20  }
0x9f: {  	s4 =	ssub.s32 $0x0, s20;
	[sflag:s22] =	ssyncset.done $0x0  }
0xa0: {  	[sflag:s22] =	ssyncadd.s32 s4;
	_ =	sdelay $0x1  }
0xa1: {  	s23 =	simm.s32 $0x1B8B  }
0xa2: {  	_ =	swait.ge [sflag:s23], $0x1  }
0xa3: {  	[sflag:s23] =	ssyncset.done $0x0  }
0xa4: {  	s25 =	simm.s32 $0x1B8E;
	s24 =	sld [smem:$0x3FFE];
	[sflag:s23] =	ssyncadd.s32 $0xFFFFFFFF  }
0xa5: {  	s26 =	simm.s32 $execute0_lowered;
	[smem:$0x3FD2] =	sst s25  }
0xa6: {  	s5 =	sshll.u32 s26, $0x1;
	_ =	strace $0x80000049;
	[dreg:$0x1] =	wrdreg $0xFFFFFFFF  }
0xa7: {  	s28 =	simm.s32 $_size_execute0_lowered;
	s3 =	sadd.s32 s3, s5;
	[dreg:$0x0] =	wrdreg $0x0  }
0xa8: {  	s5 =	sshll.u32 s28, $0x1;
	[dreg:$0x2] =	wrdreg s3  }
0xa9: {  	[dreg:$0x3] =	wrdreg s5  }
0xaa: {  	[dreg:$0x4] =	wrdreg $0xC0  }
0xab: {  	_ =	task [dreg:s7], $0x5FFFF  }
0xac: {  	[dreg:$0x1] =	wrdreg $0xFFFFFFFF  }
0xad: {  	[dreg:$0x0] =	wrdreg $0x60  }
0xae: {  	[dreg:$0x2] =	wrdreg s24  }
0xaf: {  	[dreg:$0x3] =	wrdreg s2  }
0xb0: {  	[dreg:$0x4] =	wrdreg $0x0  }
0xb1: {  	[dreg:$0x5] =	wrdreg $0x9  }
0xb2: {  	_ =	task.clear_ibuf [dreg:s7], $0x6FFFF;
	_ =	strace $0x90000049  }
0xb3: {  	s29 =	simm.s32 $0x9;
	_ =	strace $0x8000004B  }
0xb4: {  	_ =	swait.ge [sflag:s29], $0x1  }
0xb5: {  	[sflag:s29] =	ssyncadd.s32 $0xFFFFFFFF  }
0xb6: {  	_ =	strace $0x9000004B  }
0xb7: {  	_ =	sfence  }
0xb8: {  	s30 =	sld [smem:$0x0];
	_ =	sdelay $0x2  }
0xb9: {  	s31 =	sshll.u32 s1, $0xD;
	s1 =	sshrl.u32 s1, $0x2  }
0xba: {  	s3 =	sand.u32 $0x4000, s31;
	s1 =	sadd.s32 s1, s30  }
0xbb: {  	s0 =	sor.u32 s3, s0;
	s1 =	sshll.u32 s1, $0x11  }
0xbc: {  	s0 =	sor.u32 s1, s0  }
0xbd: {  	s0 =	sadd.s32 $0x8F2B, s0  }
0xbe: {  	[sflag:s0] =	ssyncadd.remote.s32 $0x1  }
0xbf: {  	_ =	sfence.sel $0xFFFF  }
0xc0: {  	[dreg:$0x0] =	wrdreg $0xFFFFFFFF;
	(pc) =	sbr.abs _section_cstart, $3  }
0xc1: {  	[dreg:$0x1] =	wrdreg $0xFFFFFFFF  }
0xc2: {  	_ =	task.clear_ibuf [dreg:s7], $0x2FFFF;
	_ =	strace $0x9FFFFFFF  }
0xc3: {  	(tm) =	ssettm $0x7FFFFFFF  }
tec
execute0_lowered:
.L_overlay_start_1:
0x0: {  	(tag) =	ssettag $0x1  }
0x1: {  	s0 =	rddreg [dreg:$0x0]  }
0x2: {  	s7 =	rddreg [dreg:$0x1]  }
0x3: {  	s8 =	rddreg [dreg:$0x2]  }
0x4: {  	s1 =	srdreg.scid;
	s5 =	stileid.u32;
	s10 =	simm.s32 $0x0  }
0x5: {  	s1 =	sand.u32 $0x1, s1;
	s2 =	sshll.u32 s5, $0xC;
	[smem:$0x7FF] =	sst s10  }
0x6: {  	s6 =	sadd.s32 $0x1000, s0;
	s13 =	sadd.s32 $0x301000, s0;
	s23 =	sadd.s32 $0x2000, s7  }
0x7: {  	s3 =	sshll.u32 s1, $0xB;
	_ =	strace $0x8000004A;
	s1 =	ssub.s32 $0x2, s1  }
0x8: {  	[dreg:$0x5] =	wrdreg s13;
	s9 =	sor.u32 s3, s2;
	s4 =	sshrl.u32 s1, $0x1  }
0x9: {  	[dreg:$0x13] =	wrdreg s23;
	s2 =	sshrl.u32 s9, $0x3;
	s1 =	ssub.s32 s1, s4  }
0xa: {  	[dreg:$0x4] =	wrdreg s9;
	s14 =	sadd.s32 s2, s0;
	s0 =	sadd.s32 $0x9000, s0  }
0xb: {  	s24 =	smax.u32 s1, $0x1;
	[dreg:$0xa] =	wrdreg s0  }
0xc: {  	s11 =	sadd.s32 $0x305200, s14;
	[dreg:$0x16] =	wrdreg s24  }
0xd: {  	s15 =	sadd.s32 $0x303200, s14;
	[dreg:$0x6] =	wrdreg s11  }
0xe: {  	s17 =	sshll.u32 s5, $0xB;
	s3 =	sadd.s32 $0x301200, s14;
	[dreg:$0x7] =	wrdreg s15  }
0xf: {  	s0 =	sadd.s32 s17, s0;
	[dreg:$0x8] =	wrdreg s3  }
0x10: {  	[dreg:$0xd] =	wrdreg s0;
	s0 =	sadd.s32 s2, s23  }
0x11: {  	s11 =	sshll.u32 s5, $0xE;
	s5 =	sadd.s32 s6, s17;
	[dreg:$0x15] =	wrdreg s0  }
0x12: {  	s3 =	sadd.s32 s7, s2;
	[dreg:$0xb] =	wrdreg s5  }
0x13: {  	s19 =	sadd.s32 $0x10000, s5;
	[dreg:$0x14] =	wrdreg s3  }
0x14: {  	s21 =	sadd.s32 $0x18000, s5;
	[dreg:$0xf] =	wrdreg s19  }
0x15: {  	s25 =	sadd.s32 $0x20000, s5;
	[dreg:$0x11] =	wrdreg s21  }
0x16: {  	s16 =	sadd.s32 s11, s8;
	[dreg:$0x17] =	wrdreg s25  }
0x17: {  	s1 =	sadd.s32 $0x28000, s5;
	[dreg:$0x9] =	wrdreg s16  }
0x18: {  	s2 =	sadd.s32 $0x30000, s5;
	[dreg:$0x19] =	wrdreg s1  }
0x19: {  	s4 =	sadd.s32 $0x38000, s5;
	[dreg:$0x1a] =	wrdreg s2  }
0x1a: {  	s30 =	sadd.s32 $0x40080, s8;
	s7 =	sadd.s32 $0x40000, s5;
	[dreg:$0x1b] =	wrdreg s4  }
0x1b: {  	s31 =	sadd.s32 $0x80100, s8;
	s8 =	sadd.s32 $0x4000, s3;
	[dreg:$0x1c] =	wrdreg s7  }
0x1c: {  	s13 =	sadd.s32 $0x50000, s5;
	[dreg:$0x1d] =	wrdreg s8  }
0x1d: {  	s14 =	sadd.s32 $0x58000, s5;
	[dreg:$0x1f] =	wrdreg s13  }
0x1e: {  	s15 =	sadd.s32 $0x6000, s3;
	[smem:$0x7F2] =	sst s14  }
0x1f: {  	s17 =	sadd.s32 $0xA000, s3;
	[smem:$0x7F3] =	sst s15  }
0x20: {  	s23 =	sadd.s32 $0xB8000, s3;
	[smem:$0x7F5] =	sst s17  }
0x21: {  	s24 =	sadd.s32 $0xBA000, s3;
	[smem:$0x7FA] =	sst s23  }
0x22: {  	s12 =	sadd.s32 $0x40080, s16;
	[smem:$0x7FB] =	sst s24  }
0x23: {  	s28 =	simm.s32 $0x1C430;
	s18 =	sadd.s32 $0x80100, s16;
	[dreg:$0xc] =	wrdreg s12  }
0x24: {  	s29 =	simm.s32 $0x3;
	s20 =	sadd.s32 $0xC0180, s16;
	[dreg:$0xe] =	wrdreg s18  }
0x25: {  	s0 =	simm.s32 $0x2;
	s22 =	sadd.s32 $0x100200, s16;
	[dreg:$0x10] =	wrdreg s20  }
0x26: {  	s26 =	sadd.s32 $0x140280, s16;
	s16 =	sadd.s32 $0x8000, s3;
	[dreg:$0x12] =	wrdreg s22  }
0x27: {  	s19 =	sor.u32 $0x80000, s11;
	s21 =	sadd.s32 $0xB4000, s3;
	[dreg:$0x18] =	wrdreg s26  }
0x28: {  	s25 =	sadd.s32 $0xBC000, s3;
	s7 =	simm.s32 $0x5;
	[smem:$0x7F4] =	sst s16  }
0x29: {  	s8 =	simm.s32 $0x800;
	s24 =	simm.s32 $0x1B430;
	[smem:$0x7F8] =	sst s21  }
0x2a: {  	s17 =	simm.s32 $0x1A430;
	s12 =	sadd.s32 $0x48000, s5;
	[smem:$0x7FC] =	sst s25  }
0x2b: {  	s2 =	simm.s32 $0x0;
	s18 =	sor.u32 $0x40000, s11;
	[dreg:$0x1e] =	wrdreg s12  }
0x2c: {  	s20 =	sor.u32 $0x30000, s9;
	s22 =	sadd.s32 $0xB6000, s3;
	[smem:$0x7F6] =	sst s18  }
0x2d: {  	s26 =	sadd.s32 $0xBE000, s3;
	s9 =	simm.s32 $0x19C30;
	[smem:$0x7F7] =	sst s20  }
0x2e: {  	s16 =	simm.s32 $0x6;
	s25 =	simm.s32 $0x1D430;
	[smem:$0x7F9] =	sst s22  }
0x2f: {  	[smem:$0x7FD] =	sst s26;
	s26 =	simm.s32 $0x1;
	s12 =	simm.s32 $0x4  }
.LBB2_1:
0x30: {  	[smem:$0x7F1] =	sst s2  }
0x31: {  	s1 =	rddreg [dreg:$0x6];
	s14 =	simm.s32 $0x18030;
	s3 =	simm.s32 $0x7  }
0x32: {  	[tilespmem:s14], [sflag:$0x7] =	stream.linear.gather [hbm4b:s1+s10], $0x800, $0x38;
	[tilespmem:$0x1DC30] =	vst v63  }
0x33: {  	_ =	swait.ge [sflag:s3], $0x800  }
0x34: {  	[sflag:s3] =	ssyncset.done $0x0  }
0x35: {  	s18 =	simm.s32 $0x18830;
	s15 =	rddreg [dreg:$0x7];
	[sflag:s3] =	ssyncadd.s32 $0xFFFFF800  }
0x36: {  	[tilespmem:s18], [sflag:$0x7] =	stream.linear.gather [hbm4b:s15+s10], $0x800, $0x38;
	[tilespmem:$0x1DC30] =	vst v63  }
0x37: {  	_ =	swait.ge [sflag:s3], $0x800  }
0x38: {  	[sflag:s3] =	ssyncset.done $0x0  }
0x39: {  	s21 =	simm.s32 $0x19030;
	s20 =	rddreg [dreg:$0x8];
	[sflag:s3] =	ssyncadd.s32 $0xFFFFF800  }
0x3a: {  	[tilespmem:s21], [sflag:$0x7] =	stream.linear.gather [hbm4b:s20+s10], $0x800, $0x38;
	[tilespmem:$0x1DC30] =	vst v63  }
0x3b: {  	_ =	swait.ge [sflag:s3], $0x800  }
0x3c: {  	s23 =	simm.s32 $0x19830;
	[sflag:s3] =	ssyncset.done $0x0  }
0x3d: {  	s4 =	stileid.u32;
	s22 =	rddreg [dreg:$0x5];
	[sflag:s3] =	ssyncadd.s32 $0xFFFFF800  }
0x3e: {  	[tilespmem:s23], [sflag:$0x7] =	stream.linear.gather [hbm4b:s22+s10], $0x400, $0x38;
	[tilespmem:$0x1DC30] =	vst v63  }
0x3f: {  	s5 =	sshll.u32 s4, $0x6;
	_ =	swait.ge [sflag:s3], $0x400  }
0x40: {  	s23 =	sor.u32 $0x1C05, s5;
	[sflag:s3] =	ssyncset.done $0x0;
	s10 =	rddreg [dreg:$0x9]  }
0x41: {  	s13 =	rddreg [dreg:$0xb];
	[sflag:s3] =	ssyncadd.s32 $0xFFFFFC00;
	s4 =	sshrl.u32 s10, $0x3  }
0x42: {  	[spmem:s4], [sflag:s23] =	dma.local [hbm:s13], $0x800  }
0x43: {  	s1 =	rddreg [dreg:$0xc]  }
0x44: {  	s14 =	rddreg [dreg:$0xd];
	s1 =	sshrl.u32 s1, $0x3  }
0x45: {  	[spmem:s1], [sflag:s23] =	dma.local [hbm:s14], $0x800  }
0x46: {  	s3 =	rddreg [dreg:$0xe]  }
0x47: {  	s15 =	rddreg [dreg:$0xf];
	s14 =	sshrl.u32 s3, $0x3  }
0x48: {  	[spmem:s14], [sflag:s23] =	dma.local [hbm:s15], $0x800  }
0x49: {  	s3 =	rddreg [dreg:$0x10]  }
0x4a: {  	s2 =	sor.u32 $0x1C06, s5;
	s18 =	rddreg [dreg:$0x11];
	s5 =	sshrl.u32 s3, $0x3  }
0x4b: {  	[spmem:s5], [sflag:s2] =	dma.local [hbm:s18], $0x800  }
0x4c: {  	s3 =	rddreg [dreg:$0x12]  }
0x4d: {  	s20 =	rddreg [dreg:$0x17];
	s13 =	sshrl.u32 s3, $0x3  }
0x4e: {  	[spmem:s13], [sflag:s2] =	dma.local [hbm:s20], $0x800  }
0x4f: {  	s3 =	rddreg [dreg:$0x18]  }
0x50: {  	s21 =	rddreg [dreg:$0x19];
	s22 =	sshrl.u32 s3, $0x3  }
0x51: {  	[spmem:s22], [sflag:s2] =	dma.local [hbm:s21], $0x800  }
0x52: {  	v1 =	vld [tilespmem:$0x19830]  }
0x53: {  	s20 =	simm.s32 $0x0;
	v0 =	vld [tilespmem:$0x19840]  }
0x54: {  	v2 =	vld [tilespmem:s20+$0x18030]  }
0x55: {  	v3 =	vld [tilespmem:s20+$0x18830];
	_ =	sdelay $0x2  }
0x56: {  	s3 =	simm.s32 $0x10  }
0x57: {  	v4 =	vld [tilespmem:s3+$0x18830];
	v2 =	vadd.f32 v2, v1  }
0x58: {  	v5 =	vld [tilespmem:s3+$0x18030];
	v3 =	vadd.f32 v3, v0  }
0x59: {  	v2 =	vmax.f32 v2, $5.000000000e-01  }
0x5a: {  	v3 =	vmax.f32 v3, $5.000000000e-01;
	v8 =	vmin.f32 v2, $5.115000000e+02  }
0x5b: {  	v9 =	vmin.f32 v3, $5.115000000e+02;
	v3 =	vtrunc.f32 v8  }
0x5c: {  	v6 =	vadd.f32 v4, v0;
	v10 =	vtrunc.f32 v9;
	v4 =	vcvt.f32.s32 v3  }
0x5d: {  	s10 =	simm.s32 $0x20;
	v7 =	vadd.f32 v5, v1;
	v5 =	vcvt.f32.s32 v10  }
0x5e: {  	v6 =	vmax.f32 v6, $5.000000000e-01;
	v2 =	vld [tilespmem:s10+$0x18830];
	vm0 =	veq.f32 v8, v3;
	v8 =	vand.u32 $0x1, v4  }
0x5f: {  	s15 =	simm.s32 $0xC0;
	v3 =	vld [tilespmem:s10+$0x18030];
	v8 =	vnsel vm0, $0x0, v8;
	vm0 =	veq.f32 v9, v10;
	v9 =	vand.u32 $0x1, v5  }
.LBB2_2:
0x60: {  	p0 =	sne.s32 s15, $0x1FC0;
	v7 =	vmax.f32 v7, $5.000000000e-01;
	v4 =	vsub.s32 v4, v8;
	v8 =	vnsel vm0, $0x0, v9  }
0x61: {  	v9 =	vmin.f32 v7, $5.115000000e+02;
	v5 =	vsub.s32 v5, v8;
	v4 =	vshll.u32 v4, $0x9  }
.Ltmp0:
0x62: {  	v10 =	vmin.f32 v6, $5.115000000e+02;
	v8 =	vtrunc.f32 v9;
	v5 =	vadd.s32 v4, v5;
	(pc) =	sbr.rel @p0 .LBB2_2-.Ltmp0, $4  }
0x63: {  	v11 =	vtrunc.f32 v10;
	v6 =	vadd.f32 v2, v0;
	v4 =	vcvt.f32.s32 v8;
	[tilespmem:s20+$0x19C30] =	vst v5;
	s20 =	smov.u32 s3;
	s3 =	smov.u32 s10  }
0x64: {  	s10 =	sshra.s32 s15, $0x2;
	v5 =	vcvt.f32.s32 v11;
	v7 =	vadd.f32 v3, v1  }
0x65: {  	vm0 =	veq.f32 v9, v8;
	v2 =	vld [tilespmem:s10+$0x18830];
	v6 =	vmax.f32 v6, $5.000000000e-01;
	v8 =	vand.u32 $0x1, v4  }
0x66: {  	s15 =	sadd.s32 $0x40, s15;
	v9 =	vand.u32 $0x1, v5;
	v3 =	vld [tilespmem:s10+$0x18030];
	v8 =	vnsel vm0, $0x0, v8;
	vm0 =	veq.f32 v10, v11  }
0x67: {  	_ = 	snop  }
0x68: {  	v7 =	vmax.f32 v7, $5.000000000e-01;
	v9 =	vnsel vm0, $0x0, v9  }
0x69: {  	v4 =	vsub.s32 v4, v8;
	v6 =	vmin.f32 v6, $5.115000000e+02;
	v7 =	vmin.f32 v7, $5.115000000e+02  }
0x6a: {  	v5 =	vsub.s32 v5, v9;
	v4 =	vshll.u32 v4, $0x9;
	v10 =	vtrunc.f32 v6  }
0x6b: {  	v8 =	vtrunc.f32 v7;
	vm12 =	veq.f32 v6, v10;
	v1 =	vadd.f32 v3, v1  }
0x6c: {  	v9 =	vcvt.f32.s32 v8;
	v0 =	vadd.f32 v2, v0;
	v2 =	vcvt.f32.s32 v10  }
0x6d: {  	vm11 =	veq.f32 v7, v8;
	v3 =	vadd.s32 v4, v5;
	v1 =	vmax.f32 v1, $5.000000000e-01  }
0x6e: {  	v4 =	vand.u32 $0x1, v9;
	v0 =	vmax.f32 v0, $5.000000000e-01;
	v1 =	vmin.f32 v1, $5.115000000e+02  }
0x6f: {  	v6 =	vand.u32 $0x1, v2;
	v0 =	vmin.f32 v0, $5.115000000e+02;
	v5 =	vtrunc.f32 v1  }
0x70: {  	v4 =	vnsel vm11, $0x0, v4;
	v8 =	vtrunc.f32 v0;
	v7 =	vcvt.f32.s32 v5  }
0x71: {  	v6 =	vnsel vm12, $0x0, v6;
	v4 =	vsub.s32 v9, v4;
	v9 =	vcvt.f32.s32 v8  }
0x72: {  	v2 =	vsub.s32 v2, v6;
	vm13 =	veq.f32 v1, v5;
	v1 =	vand.u32 $0x1, v7  }
0x73: {  	vm14 =	veq.f32 v0, v8;
	v0 =	vand.u32 $0x1, v9;
	v1 =	vnsel vm13, $0x0, v1  }
0x74: {  	v4 =	vshll.u32 v4, $0x9;
	v0 =	vnsel vm14, $0x0, v0;
	v1 =	vsub.s32 v7, v1  }
0x75: {  	[tilespmem:s20+$0x19C30] =	vst v3;
	v2 =	vadd.s32 v4, v2;
	v0 =	vsub.s32 v9, v0;
	v1 =	vshll.u32 v1, $0x9  }
0x76: {  	[tilespmem:s3+$0x19C30] =	vst v2;
	v0 =	vadd.s32 v1, v0  }
0x77: {  	[tilespmem:s10+$0x19C30] =	vst v0  }
0x78: {  	s3 =	simm.s32 $0x0;
	v1 =	vld [tilespmem:$0x19850]  }
0x79: {  	v2 =	vld [tilespmem:s3+$0x18030]  }
0x7a: {  	v0 =	vld [tilespmem:$0x19860]  }
0x7b: {  	v3 =	vld [tilespmem:s3+$0x18830];
	_ =	sdelay $0x1  }
0x7c: {  	s20 =	simm.s32 $0x10  }
0x7d: {  	v4 =	vld [tilespmem:s20+$0x18030];
	v2 =	vadd.f32 v2, v1;
	_ =	sdelay $0x1  }
0x7e: {  	v3 =	vadd.f32 v3, v0;
	v2 =	vmax.f32 v2, $5.000000000e-01  }
0x7f: {  	v2 =	vmin.f32 v2, $5.115000000e+02  }
0x80: {  	v5 =	vld [tilespmem:s20+$0x18830];
	v3 =	vmax.f32 v3, $5.000000000e-01;
	v6 =	vtrunc.f32 v2  }
0x81: {  	v4 =	vadd.f32 v4, v1;
	v3 =	vmin.f32 v3, $5.115000000e+02;
	v7 =	vcvt.f32.s32 v6  }
0x82: {  	v9 =	vtrunc.f32 v3;
	vm15 =	veq.f32 v2, v6  }
0x83: {  	s10 =	simm.s32 $0x20;
	v2 =	vmax.f32 v4, $5.000000000e-01;
	v4 =	vcvt.f32.s32 v9;
	v8 =	vand.u32 $0x1, v7  }
0x84: {  	v10 =	vld [tilespmem:s10+$0x18030];
	vm1 =	veq.f32 v3, v9;
	v3 =	vmin.f32 v2, $5.115000000e+02;
	v6 =	vnsel vm15, $0x0, v8  }
0x85: {  	v2 =	vadd.f32 v5, v0;
	v7 =	vsub.s32 v7, v6;
	v6 =	vand.u32 $0x1, v4  }
0x86: {  	v5 =	vtrunc.f32 v3;
	v9 =	vnsel vm1, $0x0, v6  }
0x87: {  	v8 =	vmax.f32 v2, $5.000000000e-01;
	v2 =	vcvt.f32.s32 v5;
	v11 =	vsub.s32 v4, v9;
	v4 =	vld [tilespmem:s10+$0x18830]  }
0x88: {  	v6 =	vmin.f32 v8, $5.115000000e+02;
	v8 =	vshll.u32 v7, $0x9  }
0x89: {  	s15 =	simm.s32 $0xC0;
	v7 =	vand.u32 $0x1, v2;
	v9 =	vadd.f32 v10, v1;
	v8 =	vadd.s32 v8, v11  }
.LBB2_4:
0x8a: {  	s18 =	sshra.s32 s15, $0x2;
	p0 =	sne.s32 s15, $0x1FC0;
	s15 =	sadd.s32 $0x40, s15;
	v10 =	vtrunc.f32 v6;
	vm0 =	veq.f32 v3, v5;
	v3 =	vadd.s32 $0xC0180, v8  }
0x8b: {  	v8 =	vld [tilespmem:s18+$0x18030];
	v5 =	vmax.f32 v9, $5.000000000e-01;
	v9 =	vcvt.f32.s32 v10;
	vm1 =	veq.f32 v6, v10;
	[tilespmem:s3+$0x1A430] =	vst v3;
	s3 =	smov.u32 s20;
	s20 =	smov.u32 s10;
	s10 =	smov.u32 s18  }
.Ltmp1:
0x8c: {  	v6 =	vadd.f32 v4, v0;
	v7 =	vnsel vm0, $0x0, v7;
	v3 =	vmin.f32 v5, $5.115000000e+02;
	v4 =	vld [tilespmem:s10+$0x18830];
	(pc) =	sbr.rel @p0 .LBB2_4-.Ltmp1, $4  }
0x8d: {  	v7 =	vsub.s32 v2, v7;
	v5 =	vtrunc.f32 v3;
	v10 =	vand.u32 $0x1, v9  }
0x8e: {  	v6 =	vmax.f32 v6, $5.000000000e-01;
	v2 =	vcvt.f32.s32 v5;
	v10 =	vnsel vm1, $0x0, v10  }
0x8f: {  	v11 =	vshll.u32 v7, $0x9;
	v6 =	vmin.f32 v6, $5.115000000e+02;
	v10 =	vsub.s32 v9, v10  }
0x90: {  	v9 =	vadd.f32 v8, v1;
	v7 =	vand.u32 $0x1, v2;
	v8 =	vadd.s32 v11, v10  }
0x91: {  	v1 =	vtrunc.f32 v6;
	vm0 =	veq.f32 v3, v5;
	v0 =	vadd.f32 v4, v0  }
0x92: {  	v3 =	vmax.f32 v9, $5.000000000e-01;
	v59 =	vcvt.f32.s32 v1;
	vm1 =	veq.f32 v6, v1  }
0x93: {  	v1 =	vmin.f32 v3, $5.115000000e+02;
	v3 =	vnsel vm0, $0x0, v7;
	v0 =	vmax.f32 v0, $5.000000000e-01  }
0x94: {  	v60 =	vtrunc.f32 v1;
	v2 =	vsub.s32 v2, v3;
	v0 =	vmin.f32 v0, $5.115000000e+02  }
0x95: {  	v3 =	vand.u32 $0x1, v59;
	v61 =	vcvt.f32.s32 v60;
	v62 =	vtrunc.f32 v0  }
0x96: {  	v8 =	vadd.s32 $0xC0180, v8;
	v3 =	vnsel vm1, $0x0, v3;
	v63 =	vcvt.f32.s32 v62  }
0x97: {  	v2 =	vshll.u32 v2, $0x9;
	vm14 =	veq.f32 v1, v60;
	v1 =	vand.u32 $0x1, v61  }
0x98: {  	vm15 =	veq.f32 v0, v62;
	v0 =	vnsel vm14, $0x0, v1;
	v1 =	vand.u32 $0x1, v63  }
0x99: {  	v3 =	vsub.s32 v59, v3;
	v0 =	vsub.s32 v61, v0;
	v1 =	vnsel vm15, $0x0, v1  }
0x9a: {  	v2 =	vadd.s32 v2, v3;
	v0 =	vshll.u32 v0, $0x9;
	v1 =	vsub.s32 v63, v1  }
0x9b: {  	[tilespmem:s3+$0x1A430] =	vst v8;
	v2 =	vadd.s32 $0xC0180, v2;
	v0 =	vadd.s32 v0, v1  }
0x9c: {  	[tilespmem:s20+$0x1A430] =	vst v2;
	v0 =	vadd.s32 $0xC0180, v0  }
0x9d: {  	[tilespmem:s10+$0x1A430] =	vst v0  }
0x9e: {  	_ =	swait.ge [sflag:s7], $0x1800  }
0x9f: {  	[sflag:s7] =	ssyncset.done $0x0  }
0xa0: {  	[sflag:s7] =	ssyncadd.s32 $0xFFFFE800  }
0xa1: {  	[bflag:$0x0] =	sbarrier.arrive $0xFFFF  }
0xa2: {  	s3 =	simm.s32 $0x1AC30;
	s21 =	rddreg [dreg:$0x2]  }
0xa3: {  	[tilespmem:s3], [sflag:$0x1] =	stream.indirect.gather [spmem:s21], $0x1, s9, s8, $0xb8;
	[tilespmem:$0x1DC30] =	vst v63  }
0xa4: {  	_ = 	snop  }
0xa5: {  	[tilespmem:s24], [sflag:$0x1] =	stream.indirect.gather [spmem:s30], $0x1, s9, s8, $0xb8;
	[tilespmem:$0x1DC30] =	vst v63  }
0xa6: {  	s15 =	simm.s32 $0x1BC30  }
0xa7: {  	[tilespmem:s15], [sflag:$0x1] =	stream.indirect.gather [spmem:s31], $0x1, s9, s8, $0xb8;
	[tilespmem:$0x1DC30] =	vst v63  }
0xa8: {  	_ =	swait.ge [sflag:s16], $0x1800  }
0xa9: {  	[sflag:s16] =	ssyncset.done $0x0  }
0xaa: {  	[sflag:s16] =	ssyncadd.s32 $0xFFFFE800  }
0xab: {  	[bflag:$0x0] =	sbarrier.arrive $0xFFFF  }
0xac: {  	[tilespmem:s28], [sflag:$0x2] =	stream.indirect.gather [spmem:s21], $0x1, s17, s8, $0xb8;
	[tilespmem:$0x1DC30] =	vst v63  }
0xad: {  	s18 =	simm.s32 $0x1CC30  }
0xae: {  	[tilespmem:s18], [sflag:$0x2] =	stream.indirect.gather [spmem:s30], $0x1, s17, s8, $0xb8;
	[tilespmem:$0x1DC30] =	vst v63  }
0xaf: {  	_ = 	snop  }
0xb0: {  	[tilespmem:s25], [sflag:$0x2] =	stream.indirect.gather [spmem:s31], $0x1, s17, s8, $0xb8;
	[tilespmem:$0x1DC30] =	vst v63  }
0xb1: {  	_ =	swait.ge [sflag:s26], $0x1800  }
0xb2: {  	[sflag:s26] =	ssyncset.done $0x0  }
0xb3: {  	[sflag:s26] =	ssyncadd.s32 $0xFFFFE800  }
0xb4: {  	[bflag:$0x0] =	sbarrier.arrive $0xFFFF  }
0xb5: {  	s20 =	rddreg [dreg:$0x1a]  }
0xb6: {  	[spmem:s4], [sflag:s23] =	dma.local [hbm:s20], $0x800  }
0xb7: {  	s10 =	rddreg [dreg:$0x1b]  }
0xb8: {  	[spmem:s1], [sflag:s23] =	dma.local [hbm:s10], $0x800  }
0xb9: {  	s10 =	rddreg [dreg:$0x1c]  }
0xba: {  	[spmem:s14], [sflag:s23] =	dma.local [hbm:s10], $0x800  }
0xbb: {  	s10 =	simm.s32 $0x19030  }
0xbc: {  	v0 =	vld [tilespmem:s10+$0x0]  }
0xbd: {  	v1 =	vld [tilespmem:s3+$0x0];
	_ =	sdelay $0x4  }
0xbe: {  	v1 =	vmul.f32 v1, v0  }
0xbf: {  	s21 =	simm.s32 $0x0  }
0xc0: {  	s18 =	sand.u32 $0x7F0, s21;
	[tilespmem:s3+$0x0] =	vst v1  }
0xc1: {  	v1 =	vld [tilespmem:s18+$0x1B430]  }
0xc2: {  	v2 =	vld [tilespmem:s18+$0x1BC30];
	_ =	sdelay $0x3  }
0xc3: {  	v1 =	vmul.f32 v1, v0  }
0xc4: {  	s15 =	simm.s32 $0x10;
	v0 =	vmul.f32 v2, v0  }
.LBB2_6:
0xc5: {  	p0 =	sne.s32 s15, $0x7F0;
	[tilespmem:s18+$0x1B430] =	vst v1;
	s10 =	sadd.s32 $0x10, s10;
	s3 =	sadd.s32 $0x10, s3  }
0xc6: {  	[tilespmem:s18+$0x1BC30] =	vst v0;
	s18 =	smov.u32 s15;
	s15 =	sadd.s32 $0x10, s15  }
0xc7: {  	v0 =	vld [tilespmem:s10+$0x0]  }
0xc8: {  	v1 =	vld [tilespmem:s3+$0x0];
	_ =	sdelay $0x4  }
0xc9: {  	v1 =	vmul.f32 v1, v0;
	_ =	sdelay $0x1  }
0xca: {  	s18 =	sand.u32 $0x7F0, s18;
	[tilespmem:s3+$0x0] =	vst v1  }
0xcb: {  	v1 =	vld [tilespmem:s18+$0x1B430]  }
0xcc: {  	v2 =	vld [tilespmem:s18+$0x1BC30]  }
.Ltmp2:
0xcd: {  	(pc) =	sbr.rel @p0 .LBB2_6-.Ltmp2, $3  }
0xce: {  	_ =	sdelay $0x1  }
0xcf: {  	v1 =	vmul.f32 v1, v0  }
0xd0: {  	v0 =	vmul.f32 v2, v0  }
0xd1: {  	[tilespmem:s18+$0x1B430] =	vst v1  }
0xd2: {  	s3 =	simm.s32 $0x0;
	s10 =	rddreg [dreg:$0x14];
	s15 =	simm.s32 $0x1AC30;
	[tilespmem:s18+$0x1BC30] =	vst v0  }
0xd3: {  	[hbm4b:s10+s3] =	stream.linear.scatter [tilespmem:s15], [sflag:$0x3], $0x800, $0x38;
	[tilespmem:$0x1DC30] =	vst v63  }
0xd4: {  	s18 =	rddreg [dreg:$0x15]  }
0xd5: {  	[hbm4b:s18+s3] =	stream.linear.scatter [tilespmem:s24], [sflag:$0x3], $0x800, $0x38;
	[tilespmem:$0x1DC30] =	vst v63  }
0xd6: {  	s20 =	rddreg [dreg:$0x1d];
	s21 =	simm.s32 $0x1BC30  }
0xd7: {  	[hbm4b:s20+s3] =	stream.linear.scatter [tilespmem:s21], [sflag:$0x3], $0x800, $0x38;
	[tilespmem:$0x1DC30] =	vst v63  }
0xd8: {  	v1 =	vld [tilespmem:$0x19870]  }
0xd9: {  	s20 =	simm.s32 $0x0;
	v0 =	vld [tilespmem:$0x19880]  }
0xda: {  	v2 =	vld [tilespmem:s20+$0x18030]  }
0xdb: {  	v3 =	vld [tilespmem:s20+$0x18830];
	_ =	sdelay $0x2  }
0xdc: {  	s3 =	simm.s32 $0x10  }
0xdd: {  	v4 =	vld [tilespmem:s3+$0x18830];
	v2 =	vadd.f32 v2, v1  }
0xde: {  	v5 =	vld [tilespmem:s3+$0x18030];
	v3 =	vadd.f32 v3, v0  }
0xdf: {  	v2 =	vmax.f32 v2, $5.000000000e-01  }
0xe0: {  	v3 =	vmax.f32 v3, $5.000000000e-01;
	v8 =	vmin.f32 v2, $5.115000000e+02  }
0xe1: {  	v9 =	vmin.f32 v3, $5.115000000e+02;
	v3 =	vtrunc.f32 v8  }
0xe2: {  	v6 =	vadd.f32 v4, v0;
	v10 =	vtrunc.f32 v9;
	v4 =	vcvt.f32.s32 v3  }
0xe3: {  	s10 =	simm.s32 $0x20;
	v7 =	vadd.f32 v5, v1;
	v5 =	vcvt.f32.s32 v10  }
0xe4: {  	v6 =	vmax.f32 v6, $5.000000000e-01;
	v2 =	vld [tilespmem:s10+$0x18830];
	vm0 =	veq.f32 v8, v3;
	v8 =	vand.u32 $0x1, v4  }
0xe5: {  	s15 =	simm.s32 $0xC0;
	v3 =	vld [tilespmem:s10+$0x18030];
	v8 =	vnsel vm0, $0x0, v8;
	vm0 =	veq.f32 v9, v10;
	v9 =	vand.u32 $0x1, v5  }
.LBB2_8:
0xe6: {  	p0 =	sne.s32 s15, $0x1FC0;
	v7 =	vmax.f32 v7, $5.000000000e-01;
	v4 =	vsub.s32 v4, v8;
	v8 =	vnsel vm0, $0x0, v9  }
0xe7: {  	v9 =	vmin.f32 v7, $5.115000000e+02;
	v5 =	vsub.s32 v5, v8;
	v4 =	vshll.u32 v4, $0x9  }
.Ltmp3:
0xe8: {  	v10 =	vmin.f32 v6, $5.115000000e+02;
	v8 =	vtrunc.f32 v9;
	v5 =	vadd.s32 v4, v5;
	(pc) =	sbr.rel @p0 .LBB2_8-.Ltmp3, $4  }
0xe9: {  	v11 =	vtrunc.f32 v10;
	v6 =	vadd.f32 v2, v0;
	v4 =	vcvt.f32.s32 v8;
	[tilespmem:s20+$0x19C30] =	vst v5;
	s20 =	smov.u32 s3;
	s3 =	smov.u32 s10  }
0xea: {  	s10 =	sshra.s32 s15, $0x2;
	v5 =	vcvt.f32.s32 v11;
	v7 =	vadd.f32 v3, v1  }
0xeb: {  	vm0 =	veq.f32 v9, v8;
	v2 =	vld [tilespmem:s10+$0x18830];
	v6 =	vmax.f32 v6, $5.000000000e-01;
	v8 =	vand.u32 $0x1, v4  }
0xec: {  	s15 =	sadd.s32 $0x40, s15;
	v9 =	vand.u32 $0x1, v5;
	v3 =	vld [tilespmem:s10+$0x18030];
	v8 =	vnsel vm0, $0x0, v8;
	vm0 =	veq.f32 v10, v11  }
0xed: {  	_ = 	snop  }
0xee: {  	v7 =	vmax.f32 v7, $5.000000000e-01;
	v9 =	vnsel vm0, $0x0, v9  }
0xef: {  	v4 =	vsub.s32 v4, v8;
	v6 =	vmin.f32 v6, $5.115000000e+02;
	v7 =	vmin.f32 v7, $5.115000000e+02  }
0xf0: {  	v5 =	vsub.s32 v5, v9;
	v4 =	vshll.u32 v4, $0x9;
	v57 =	vtrunc.f32 v7  }
0xf1: {  	v4 =	vadd.s32 v4, v5;
	v58 =	vcvt.f32.s32 v57;
	v1 =	vadd.f32 v3, v1  }
0xf2: {  	v0 =	vadd.f32 v2, v0;
	vm12 =	veq.f32 v7, v57;
	v3 =	vtrunc.f32 v6  }
0xf3: {  	v2 =	vcvt.f32.s32 v3;
	v59 =	vand.u32 $0x1, v58;
	v1 =	vmax.f32 v1, $5.000000000e-01  }
0xf4: {  	v0 =	vmax.f32 v0, $5.000000000e-01;
	vm13 =	veq.f32 v6, v3;
	v1 =	vmin.f32 v1, $5.115000000e+02  }
0xf5: {  	v5 =	vnsel vm12, $0x0, v59;
	v0 =	vmin.f32 v0, $5.115000000e+02;
	v3 =	vtrunc.f32 v1  }
0xf6: {  	v60 =	vand.u32 $0x1, v2;
	v62 =	vtrunc.f32 v0;
	v61 =	vcvt.f32.s32 v3  }
0xf7: {  	v5 =	vsub.s32 v58, v5;
	v6 =	vnsel vm13, $0x0, v60;
	v63 =	vcvt.f32.s32 v62  }
0xf8: {  	vm15 =	veq.f32 v0, v62;
	vm14 =	veq.f32 v1, v3;
	v1 =	vand.u32 $0x1, v61  }
0xf9: {  	v2 =	vsub.s32 v2, v6;
	v0 =	vand.u32 $0x1, v63;
	v1 =	vnsel vm14, $0x0, v1  }
0xfa: {  	v3 =	vshll.u32 v5, $0x9;
	v0 =	vnsel vm15, $0x0, v0;
	v1 =	vsub.s32 v61, v1  }
0xfb: {  	[tilespmem:s20+$0x19C30] =	vst v4;
	v2 =	vadd.s32 v3, v2;
	v0 =	vsub.s32 v63, v0;
	v1 =	vshll.u32 v1, $0x9  }
0xfc: {  	[tilespmem:s3+$0x19C30] =	vst v2;
	v0 =	vadd.s32 v1, v0  }
0xfd: {  	[tilespmem:s10+$0x19C30] =	vst v0  }
0xfe: {  	_ =	swait.ge [sflag:s29], $0x1800  }
0xff: {  	[sflag:s29] =	ssyncset.done $0x0  }
0x100: {  	[sflag:s29] =	ssyncadd.s32 $0xFFFFE800  }
0x101: {  	_ =	swait.ge [sflag:s7], $0x1800  }
0x102: {  	[sflag:s7] =	ssyncset.done $0x0  }
0x103: {  	[sflag:s7] =	ssyncadd.s32 $0xFFFFE800  }
0x104: {  	[bflag:$0x0] =	sbarrier.arrive $0xFFFF  }
0x105: {  	s20 =	simm.s32 $0x1AC30;
	s18 =	rddreg [dreg:$0x2]  }
0x106: {  	[tilespmem:s20], [sflag:$0x1] =	stream.indirect.gather [spmem:s18], $0x1, s9, s8, $0xb8;
	[tilespmem:$0x1DC30] =	vst v63  }
0x107: {  	_ = 	snop  }
0x108: {  	[tilespmem:s24], [sflag:$0x1] =	stream.indirect.gather [spmem:s30], $0x1, s9, s8, $0xb8;
	[tilespmem:$0x1DC30] =	vst v63  }
0x109: {  	s21 =	simm.s32 $0x1BC30  }
0x10a: {  	[tilespmem:s21], [sflag:$0x1] =	stream.indirect.gather [spmem:s31], $0x1, s9, s8, $0xb8;
	[tilespmem:$0x1DC30] =	vst v63  }
0x10b: {  	_ =	swait.ge [sflag:s0], $0x1800  }
0x10c: {  	[sflag:s0] =	ssyncset.done $0x0  }
0x10d: {  	[sflag:s0] =	ssyncadd.s32 $0xFFFFE800  }
0x10e: {  	[bflag:$0x0] =	sbarrier.arrive $0xFFFF  }
0x10f: {  	s24 =	rddreg [dreg:$0x1e]  }
0x110: {  	[spmem:s5], [sflag:s2] =	dma.local [hbm:s24], $0x800  }
0x111: {  	s3 =	rddreg [dreg:$0x1f]  }
0x112: {  	[spmem:s13], [sflag:s2] =	dma.local [hbm:s3], $0x800  }
0x113: {  	s3 =	sld [smem:$0x7F2];
	_ =	sdelay $0x2  }
0x114: {  	[spmem:s22], [sflag:s2] =	dma.local [hbm:s3], $0x800  }
0x115: {  	s3 =	simm.s32 $0x19030  }
0x116: {  	s10 =	simm.s32 $0x1C430;
	v0 =	vld [tilespmem:s3+$0x0]  }
0x117: {  	v1 =	vld [tilespmem:s10+$0x0];
	_ =	sdelay $0x4  }
0x118: {  	v1 =	vmul.f32 v1, v0  }
0x119: {  	s15 =	simm.s32 $0x0  }
0x11a: {  	s18 =	sand.u32 $0x7F0, s15;
	[tilespmem:s10+$0x0] =	vst v1  }
0x11b: {  	v1 =	vld [tilespmem:s18+$0x1CC30]  }
0x11c: {  	v2 =	vld [tilespmem:s18+$0x1D430];
	_ =	sdelay $0x3  }
0x11d: {  	v1 =	vmul.f32 v1, v0  }
0x11e: {  	s15 =	simm.s32 $0x10;
	v0 =	vmul.f32 v2, v0  }
.LBB2_10:
0x11f: {  	p0 =	sne.s32 s15, $0x7F0;
	[tilespmem:s18+$0x1CC30] =	vst v1;
	s3 =	sadd.s32 $0x10, s3;
	s10 =	sadd.s32 $0x10, s10  }
0x120: {  	[tilespmem:s18+$0x1D430] =	vst v0;
	s18 =	smov.u32 s15;
	s15 =	sadd.s32 $0x10, s15  }
0x121: {  	v0 =	vld [tilespmem:s3+$0x0]  }
0x122: {  	v1 =	vld [tilespmem:s10+$0x0];
	_ =	sdelay $0x4  }
0x123: {  	v1 =	vmul.f32 v1, v0;
	_ =	sdelay $0x1  }
0x124: {  	s18 =	sand.u32 $0x7F0, s18;
	[tilespmem:s10+$0x0] =	vst v1  }
0x125: {  	v1 =	vld [tilespmem:s18+$0x1CC30]  }
0x126: {  	v2 =	vld [tilespmem:s18+$0x1D430]  }
.Ltmp4:
0x127: {  	(pc) =	sbr.rel @p0 .LBB2_10-.Ltmp4, $3  }
0x128: {  	_ =	sdelay $0x1  }
0x129: {  	v1 =	vmul.f32 v1, v0  }
0x12a: {  	v0 =	vmul.f32 v2, v0  }
0x12b: {  	s10 =	sld [smem:$0x7F3]  }
0x12c: {  	[tilespmem:s18+$0x1CC30] =	vst v1  }
0x12d: {  	s3 =	simm.s32 $0x0;
	s21 =	sld [smem:$0x7F4];
	[tilespmem:s18+$0x1D430] =	vst v0  }
0x12e: {  	[hbm4b:s10+s3] =	stream.linear.scatter [tilespmem:s28], [sflag:$0x4], $0x800, $0x38;
	[tilespmem:$0x1DC30] =	vst v63  }
0x12f: {  	s15 =	simm.s32 $0x1CC30;
	s24 =	sld [smem:$0x7F5]  }
0x130: {  	[hbm4b:s21+s3] =	stream.linear.scatter [tilespmem:s15], [sflag:$0x4], $0x800, $0x38;
	[tilespmem:$0x1DC30] =	vst v63  }
0x131: {  	_ = 	snop  }
0x132: {  	[hbm4b:s24+s3] =	stream.linear.scatter [tilespmem:s25], [sflag:$0x4], $0x800, $0x38;
	[tilespmem:$0x1DC30] =	vst v63  }
0x133: {  	s3 =	simm.s32 $0x0;
	v1 =	vld [tilespmem:$0x19890]  }
0x134: {  	v2 =	vld [tilespmem:s3+$0x18030]  }
0x135: {  	v0 =	vld [tilespmem:$0x198A0]  }
0x136: {  	v3 =	vld [tilespmem:s3+$0x18830];
	_ =	sdelay $0x1  }
0x137: {  	s20 =	simm.s32 $0x10  }
0x138: {  	v4 =	vld [tilespmem:s20+$0x18030];
	v2 =	vadd.f32 v2, v1;
	_ =	sdelay $0x1  }
0x139: {  	v3 =	vadd.f32 v3, v0;
	v2 =	vmax.f32 v2, $5.000000000e-01  }
0x13a: {  	v2 =	vmin.f32 v2, $5.115000000e+02  }
0x13b: {  	v5 =	vld [tilespmem:s20+$0x18830];
	v3 =	vmax.f32 v3, $5.000000000e-01;
	v6 =	vtrunc.f32 v2  }
0x13c: {  	v4 =	vadd.f32 v4, v1;
	v3 =	vmin.f32 v3, $5.115000000e+02;
	v7 =	vcvt.f32.s32 v6  }
0x13d: {  	v9 =	vtrunc.f32 v3;
	vm0 =	veq.f32 v2, v6  }
0x13e: {  	s10 =	simm.s32 $0x20;
	v2 =	vmax.f32 v4, $5.000000000e-01;
	v4 =	vcvt.f32.s32 v9;
	v8 =	vand.u32 $0x1, v7  }
0x13f: {  	v10 =	vld [tilespmem:s10+$0x18030];
	vm1 =	veq.f32 v3, v9;
	v3 =	vmin.f32 v2, $5.115000000e+02;
	v6 =	vnsel vm0, $0x0, v8  }
0x140: {  	v2 =	vadd.f32 v5, v0;
	v7 =	vsub.s32 v7, v6;
	v6 =	vand.u32 $0x1, v4  }
0x141: {  	v5 =	vtrunc.f32 v3;
	v9 =	vnsel vm1, $0x0, v6  }
0x142: {  	v8 =	vmax.f32 v2, $5.000000000e-01;
	v2 =	vcvt.f32.s32 v5;
	v11 =	vsub.s32 v4, v9;
	v4 =	vld [tilespmem:s10+$0x18830]  }
0x143: {  	v6 =	vmin.f32 v8, $5.115000000e+02;
	v8 =	vshll.u32 v7, $0x9  }
0x144: {  	s15 =	simm.s32 $0xC0;
	v7 =	vand.u32 $0x1, v2;
	v9 =	vadd.f32 v10, v1;
	v8 =	vadd.s32 v8, v11  }
.LBB2_12:
0x145: {  	s18 =	sshra.s32 s15, $0x2;
	p0 =	sne.s32 s15, $0x1FC0;
	s15 =	sadd.s32 $0x40, s15;
	v10 =	vtrunc.f32 v6;
	vm0 =	veq.f32 v3, v5;
	v3 =	vadd.s32 $0xC0180, v8  }
0x146: {  	v8 =	vld [tilespmem:s18+$0x18030];
	v5 =	vmax.f32 v9, $5.000000000e-01;
	v9 =	vcvt.f32.s32 v10;
	vm1 =	veq.f32 v6, v10;
	[tilespmem:s3+$0x1A430] =	vst v3;
	s3 =	smov.u32 s20;
	s20 =	smov.u32 s10;
	s10 =	smov.u32 s18  }
.Ltmp5:
0x147: {  	v6 =	vadd.f32 v4, v0;
	v7 =	vnsel vm0, $0x0, v7;
	v3 =	vmin.f32 v5, $5.115000000e+02;
	v4 =	vld [tilespmem:s10+$0x18830];
	(pc) =	sbr.rel @p0 .LBB2_12-.Ltmp5, $4  }
0x148: {  	v7 =	vsub.s32 v2, v7;
	v5 =	vtrunc.f32 v3;
	v10 =	vand.u32 $0x1, v9  }
0x149: {  	v6 =	vmax.f32 v6, $5.000000000e-01;
	v2 =	vcvt.f32.s32 v5;
	v10 =	vnsel vm1, $0x0, v10  }
0x14a: {  	v11 =	vshll.u32 v7, $0x9;
	v6 =	vmin.f32 v6, $5.115000000e+02;
	v10 =	vsub.s32 v9, v10  }
0x14b: {  	v9 =	vadd.f32 v8, v1;
	v7 =	vand.u32 $0x1, v2;
	v8 =	vadd.s32 v11, v10  }
0x14c: {  	v1 =	vtrunc.f32 v6;
	vm0 =	veq.f32 v3, v5;
	v0 =	vadd.f32 v4, v0  }
0x14d: {  	v8 =	vadd.s32 $0xC0180, v8;
	v52 =	vmax.f32 v9, $5.000000000e-01;
	v53 =	vcvt.f32.s32 v1  }
0x14e: {  	vm1 =	veq.f32 v6, v1;
	v54 =	vmin.f32 v52, $5.115000000e+02;
	v0 =	vmax.f32 v0, $5.000000000e-01  }
0x14f: {  	v55 =	vnsel vm0, $0x0, v7;
	v56 =	vtrunc.f32 v54;
	v0 =	vmin.f32 v0, $5.115000000e+02  }
0x150: {  	v2 =	vsub.s32 v2, v55;
	v58 =	vcvt.f32.s32 v56;
	v59 =	vtrunc.f32 v0  }
0x151: {  	v57 =	vand.u32 $0x1, v53;
	v2 =	vshll.u32 v2, $0x9;
	v60 =	vcvt.f32.s32 v59  }
0x152: {  	v3 =	vnsel vm1, $0x0, v57;
	vm14 =	veq.f32 v54, v56;
	v61 =	vand.u32 $0x1, v58  }
0x153: {  	vm15 =	veq.f32 v0, v59;
	v62 =	vnsel vm14, $0x0, v61;
	v63 =	vand.u32 $0x1, v60  }
0x154: {  	v3 =	vsub.s32 v53, v3;
	v0 =	vsub.s32 v58, v62;
	v1 =	vnsel vm15, $0x0, v63  }
0x155: {  	v2 =	vadd.s32 v2, v3;
	v0 =	vshll.u32 v0, $0x9;
	v1 =	vsub.s32 v60, v1  }
0x156: {  	[tilespmem:s3+$0x1A430] =	vst v8;
	v2 =	vadd.s32 $0xC0180, v2;
	v0 =	vadd.s32 v0, v1  }
0x157: {  	[tilespmem:s20+$0x1A430] =	vst v2;
	v0 =	vadd.s32 $0xC0180, v0  }
0x158: {  	s20 =	simm.s32 $0x1;
	[tilespmem:s10+$0x1A430] =	vst v0  }
.LBB2_14:
0x159: {  	_ =	swait.ge [sflag:s12], $0x1800  }
0x15a: {  	[sflag:s12] =	ssyncset.done $0x0  }
0x15b: {  	[sflag:s12] =	ssyncadd.s32 $0xFFFFE800  }
0x15c: {  	_ =	swait.ge [sflag:s16], $0x1800  }
0x15d: {  	[sflag:s16] =	ssyncset.done $0x0  }
0x15e: {  	[sflag:s16] =	ssyncadd.s32 $0xFFFFE800  }
0x15f: {  	[bflag:$0x0] =	sbarrier.arrive $0xFFFF  }
0x160: {  	s3 =	rddreg [dreg:$0x2]  }
0x161: {  	[tilespmem:s28], [sflag:$0x2] =	stream.indirect.gather [spmem:s3], $0x1, s17, s8, $0xb8;
	[tilespmem:$0x1DC30] =	vst v63  }
0x162: {  	s21 =	simm.s32 $0x1CC30  }
0x163: {  	[tilespmem:s21], [sflag:$0x2] =	stream.indirect.gather [spmem:s30], $0x1, s17, s8, $0xb8;
	[tilespmem:$0x1DC30] =	vst v63  }
0x164: {  	s21 =	sshll.u32 s20, $0x1  }
0x165: {  	s10 =	sadd.s32 $0x2, s21  }
0x166: {  	[tilespmem:s25], [sflag:$0x2] =	stream.indirect.gather [spmem:s31], $0x1, s17, s8, $0xb8;
	[tilespmem:$0x1DC30] =	vst v63  }
0x167: {  	s24 =	smul.u32 $0xC0000, s10  }
0x168: {  	_ =	swait.ge [sflag:s26], $0x1800  }
0x169: {  	[sflag:s26] =	ssyncset.done $0x0;
	s15 =	sor.u32 s11, s24  }
0x16a: {  	[sflag:s26] =	ssyncadd.s32 $0xFFFFE800;
	s15 =	sshrl.u32 s15, $0x3  }
0x16b: {  	s3 =	sadd.s32 s19, s24;
	[bflag:$0x0] =	sbarrier.arrive $0xFFFF;
	s18 =	sadd.s32 s6, s15  }
0x16c: {  	[spmem:s4], [sflag:s23] =	dma.local [hbm:s18], $0x800  }
0x16d: {  	s3 =	sshrl.u32 s3, $0x3;
	s18 =	rddreg [dreg:$0xa]  }
0x16e: {  	s3 =	sadd.s32 s6, s3;
	s15 =	sadd.s32 s15, s18  }
0x16f: {  	[spmem:s1], [sflag:s23] =	dma.local [hbm:s15], $0x800  }
0x170: {  	[spmem:s14], [sflag:s23] =	dma.local [hbm:s3], $0x800  }
0x171: {  	s3 =	simm.s32 $0x19030  }
0x172: {  	s15 =	simm.s32 $0x1AC30;
	v0 =	vld [tilespmem:s3+$0x0]  }
0x173: {  	v1 =	vld [tilespmem:s15+$0x0];
	_ =	sdelay $0x4  }
0x174: {  	v1 =	vmul.f32 v1, v0  }
0x175: {  	s24 =	simm.s32 $0x0  }
0x176: {  	s28 =	sand.u32 $0x7F0, s24;
	[tilespmem:s15+$0x0] =	vst v1  }
0x177: {  	v1 =	vld [tilespmem:s28+$0x1B430]  }
0x178: {  	v2 =	vld [tilespmem:s28+$0x1BC30];
	_ =	sdelay $0x3  }
0x179: {  	v1 =	vmul.f32 v1, v0  }
0x17a: {  	s18 =	simm.s32 $0x10;
	v0 =	vmul.f32 v2, v0  }
.LBB2_15:
0x17b: {  	p0 =	sne.s32 s18, $0x7F0;
	[tilespmem:s28+$0x1B430] =	vst v1;
	s3 =	sadd.s32 $0x10, s3;
	s15 =	sadd.s32 $0x10, s15  }
0x17c: {  	[tilespmem:s28+$0x1BC30] =	vst v0;
	s28 =	smov.u32 s18;
	s18 =	sadd.s32 $0x10, s18  }
0x17d: {  	v0 =	vld [tilespmem:s3+$0x0]  }
0x17e: {  	v1 =	vld [tilespmem:s15+$0x0];
	_ =	sdelay $0x4  }
0x17f: {  	v1 =	vmul.f32 v1, v0;
	_ =	sdelay $0x1  }
0x180: {  	s28 =	sand.u32 $0x7F0, s28;
	[tilespmem:s15+$0x0] =	vst v1  }
0x181: {  	v1 =	vld [tilespmem:s28+$0x1B430]  }
0x182: {  	v2 =	vld [tilespmem:s28+$0x1BC30]  }
.Ltmp6:
0x183: {  	(pc) =	sbr.rel @p0 .LBB2_15-.Ltmp6, $3  }
0x184: {  	_ =	sdelay $0x1  }
0x185: {  	v1 =	vmul.f32 v1, v0  }
0x186: {  	v0 =	vmul.f32 v2, v0  }
0x187: {  	s3 =	smul.u32 $0x60000, s20  }
0x188: {  	s15 =	rddreg [dreg:$0x4]  }
0x189: {  	s15 =	sor.u32 s15, s3  }
0x18a: {  	[tilespmem:s28+$0x1B430] =	vst v1;
	s18 =	rddreg [dreg:$0x1];
	s15 =	sshrl.u32 s15, $0x3  }
0x18b: {  	s24 =	simm.s32 $0x1AC30;
	[tilespmem:s28+$0x1BC30] =	vst v0;
	s28 =	simm.s32 $0x0;
	s18 =	sadd.s32 s18, s15  }
0x18c: {  	[hbm4b:s18+s28] =	stream.linear.scatter [tilespmem:s24], [sflag:$0x3], $0x800, $0x38;
	[tilespmem:$0x1DC30] =	vst v63  }
0x18d: {  	s24 =	rddreg [dreg:$0x13]  }
0x18e: {  	s10 =	sshll.u32 s10, $0x5;
	s15 =	sadd.s32 s15, s24;
	s24 =	simm.s32 $0x1B430  }
0x18f: {  	[hbm4b:s15+s28] =	stream.linear.scatter [tilespmem:s24], [sflag:$0x3], $0x800, $0x38;
	[tilespmem:$0x1DC30] =	vst v63  }
0x190: {  	s10 =	sand.u32 $0x3FFFFFE0, s10;
	s15 =	sadd.s32 $0x4000, s18;
	s18 =	simm.s32 $0x1BC30  }
0x191: {  	[hbm4b:s15+s28] =	stream.linear.scatter [tilespmem:s18], [sflag:$0x3], $0x800, $0x38;
	[tilespmem:$0x1DC30] =	vst v63  }
0x192: {  	v1 =	vld [tilespmem:s10+$0x19830]  }
0x193: {  	v0 =	vld [tilespmem:s10+$0x19840];
	s10 =	simm.s32 $0x0  }
0x194: {  	v2 =	vld [tilespmem:s10+$0x18030]  }
0x195: {  	v3 =	vld [tilespmem:s10+$0x18830];
	_ =	sdelay $0x2  }
0x196: {  	s28 =	simm.s32 $0x10  }
0x197: {  	v4 =	vld [tilespmem:s28+$0x18830];
	v2 =	vadd.f32 v2, v1  }
0x198: {  	v5 =	vld [tilespmem:s28+$0x18030];
	v3 =	vadd.f32 v3, v0  }
0x199: {  	v2 =	vmax.f32 v2, $5.000000000e-01  }
0x19a: {  	v3 =	vmax.f32 v3, $5.000000000e-01;
	v8 =	vmin.f32 v2, $5.115000000e+02  }
0x19b: {  	v9 =	vmin.f32 v3, $5.115000000e+02;
	v3 =	vtrunc.f32 v8  }
0x19c: {  	v6 =	vadd.f32 v4, v0;
	v10 =	vtrunc.f32 v9;
	v4 =	vcvt.f32.s32 v3  }
0x19d: {  	s15 =	simm.s32 $0x20;
	v7 =	vadd.f32 v5, v1;
	v5 =	vcvt.f32.s32 v10  }
0x19e: {  	v6 =	vmax.f32 v6, $5.000000000e-01;
	v2 =	vld [tilespmem:s15+$0x18830];
	vm0 =	veq.f32 v8, v3;
	v8 =	vand.u32 $0x1, v4  }
0x19f: {  	s18 =	simm.s32 $0xC0;
	v3 =	vld [tilespmem:s15+$0x18030];
	v8 =	vnsel vm0, $0x0, v8;
	vm0 =	veq.f32 v9, v10;
	v9 =	vand.u32 $0x1, v5  }
.LBB2_17:
0x1a0: {  	p0 =	sne.s32 s18, $0x1FC0;
	v7 =	vmax.f32 v7, $5.000000000e-01;
	v4 =	vsub.s32 v4, v8;
	v8 =	vnsel vm0, $0x0, v9  }
0x1a1: {  	v9 =	vmin.f32 v7, $5.115000000e+02;
	v5 =	vsub.s32 v5, v8;
	v4 =	vshll.u32 v4, $0x9  }
.Ltmp7:
0x1a2: {  	v10 =	vmin.f32 v6, $5.115000000e+02;
	v8 =	vtrunc.f32 v9;
	v5 =	vadd.s32 v4, v5;
	(pc) =	sbr.rel @p0 .LBB2_17-.Ltmp7, $4  }
0x1a3: {  	v11 =	vtrunc.f32 v10;
	v6 =	vadd.f32 v2, v0;
	v4 =	vcvt.f32.s32 v8;
	[tilespmem:s10+$0x19C30] =	vst v5;
	s10 =	smov.u32 s28;
	s28 =	smov.u32 s15  }
0x1a4: {  	s15 =	sshra.s32 s18, $0x2;
	v5 =	vcvt.f32.s32 v11;
	v7 =	vadd.f32 v3, v1  }
0x1a5: {  	vm0 =	veq.f32 v9, v8;
	v2 =	vld [tilespmem:s15+$0x18830];
	v6 =	vmax.f32 v6, $5.000000000e-01;
	v8 =	vand.u32 $0x1, v4  }
0x1a6: {  	s18 =	sadd.s32 $0x40, s18;
	v9 =	vand.u32 $0x1, v5;
	v3 =	vld [tilespmem:s15+$0x18030];
	v8 =	vnsel vm0, $0x0, v8;
	vm0 =	veq.f32 v10, v11  }
0x1a7: {  	_ = 	snop  }
0x1a8: {  	v7 =	vmax.f32 v7, $5.000000000e-01;
	v9 =	vnsel vm0, $0x0, v9  }
0x1a9: {  	v4 =	vsub.s32 v4, v8;
	v6 =	vmin.f32 v6, $5.115000000e+02;
	v7 =	vmin.f32 v7, $5.115000000e+02  }
0x1aa: {  	v5 =	vsub.s32 v5, v9;
	v4 =	vshll.u32 v4, $0x9;
	v57 =	vtrunc.f32 v7  }
0x1ab: {  	v4 =	vadd.s32 v4, v5;
	v58 =	vcvt.f32.s32 v57;
	v1 =	vadd.f32 v3, v1  }
0x1ac: {  	v0 =	vadd.f32 v2, v0;
	vm12 =	veq.f32 v7, v57;
	v3 =	vtrunc.f32 v6  }
0x1ad: {  	v2 =	vcvt.f32.s32 v3;
	v59 =	vand.u32 $0x1, v58;
	v1 =	vmax.f32 v1, $5.000000000e-01  }
0x1ae: {  	v0 =	vmax.f32 v0, $5.000000000e-01;
	vm13 =	veq.f32 v6, v3;
	v1 =	vmin.f32 v1, $5.115000000e+02  }
0x1af: {  	v5 =	vnsel vm12, $0x0, v59;
	v0 =	vmin.f32 v0, $5.115000000e+02;
	v3 =	vtrunc.f32 v1  }
0x1b0: {  	v60 =	vand.u32 $0x1, v2;
	v62 =	vtrunc.f32 v0;
	v61 =	vcvt.f32.s32 v3  }
0x1b1: {  	v5 =	vsub.s32 v58, v5;
	v6 =	vnsel vm13, $0x0, v60;
	v63 =	vcvt.f32.s32 v62  }
0x1b2: {  	vm15 =	veq.f32 v0, v62;
	vm14 =	veq.f32 v1, v3;
	v1 =	vand.u32 $0x1, v61  }
0x1b3: {  	v2 =	vsub.s32 v2, v6;
	v0 =	vand.u32 $0x1, v63;
	v1 =	vnsel vm14, $0x0, v1  }
0x1b4: {  	v3 =	vshll.u32 v5, $0x9;
	v0 =	vnsel vm15, $0x0, v0;
	v1 =	vsub.s32 v61, v1  }
0x1b5: {  	[tilespmem:s10+$0x19C30] =	vst v4;
	v2 =	vadd.s32 v3, v2;
	v0 =	vsub.s32 v63, v0;
	v1 =	vshll.u32 v1, $0x9  }
0x1b6: {  	[tilespmem:s28+$0x19C30] =	vst v2;
	v0 =	vadd.s32 v1, v0  }
0x1b7: {  	[tilespmem:s15+$0x19C30] =	vst v0  }
0x1b8: {  	_ =	swait.ge [sflag:s29], $0x1800  }
0x1b9: {  	[sflag:s29] =	ssyncset.done $0x0  }
0x1ba: {  	[sflag:s29] =	ssyncadd.s32 $0xFFFFE800  }
0x1bb: {  	_ =	swait.ge [sflag:s7], $0x1800  }
0x1bc: {  	[sflag:s7] =	ssyncset.done $0x0  }
0x1bd: {  	[sflag:s7] =	ssyncadd.s32 $0xFFFFE800  }
0x1be: {  	[bflag:$0x0] =	sbarrier.arrive $0xFFFF  }
0x1bf: {  	s18 =	simm.s32 $0x1AC30;
	s15 =	rddreg [dreg:$0x2]  }
0x1c0: {  	[tilespmem:s18], [sflag:$0x1] =	stream.indirect.gather [spmem:s15], $0x1, s9, s8, $0xb8;
	[tilespmem:$0x1DC30] =	vst v63  }
0x1c1: {  	s10 =	sadd.s32 $0x3, s21  }
0x1c2: {  	[tilespmem:s24], [sflag:$0x1] =	stream.indirect.gather [spmem:s30], $0x1, s9, s8, $0xb8;
	[tilespmem:$0x1DC30] =	vst v63  }
0x1c3: {  	s21 =	smul.u32 $0xC0000, s10;
	s18 =	simm.s32 $0x1BC30  }
0x1c4: {  	[tilespmem:s18], [sflag:$0x1] =	stream.indirect.gather [spmem:s31], $0x1, s9, s8, $0xb8;
	[tilespmem:$0x1DC30] =	vst v63  }
0x1c5: {  	_ =	swait.ge [sflag:s0], $0x1800  }
0x1c6: {  	s18 =	sor.u32 s11, s21;
	[sflag:s0] =	ssyncset.done $0x0  }
0x1c7: {  	s18 =	sshrl.u32 s18, $0x3;
	[sflag:s0] =	ssyncadd.s32 $0xFFFFE800  }
0x1c8: {  	s18 =	sadd.s32 s6, s18;
	[bflag:$0x0] =	sbarrier.arrive $0xFFFF  }
0x1c9: {  	[spmem:s5], [sflag:s2] =	dma.local [hbm:s18], $0x800  }
0x1ca: {  	s18 =	sld [smem:$0x7F6];
	_ =	sdelay $0x2  }
0x1cb: {  	s15 =	sadd.s32 s19, s21;
	s18 =	sadd.s32 s18, s21  }
0x1cc: {  	s15 =	sshrl.u32 s15, $0x3;
	s18 =	sshrl.u32 s18, $0x3  }
0x1cd: {  	s15 =	sadd.s32 s6, s15;
	s18 =	sadd.s32 s6, s18  }
0x1ce: {  	[spmem:s13], [sflag:s2] =	dma.local [hbm:s18], $0x800  }
0x1cf: {  	[spmem:s22], [sflag:s2] =	dma.local [hbm:s15], $0x800  }
0x1d0: {  	s15 =	simm.s32 $0x19030  }
0x1d1: {  	s21 =	simm.s32 $0x1C430;
	v0 =	vld [tilespmem:s15+$0x0]  }
0x1d2: {  	v1 =	vld [tilespmem:s21+$0x0];
	_ =	sdelay $0x4  }
0x1d3: {  	v1 =	vmul.f32 v1, v0  }
0x1d4: {  	s18 =	simm.s32 $0x0  }
0x1d5: {  	s28 =	sand.u32 $0x7F0, s18;
	[tilespmem:s21+$0x0] =	vst v1  }
0x1d6: {  	v1 =	vld [tilespmem:s28+$0x1CC30]  }
0x1d7: {  	v2 =	vld [tilespmem:s28+$0x1D430];
	_ =	sdelay $0x3  }
0x1d8: {  	v1 =	vmul.f32 v1, v0  }
0x1d9: {  	s18 =	simm.s32 $0x10;
	v0 =	vmul.f32 v2, v0  }
.LBB2_19:
0x1da: {  	p0 =	sne.s32 s18, $0x7F0;
	[tilespmem:s28+$0x1CC30] =	vst v1;
	s15 =	sadd.s32 $0x10, s15;
	s21 =	sadd.s32 $0x10, s21  }
0x1db: {  	[tilespmem:s28+$0x1D430] =	vst v0;
	s28 =	smov.u32 s18;
	s18 =	sadd.s32 $0x10, s18  }
0x1dc: {  	v0 =	vld [tilespmem:s15+$0x0]  }
0x1dd: {  	v1 =	vld [tilespmem:s21+$0x0];
	_ =	sdelay $0x4  }
0x1de: {  	v1 =	vmul.f32 v1, v0;
	_ =	sdelay $0x1  }
0x1df: {  	s28 =	sand.u32 $0x7F0, s28;
	[tilespmem:s21+$0x0] =	vst v1  }
0x1e0: {  	v1 =	vld [tilespmem:s28+$0x1CC30]  }
0x1e1: {  	v2 =	vld [tilespmem:s28+$0x1D430]  }
.Ltmp8:
0x1e2: {  	(pc) =	sbr.rel @p0 .LBB2_19-.Ltmp8, $3  }
0x1e3: {  	_ =	sdelay $0x1  }
0x1e4: {  	v1 =	vmul.f32 v1, v0  }
0x1e5: {  	v0 =	vmul.f32 v2, v0  }
0x1e6: {  	s15 =	sld [smem:$0x7F7];
	_ =	sdelay $0x2  }
0x1e7: {  	s3 =	sadd.s32 s15, s3  }
0x1e8: {  	[tilespmem:s28+$0x1CC30] =	vst v1;
	s18 =	rddreg [dreg:$0x1];
	s3 =	sshrl.u32 s3, $0x3  }
0x1e9: {  	[tilespmem:s28+$0x1D430] =	vst v0;
	s28 =	simm.s32 $0x1C430;
	s15 =	simm.s32 $0x0;
	s3 =	sadd.s32 s18, s3  }
0x1ea: {  	[hbm4b:s3+s15] =	stream.linear.scatter [tilespmem:s28], [sflag:$0x4], $0x800, $0x38;
	[tilespmem:$0x1DC30] =	vst v63  }
0x1eb: {  	s21 =	simm.s32 $0x1CC30;
	s18 =	sadd.s32 $0x2000, s3  }
0x1ec: {  	[hbm4b:s18+s15] =	stream.linear.scatter [tilespmem:s21], [sflag:$0x4], $0x800, $0x38;
	[tilespmem:$0x1DC30] =	vst v63  }
0x1ed: {  	s21 =	sshll.u32 s10, $0x5  }
0x1ee: {  	s3 =	sadd.s32 $0x4000, s3;
	s10 =	sand.u32 $0x3FFFFFE0, s21  }
0x1ef: {  	[hbm4b:s3+s15] =	stream.linear.scatter [tilespmem:s25], [sflag:$0x4], $0x800, $0x38;
	[tilespmem:$0x1DC30] =	vst v63  }
0x1f0: {  	s3 =	simm.s32 $0x0;
	v1 =	vld [tilespmem:s10+$0x19830]  }
0x1f1: {  	v2 =	vld [tilespmem:s3+$0x18030]  }
0x1f2: {  	v0 =	vld [tilespmem:s10+$0x19840]  }
0x1f3: {  	v3 =	vld [tilespmem:s3+$0x18830];
	_ =	sdelay $0x1  }
0x1f4: {  	s21 =	simm.s32 $0x10  }
0x1f5: {  	v4 =	vld [tilespmem:s21+$0x18030];
	v2 =	vadd.f32 v2, v1;
	_ =	sdelay $0x1  }
0x1f6: {  	v3 =	vadd.f32 v3, v0;
	v2 =	vmax.f32 v2, $5.000000000e-01  }
0x1f7: {  	v2 =	vmin.f32 v2, $5.115000000e+02  }
0x1f8: {  	v5 =	vld [tilespmem:s21+$0x18830];
	v3 =	vmax.f32 v3, $5.000000000e-01;
	v6 =	vtrunc.f32 v2  }
0x1f9: {  	v4 =	vadd.f32 v4, v1;
	v3 =	vmin.f32 v3, $5.115000000e+02;
	v7 =	vcvt.f32.s32 v6  }
0x1fa: {  	v9 =	vtrunc.f32 v3;
	vm0 =	veq.f32 v2, v6  }
0x1fb: {  	s10 =	simm.s32 $0x20;
	v2 =	vmax.f32 v4, $5.000000000e-01;
	v4 =	vcvt.f32.s32 v9;
	v8 =	vand.u32 $0x1, v7  }
0x1fc: {  	v10 =	vld [tilespmem:s10+$0x18030];
	vm1 =	veq.f32 v3, v9;
	v3 =	vmin.f32 v2, $5.115000000e+02;
	v6 =	vnsel vm0, $0x0, v8  }
0x1fd: {  	v2 =	vadd.f32 v5, v0;
	v7 =	vsub.s32 v7, v6;
	v6 =	vand.u32 $0x1, v4  }
0x1fe: {  	v5 =	vtrunc.f32 v3;
	v9 =	vnsel vm1, $0x0, v6  }
0x1ff: {  	v8 =	vmax.f32 v2, $5.000000000e-01;
	v2 =	vcvt.f32.s32 v5;
	v11 =	vsub.s32 v4, v9;
	v4 =	vld [tilespmem:s10+$0x18830]  }
0x200: {  	v6 =	vmin.f32 v8, $5.115000000e+02;
	v8 =	vshll.u32 v7, $0x9  }
0x201: {  	s15 =	simm.s32 $0xC0;
	v7 =	vand.u32 $0x1, v2;
	v9 =	vadd.f32 v10, v1;
	v8 =	vadd.s32 v8, v11  }
.LBB2_21:
0x202: {  	s18 =	sshra.s32 s15, $0x2;
	p0 =	sne.s32 s15, $0x1FC0;
	s15 =	sadd.s32 $0x40, s15;
	v10 =	vtrunc.f32 v6;
	vm0 =	veq.f32 v3, v5;
	v3 =	vadd.s32 $0xC0180, v8  }
0x203: {  	v8 =	vld [tilespmem:s18+$0x18030];
	v5 =	vmax.f32 v9, $5.000000000e-01;
	v9 =	vcvt.f32.s32 v10;
	vm1 =	veq.f32 v6, v10;
	[tilespmem:s3+$0x1A430] =	vst v3;
	s3 =	smov.u32 s21;
	s21 =	smov.u32 s10;
	s10 =	smov.u32 s18  }
.Ltmp9:
0x204: {  	v6 =	vadd.f32 v4, v0;
	v7 =	vnsel vm0, $0x0, v7;
	v3 =	vmin.f32 v5, $5.115000000e+02;
	v4 =	vld [tilespmem:s10+$0x18830];
	(pc) =	sbr.rel @p0 .LBB2_21-.Ltmp9, $4  }
0x205: {  	v7 =	vsub.s32 v2, v7;
	v5 =	vtrunc.f32 v3;
	v10 =	vand.u32 $0x1, v9  }
0x206: {  	v6 =	vmax.f32 v6, $5.000000000e-01;
	v2 =	vcvt.f32.s32 v5;
	v10 =	vnsel vm1, $0x0, v10  }
0x207: {  	v11 =	vshll.u32 v7, $0x9;
	v6 =	vmin.f32 v6, $5.115000000e+02;
	v10 =	vsub.s32 v9, v10  }
0x208: {  	v9 =	vadd.f32 v8, v1;
	v7 =	vand.u32 $0x1, v2;
	v8 =	vadd.s32 v11, v10  }
0x209: {  	v1 =	vtrunc.f32 v6;
	vm0 =	veq.f32 v3, v5;
	v0 =	vadd.f32 v4, v0  }
0x20a: {  	v8 =	vadd.s32 $0xC0180, v8;
	v52 =	vmax.f32 v9, $5.000000000e-01;
	v53 =	vcvt.f32.s32 v1  }
0x20b: {  	vm1 =	veq.f32 v6, v1;
	v54 =	vmin.f32 v52, $5.115000000e+02;
	v0 =	vmax.f32 v0, $5.000000000e-01  }
0x20c: {  	v55 =	vnsel vm0, $0x0, v7;
	v56 =	vtrunc.f32 v54;
	v0 =	vmin.f32 v0, $5.115000000e+02  }
0x20d: {  	v2 =	vsub.s32 v2, v55;
	v58 =	vcvt.f32.s32 v56;
	v59 =	vtrunc.f32 v0  }
0x20e: {  	v57 =	vand.u32 $0x1, v53;
	v2 =	vshll.u32 v2, $0x9;
	v60 =	vcvt.f32.s32 v59  }
0x20f: {  	s20 =	sadd.s32 $0x1, s20;
	v3 =	vnsel vm1, $0x0, v57;
	vm14 =	veq.f32 v54, v56;
	v61 =	vand.u32 $0x1, v58  }
0x210: {  	p0 =	sne.s32 s20, $0xF;
	vm15 =	veq.f32 v0, v59;
	v62 =	vnsel vm14, $0x0, v61;
	v63 =	vand.u32 $0x1, v60  }
.Ltmp10:
0x211: {  	v3 =	vsub.s32 v53, v3;
	v0 =	vsub.s32 v58, v62;
	v1 =	vnsel vm15, $0x0, v63;
	(pc) =	sbr.rel @p0 .LBB2_14-.Ltmp10, $4  }
0x212: {  	v2 =	vadd.s32 v2, v3;
	v0 =	vshll.u32 v0, $0x9;
	v1 =	vsub.s32 v60, v1  }
0x213: {  	[tilespmem:s3+$0x1A430] =	vst v8;
	v2 =	vadd.s32 $0xC0180, v2;
	v0 =	vadd.s32 v0, v1  }
0x214: {  	[tilespmem:s21+$0x1A430] =	vst v2;
	v0 =	vadd.s32 $0xC0180, v0  }
0x215: {  	[tilespmem:s10+$0x1A430] =	vst v0  }
0x216: {  	_ =	swait.ge [sflag:s12], $0x1800  }
0x217: {  	[sflag:s12] =	ssyncset.done $0x0  }
0x218: {  	[sflag:s12] =	ssyncadd.s32 $0xFFFFE800  }
0x219: {  	_ =	swait.ge [sflag:s16], $0x1800  }
0x21a: {  	[sflag:s16] =	ssyncset.done $0x0  }
0x21b: {  	[sflag:s16] =	ssyncadd.s32 $0xFFFFE800  }
0x21c: {  	[bflag:$0x0] =	sbarrier.arrive $0xFFFF  }
0x21d: {  	s1 =	rddreg [dreg:$0x2]  }
0x21e: {  	[tilespmem:s28], [sflag:$0x2] =	stream.indirect.gather [spmem:s1], $0x1, s17, s8, $0xb8;
	[tilespmem:$0x1DC30] =	vst v63  }
0x21f: {  	s23 =	simm.s32 $0x1CC30  }
0x220: {  	[tilespmem:s23], [sflag:$0x2] =	stream.indirect.gather [spmem:s30], $0x1, s17, s8, $0xb8;
	[tilespmem:$0x1DC30] =	vst v63  }
0x221: {  	_ = 	snop  }
0x222: {  	[tilespmem:s25], [sflag:$0x2] =	stream.indirect.gather [spmem:s31], $0x1, s17, s8, $0xb8;
	[tilespmem:$0x1DC30] =	vst v63  }
0x223: {  	_ =	swait.ge [sflag:s26], $0x1800  }
0x224: {  	[sflag:s26] =	ssyncset.done $0x0  }
0x225: {  	[sflag:s26] =	ssyncadd.s32 $0xFFFFE800  }
0x226: {  	s1 =	simm.s32 $0x19030;
	[bflag:$0x0] =	sbarrier.arrive $0xFFFF  }
0x227: {  	s2 =	simm.s32 $0x1AC30;
	v0 =	vld [tilespmem:s1+$0x0]  }
0x228: {  	v1 =	vld [tilespmem:s2+$0x0];
	_ =	sdelay $0x4  }
0x229: {  	v1 =	vmul.f32 v1, v0  }
0x22a: {  	s3 =	simm.s32 $0x0  }
0x22b: {  	s4 =	sand.u32 $0x7F0, s3;
	[tilespmem:s2+$0x0] =	vst v1  }
0x22c: {  	v1 =	vld [tilespmem:s4+$0x1B430]  }
0x22d: {  	v2 =	vld [tilespmem:s4+$0x1BC30];
	_ =	sdelay $0x3  }
0x22e: {  	v1 =	vmul.f32 v1, v0  }
0x22f: {  	s3 =	simm.s32 $0x10;
	v0 =	vmul.f32 v2, v0  }
.LBB2_24:
0x230: {  	p0 =	sne.s32 s3, $0x7F0;
	[tilespmem:s4+$0x1B430] =	vst v1;
	s1 =	sadd.s32 $0x10, s1;
	s2 =	sadd.s32 $0x10, s2  }
0x231: {  	[tilespmem:s4+$0x1BC30] =	vst v0;
	s4 =	smov.u32 s3;
	s3 =	sadd.s32 $0x10, s3  }
0x232: {  	v0 =	vld [tilespmem:s1+$0x0]  }
0x233: {  	v1 =	vld [tilespmem:s2+$0x0];
	_ =	sdelay $0x4  }
0x234: {  	v1 =	vmul.f32 v1, v0;
	_ =	sdelay $0x1  }
0x235: {  	s4 =	sand.u32 $0x7F0, s4;
	[tilespmem:s2+$0x0] =	vst v1  }
0x236: {  	v1 =	vld [tilespmem:s4+$0x1B430]  }
0x237: {  	v2 =	vld [tilespmem:s4+$0x1BC30]  }
.Ltmp11:
0x238: {  	(pc) =	sbr.rel @p0 .LBB2_24-.Ltmp11, $3  }
0x239: {  	_ =	sdelay $0x1  }
0x23a: {  	v1 =	vmul.f32 v1, v0  }
0x23b: {  	v0 =	vmul.f32 v2, v0  }
0x23c: {  	s1 =	sld [smem:$0x7F8]  }
0x23d: {  	[tilespmem:s4+$0x1B430] =	vst v1  }
0x23e: {  	s3 =	simm.s32 $0x0;
	s2 =	simm.s32 $0x1AC30;
	s21 =	sld [smem:$0x7F9];
	[tilespmem:s4+$0x1BC30] =	vst v0  }
0x23f: {  	[hbm4b:s1+s3] =	stream.linear.scatter [tilespmem:s2], [sflag:$0x3], $0x800, $0x38;
	[tilespmem:$0x1DC30] =	vst v63  }
0x240: {  	s22 =	sld [smem:$0x7FA]  }
0x241: {  	[hbm4b:s21+s3] =	stream.linear.scatter [tilespmem:s24], [sflag:$0x3], $0x800, $0x38;
	[tilespmem:$0x1DC30] =	vst v63  }
0x242: {  	s23 =	simm.s32 $0x1BC30  }
0x243: {  	[hbm4b:s22+s3] =	stream.linear.scatter [tilespmem:s23], [sflag:$0x3], $0x800, $0x38;
	[tilespmem:$0x1DC30] =	vst v63  }
0x244: {  	_ =	swait.ge [sflag:s29], $0x1800  }
0x245: {  	[sflag:s29] =	ssyncset.done $0x0  }
0x246: {  	[sflag:s29] =	ssyncadd.s32 $0xFFFFE800  }
0x247: {  	_ =	swait.ge [sflag:s0], $0x1800  }
0x248: {  	[sflag:s0] =	ssyncset.done $0x0  }
0x249: {  	[sflag:s0] =	ssyncadd.s32 $0xFFFFE800  }
0x24a: {  	s1 =	simm.s32 $0x19030;
	[bflag:$0x0] =	sbarrier.arrive $0xFFFF  }
0x24b: {  	s2 =	simm.s32 $0x1C430;
	v0 =	vld [tilespmem:s1+$0x0]  }
0x24c: {  	v1 =	vld [tilespmem:s2+$0x0];
	_ =	sdelay $0x4  }
0x24d: {  	v1 =	vmul.f32 v1, v0;
	_ =	sdelay $0x1  }
0x24e: {  	s4 =	sand.u32 $0x7F0, s3;
	[tilespmem:s2+$0x0] =	vst v1  }
0x24f: {  	v1 =	vld [tilespmem:s4+$0x1CC30]  }
0x250: {  	v2 =	vld [tilespmem:s4+$0x1D430];
	_ =	sdelay $0x3  }
0x251: {  	v1 =	vmul.f32 v1, v0  }
0x252: {  	s10 =	simm.s32 $0x0;
	s3 =	simm.s32 $0x10;
	v0 =	vmul.f32 v2, v0  }
.LBB2_26:
0x253: {  	p0 =	sne.s32 s3, $0x7F0;
	[tilespmem:s4+$0x1CC30] =	vst v1;
	s1 =	sadd.s32 $0x10, s1;
	s2 =	sadd.s32 $0x10, s2  }
0x254: {  	[tilespmem:s4+$0x1D430] =	vst v0;
	s4 =	smov.u32 s3;
	s3 =	sadd.s32 $0x10, s3  }
0x255: {  	v0 =	vld [tilespmem:s1+$0x0]  }
0x256: {  	v1 =	vld [tilespmem:s2+$0x0];
	_ =	sdelay $0x4  }
0x257: {  	v1 =	vmul.f32 v1, v0;
	_ =	sdelay $0x1  }
0x258: {  	s4 =	sand.u32 $0x7F0, s4;
	[tilespmem:s2+$0x0] =	vst v1  }
0x259: {  	v1 =	vld [tilespmem:s4+$0x1CC30]  }
0x25a: {  	v2 =	vld [tilespmem:s4+$0x1D430]  }
.Ltmp12:
0x25b: {  	(pc) =	sbr.rel @p0 .LBB2_26-.Ltmp12, $3  }
0x25c: {  	_ =	sdelay $0x1  }
0x25d: {  	v1 =	vmul.f32 v1, v0  }
0x25e: {  	v0 =	vmul.f32 v2, v0  }
0x25f: {  	s1 =	sld [smem:$0x7FB]  }
0x260: {  	[tilespmem:s4+$0x1CC30] =	vst v1  }
0x261: {  	s20 =	sld [smem:$0x7FC];
	[tilespmem:s4+$0x1D430] =	vst v0  }
0x262: {  	[hbm4b:s1+s10] =	stream.linear.scatter [tilespmem:s28], [sflag:$0x4], $0x800, $0x38;
	[tilespmem:$0x1DC30] =	vst v63  }
0x263: {  	s2 =	simm.s32 $0x1CC30;
	s21 =	sld [smem:$0x7FD]  }
0x264: {  	[hbm4b:s20+s10] =	stream.linear.scatter [tilespmem:s2], [sflag:$0x4], $0x800, $0x38;
	[tilespmem:$0x1DC30] =	vst v63  }
0x265: {  	_ = 	snop  }
0x266: {  	[hbm4b:s21+s10] =	stream.linear.scatter [tilespmem:s25], [sflag:$0x4], $0x800, $0x38;
	[tilespmem:$0x1DC30] =	vst v63  }
0x267: {  	_ =	swait.ge [sflag:s12], $0x1800  }
0x268: {  	s22 =	sld [smem:$0x7F1];
	_ =	sdelay $0x2  }
0x269: {  	s23 =	rddreg [dreg:$0x16];
	s2 =	sadd.s32 $0x1, s22  }
0x26a: {  	p0 =	sne.s32 s2, s23  }
.Ltmp13:
0x26b: {  	_ = 	snop;
	(pc) =	sbr.rel @p0 .LBB2_1-.Ltmp13, $3  }
0x26c: {  	_ =	sdelay $0x1  }
0x26d: {  	[sflag:s12] =	ssyncset.done $0x0  }
0x26e: {  	[sflag:s12] =	ssyncadd.s32 $0xFFFFE800  }
0x26f: {  	_ =	sfence.sel $0x180000  }
0x270: {  	[bflag:$0x0] =	sbarrier.arrive $0xFFFF  }
0x271: {  	_ =	strace $0x9000004A  }
0x272: {  	s0 =	stileid.u32;
	[bflag:$0x2] =	sbarrier.arrive $0xFFFF  }
0x273: {  	p0 =	sne.s32 s0, $0x0;
	s0 =	rddreg [dreg:$0x3]  }
0x274: {  	s0 =	sadd.s32 @!p0 $0x100000, s0  }
0x275: {  	[sflag:s0] =	ssyncadd.tile.s32 @!p0 $0x1;
	_ =	shalt  }
.Lfunc_end2:
_tile_overlayer_lowered:
.L_overlay_start_2:
0x276: {  	(tag) =	ssettag $0x2  }
0x277: {  	s0 =	rddreg [dreg:$0x0];
	s2 =	stileid.u32  }
0x278: {  	s1 =	rddreg [dreg:$0x1];
	p0 =	sne.s32 s2, $0x0  }
0x279: {  	s3 =	rddreg [dreg:$0x2];
	[bflag:$0x3] =	sbarrier.arrive $0xFFFF;
	s2 =	simm.s32 @!p0 $0x1C07  }
0x27a: {  	[timem:s3], [sflag:s2] =	dma.local @!p0 [hbm:s0], s1  }
0x27b: {  	s0 =	simm.s32 @!p0 $0x7  }
0x27c: {  	_ =	swait.ge @!p0 [sflag:s0], s1  }
0x27d: {  	s1 =	ssub.s32 @!p0 $0x0, s1;
	[sflag:s0] =	ssyncset.done @!p0 $0x0  }
0x27e: {  	[sflag:s0] =	ssyncadd.s32 @!p0 s1  }
0x27f: {  	[bflag:$0x3] =	sbarrier.arrive $0xFFFF  }
0x280: {  	_ =	shalt  }

// kernel: sparse-core-data-format-call.cloned.1.call-start
scs
called_computation_lowered:
.L_overlay_start_0:
0x0: {  	s2 =	sld [smem:$0x3FD9]  }
0x1: {  	s3 =	sld [smem:$0x3FFE];
	_ =	sdelay $0x1  }
0x2: {  	s1 =	srdreg.scid  }
0x3: {  	s0 =	sand.u32 $0x1, s1  }
0x4: {  	s18 =	sshll.u32 s0, $0xA;
	s2 =	sadd.s32 s3, s2  }
0x5: {  	s2 =	sadd.s32 s2, s18  }
0x6: {  	[smem:$0x3FC6] =	sst s2  }
0x7: {  	_ = 	snop  }
0x8: {  	s2 =	sld [smem:$0x3FC9];
	(tm) =	ssettm $0x1  }
0x9: {  	s19 =	sld [smem:$0x3FFB];
	_ =	sdelay $0x3  }
0xa: {  	_ =	strace s19  }
0xb: {  	s3 =	sld [smem:$0x3FFC];
	_ =	sdelay $0x3  }
0xc: {  	_ =	strace s3  }
0xd: {  	s3 =	sld [smem:$0x3FFD];
	_ =	sdelay $0x3  }
0xe: {  	_ =	strace s3  }
0xf: {  	_ =	strace $0x8FFFFFFF  }
0x10: {  	s20 =	sld [smem:$0x3FDB];
	_ =	sdelay $0x1  }
0x11: {  	s4 =	simm.s32 $_scs_section_size  }
0x12: {  	s5 =	simm.s32 $_size__tile_overlayer_lowered;
	s6 =	simm.s32 $_tile_overlayer_lowered  }
0x13: {  	s23 =	simm.s32 $0x1BFF;
	s22 =	sshll.u32 s6, $0x1;
	s3 =	sadd.s32 s4, s20  }
0x14: {  	s7 =	simm.s32 $0x0;
	s21 =	sshll.u32 s5, $0x1;
	s5 =	sadd.s32 s22, s3  }
0x15: {  	[timem:s7], [sflag:s23] =	dma.local [hbm:s5], s21  }
0x16: {  	_ =	swait.ge [sflag:s23], s21  }
0x17: {  	s4 =	ssub.s32 $0x0, s21;
	[sflag:s23] =	ssyncset.done $0x0  }
0x18: {  	[sflag:s23] =	ssyncadd.s32 s4;
	_ =	sdelay $0x1  }
0x19: {  	s24 =	simm.s32 $0x1B8B  }
0x1a: {  	_ =	swait.ge [sflag:s24], $0x1  }
0x1b: {  	[sflag:s24] =	ssyncset.done $0x0  }
0x1c: {  	s26 =	simm.s32 $0x1B8E;
	s25 =	sld [smem:$0x3FFE];
	[sflag:s24] =	ssyncadd.s32 $0xFFFFFFFF  }
0x1d: {  	s27 =	simm.s32 $execute0_lowered;
	[smem:$0x3FD2] =	sst s26  }
0x1e: {  	s5 =	sshll.u32 s27, $0x1;
	_ =	strace $0x80000046;
	[dreg:$0x1] =	wrdreg $0xFFFFFFFF  }
0x1f: {  	s28 =	simm.s32 $_size_execute0_lowered;
	s3 =	sadd.s32 s3, s5;
	[dreg:$0x0] =	wrdreg $0x0  }
0x20: {  	s5 =	sshll.u32 s28, $0x1;
	[dreg:$0x2] =	wrdreg s3  }
0x21: {  	[dreg:$0x3] =	wrdreg s5  }
0x22: {  	[dreg:$0x4] =	wrdreg $0xC0  }
0x23: {  	_ =	task [dreg:s7], $0x5FFFF  }
0x24: {  	[dreg:$0x1] =	wrdreg $0xFFFFFFFF  }
0x25: {  	[dreg:$0x0] =	wrdreg $0x60  }
0x26: {  	[dreg:$0x2] =	wrdreg s2  }
0x27: {  	[dreg:$0x3] =	wrdreg s25  }
0x28: {  	[dreg:$0x4] =	wrdreg $0x9  }
0x29: {  	_ =	task.clear_ibuf [dreg:s7], $0x5FFFF;
	_ =	strace $0x90000046  }
0x2a: {  	s29 =	simm.s32 $0x9;
	_ =	strace $0x80000048  }
0x2b: {  	_ =	swait.ge [sflag:s29], $0x1  }
0x2c: {  	[sflag:s29] =	ssyncadd.s32 $0xFFFFFFFF  }
0x2d: {  	_ =	strace $0x90000048  }
0x2e: {  	_ =	sfence  }
0x2f: {  	s30 =	sld [smem:$0x0];
	_ =	sdelay $0x2  }
0x30: {  	s31 =	sshll.u32 s1, $0xD;
	s1 =	sshrl.u32 s1, $0x2  }
0x31: {  	s3 =	sand.u32 $0x4000, s31;
	s1 =	sadd.s32 s1, s30  }
0x32: {  	s0 =	sor.u32 s3, s0;
	s1 =	sshll.u32 s1, $0x11  }
0x33: {  	s0 =	sor.u32 s1, s0  }
0x34: {  	s0 =	sadd.s32 $0x8F2B, s0  }
0x35: {  	[sflag:s0] =	ssyncadd.remote.s32 $0x1  }
0x36: {  	_ =	sfence.sel $0xFFFF  }
0x37: {  	[dreg:$0x0] =	wrdreg $0xFFFFFFFF;
	(pc) =	sbr.abs _section_cstart, $3  }
0x38: {  	[dreg:$0x1] =	wrdreg $0xFFFFFFFF  }
0x39: {  	_ =	task.clear_ibuf [dreg:s7], $0x2FFFF;
	_ =	strace $0x9FFFFFFF  }
0x3a: {  	(tm) =	ssettm $0x7FFFFFFF  }
0x3b: {  	_ =	shalt  }
tec
execute0_lowered:
.L_overlay_start_1:
0x0: {  	(tag) =	ssettag $0x1  }
0x1: {  	s0 =	srdreg.scid  }
0x2: {  	s1 =	sshll.u32 s0, $0x4  }
0x3: {  	s2 =	rddreg [dreg:$0x0];
	s0 =	stileid.u32;
	s1 =	sand.u32 $0x10, s1  }
0x4: {  	s4 =	rddreg [dreg:$0x1];
	s7 =	simm.s32 $0x1;
	s1 =	sor.u32 s0, s1  }
0x5: {  	s8 =	simm.s32 $0x2;
	s9 =	simm.s32 $0x0;
	s3 =	sshll.u32 s1, $0x2  }
0x6: {  	s12 =	simm.s32 $0x0;
	s11 =	simm.s32 $0x0;
	s6 =	ssub.s32 $0x1800, s3  }
.Ltmp0:
0x7: {  	s4 =	sadd.s32 $0x1000, s4;
	s5 =	sand.u32 $0x7C, s6;
	(pc) =	sbr.rel .LBB1_1-.Ltmp0, $4  }
0x8: {  	s1 =	rddreg [dreg:$0x2];
	_ =	strace $0x80000047;
	p0 =	sne.s32 s5, $0x0  }
0x9: {  	s6 =	sshrl.u32 s6, $0x7;
	s5 =	simm.s32 $0x1;
	s7 =	simm.s32 @!p0 $0x0  }
0xa: {  	s10 =	smov.u32 s3;
	[sflag:s5] =	ssyncpa.u1 $0x0;
	s6 =	sadd.s32 s7, s6  }
0xb: {  	[sflag:s8] =	ssyncpa.u1 $0x0;
	s8 =	simm.s32 $0x0;
	s7 =	sadd.s32 $0x1, s6  }
.LBB1_9:
0xc: {  	s14 =	sadd.s32 $0x80, s10  }
0xd: {  	p1 =	sgt.s32 s14, $0x17FF  }
0xe: {  	s14 =	smov.u32 @p1 s3;
	p1 =	sne.s32 s11, s7  }
.Ltmp1:
0xf: {  	p0 =	slt.u32 s11, $0x2;
	(pc) =	sbr.rel @!p1 .LBB1_10-.Ltmp1, $4  }
0x10: {  	s13 =	simm.s32 @!p0 $0x2  }
0x11: {  	s15 =	sadd.s32 $0x1, s11;
	_ =	swait.ge @!p0 [sflag:s13], $0x4000  }
0x12: {  	s12 =	smov.u32 s10;
	s9 =	sadd.s32 $0x4000, s9;
	[sflag:s13] =	ssyncset.done @!p0 $0x0  }
0x13: {  	s11 =	smov.u32 s15;
	s10 =	smov.u32 s14;
	[sflag:s13] =	ssyncadd.s32 @!p0 $0xFFFFC000  }
.LBB1_1:
0x14: {  	p0 =	sge.u32 s11, s6  }
0x15: {  	s13 =	sxor.u32 @!p0 $0xFFFFFFFF, s11  }
0x16: {  	s31 =	sadd.s32 $0xFFFFFFFF, s11;
	s14 =	sshll.u32 @!p0 s10, $0x9;
	s13 =	sshll.u32 @!p0 s13, $0xE  }
0x17: {  	s15 =	simm.s32 @!p0 $0x0;
	s14 =	sadd.s32 @!p0 s2, s14;
	s13 =	sand.u32 @!p0 $0x4000, s13  }
0x18: {  	[tilespmem:s13], [sflag:$0x1] =	stream.linear.gather @!p0 [hbm4b:s14+s15], $0x4000, $0x38;
	[tilespmem:$0x10000] =	vst v63  }
0x19: {  	p0 =	sge.u32 s31, s6  }
.Ltmp2:
0x1a: {  	_ = 	snop;
	(pc) =	sbr.rel @p0 .LBB1_9-.Ltmp2, $1  }
0x1b: {  	_ =	sdelay $0x3  }
0x1c: {  	s14 =	sand.u32 $0x4000, s9  }
0x1d: {  	_ =	swait.ge [sflag:s5], $0x4000;
	s15 =	sshll.u32 s11, $0xE;
	s16 =	simm.s32 $0x0  }
0x1e: {  	s13 =	sor.u32 $0x40, s14;
	[sflag:s5] =	ssyncset.done $0x0;
	s15 =	sand.u32 $0x4000, s15  }
0x1f: {  	s14 =	sor.u32 $0x8040, s14;
	[sflag:s5] =	ssyncadd.s32 $0xFFFFC000;
	s15 =	sor.u32 $0x8000, s15  }
.LBB1_3:
0x20: {  	s17 =	smov.u32 s14;
	s18 =	smov.u32 s13;
	s19 =	simm.s32 $0x0  }
.LBB1_4:
0x21: {  	v0 =	vmov s17;
	v2 =	vld [tilespmem:s18+$0x30]  }
0x22: {  	v4 =	vld [tilespmem:s18+$0xFFFFFFD0]  }
0x23: {  	v6 =	vld [tilespmem:s18+$0xFFFFFFE0]  }
0x24: {  	v7 =	vld [tilespmem:s18+$0xFFFFFFF0]  }
0x25: {  	s20 =	simm.s32 $0x0;
	v1 =	vld [tilespmem:s18+$0x0]  }
0x26: {  	v3 =	vld [tilespmem:s18+$0x10];
	[tilespmem:v0+s20+$0x30 ss:$0x1] =	vst.idx.msk $0xffff, v2  }
0x27: {  	v5 =	vld [tilespmem:s18+$0x20];
	[tilespmem:v0+s20+$0xFFFFFFD0 ss:$0x1] =	vst.idx.msk $0xffff, v4  }
0x28: {  	s21 =	sadd.s32 $0x80, s18;
	v2 =	vld [tilespmem:s18+$0xFFFFFFC0];
	[tilespmem:v0+s20+$0xFFFFFFE0 ss:$0x1] =	vst.idx.msk $0xffff, v6  }
0x29: {  	s22 =	simm.s32 $0x800;
	s23 =	simm.s32 $0x1000;
	v4 =	vld [tilespmem:s21+$0x30];
	[tilespmem:v0+s20+$0xFFFFFFF0 ss:$0x1] =	vst.idx.msk $0xffff, v7  }
.LBB1_5:
0x2a: {  	p0 =	sne.s32 s23, $0x3800;
	v6 =	vld [tilespmem:s21+$0xFFFFFFD0];
	[tilespmem:v0+s20+$0x0 ss:$0x1] =	vst.idx.msk $0xffff, v1  }
0x2b: {  	v7 =	vld [tilespmem:s21+$0xFFFFFFE0];
	[tilespmem:v0+s20+$0x10 ss:$0x1] =	vst.idx.msk $0xffff, v3  }
0x2c: {  	v8 =	vld [tilespmem:s21+$0xFFFFFFF0];
	[tilespmem:v0+s20+$0x20 ss:$0x1] =	vst.idx.msk $0xffff, v5  }
.Ltmp3:
0x2d: {  	v1 =	vld [tilespmem:s21+$0x0];
	[tilespmem:v0+s20+$0xFFFFFFC0 ss:$0x1] =	vst.idx.msk $0xffff, v2;
	s20 =	sshra.s32 s22, $0x2;
	s22 =	smov.u32 s23;
	(pc) =	sbr.rel @p0 .LBB1_5-.Ltmp3, $4  }
0x2e: {  	v3 =	vld [tilespmem:s21+$0x10];
	[tilespmem:v0+s20+$0x30 ss:$0x1] =	vst.idx.msk $0xffff, v4  }
0x2f: {  	[tilespmem:v0+s20+$0xFFFFFFD0 ss:$0x1] =	vst.idx.msk $0xffff, v6;
	v5 =	vld [tilespmem:s21+$0x20]  }
0x30: {  	v2 =	vld [tilespmem:s21+$0xFFFFFFC0];
	[tilespmem:v0+s20+$0xFFFFFFE0 ss:$0x1] =	vst.idx.msk $0xffff, v7;
	s21 =	sadd.s32 $0x80, s21  }
0x31: {  	s23 =	sadd.s32 $0x800, s23;
	v4 =	vld [tilespmem:s21+$0x30];
	[tilespmem:v0+s20+$0xFFFFFFF0 ss:$0x1] =	vst.idx.msk $0xffff, v8  }
0x32: {  	_ =	sdelay $0x3  }
0x33: {  	v6 =	vld [tilespmem:s21+$0xFFFFFFD0];
	[tilespmem:v0+s20+$0x0 ss:$0x1] =	vst.idx.msk $0xffff, v1  }
0x34: {  	v58 =	vld [tilespmem:s21+$0xFFFFFFE0];
	[tilespmem:v0+s20+$0x10 ss:$0x1] =	vst.idx.msk $0xffff, v3  }
0x35: {  	v59 =	vld [tilespmem:s21+$0xFFFFFFF0];
	[tilespmem:v0+s20+$0x20 ss:$0x1] =	vst.idx.msk $0xffff, v5  }
0x36: {  	s22 =	sshra.s32 s22, $0x2;
	v60 =	vld [tilespmem:s21+$0x0];
	[tilespmem:v0+s20+$0xFFFFFFC0 ss:$0x1] =	vst.idx.msk $0xffff, v2  }
0x37: {  	v61 =	vld [tilespmem:s21+$0x10];
	[tilespmem:v0+s22+$0x30 ss:$0x1] =	vst.idx.msk $0xffff, v4  }
0x38: {  	v62 =	vld [tilespmem:s21+$0x20];
	s19 =	sadd.s32 $0x1, s19;
	[tilespmem:v0+s22+$0xFFFFFFD0 ss:$0x1] =	vst.idx.msk $0xffff, v6  }
0x39: {  	v63 =	vld [tilespmem:s21+$0xFFFFFFC0];
	p0 =	sne.s32 s19, $0x4;
	[tilespmem:v0+s22+$0xFFFFFFE0 ss:$0x1] =	vst.idx.msk $0xffff, v58  }
.Ltmp4:
0x3a: {  	[tilespmem:v0+s22+$0xFFFFFFF0 ss:$0x1] =	vst.idx.msk $0xffff, v59;
	(pc) =	sbr.rel @p0 .LBB1_4-.Ltmp4, $4  }
0x3b: {  	[tilespmem:v0+s22+$0x0 ss:$0x1] =	vst.idx.msk $0xffff, v60  }
0x3c: {  	[tilespmem:v0+s22+$0x10 ss:$0x1] =	vst.idx.msk $0xffff, v61  }
0x3d: {  	[tilespmem:v0+s22+$0x20 ss:$0x1] =	vst.idx.msk $0xffff, v62  }
0x3e: {  	s18 =	sadd.s32 $0x400, s18;
	s17 =	sadd.s32 $0x80, s17;
	[tilespmem:v0+s22+$0xFFFFFFC0 ss:$0x1] =	vst.idx.msk $0xffff, v63  }
0x3f: {  	s16 =	sadd.s32 $0x1, s16  }
0x40: {  	p0 =	sne.s32 s16, $0x4  }
.Ltmp5:
0x41: {  	_ = 	snop;
	(pc) =	sbr.rel @p0 .LBB1_3-.Ltmp5, $2  }
0x42: {  	_ =	sdelay $0x2  }
0x43: {  	s13 =	sadd.s32 $0x1000, s13;
	s14 =	sadd.s32 $0x1000, s14  }
.Ltmp6:
0x44: {  	(pc) =	sbr.rel .LBB1_9-.Ltmp6, $4  }
0x45: {  	_ = 	snop  }
0x46: {  	s12 =	sshll.u32 s12, $0x9  }
0x47: {  	s12 =	sadd.s32 s4, s12  }
0x48: {  	[hbm4b:s12+s8] =	stream.linear.scatter [tilespmem:s15], [sflag:$0x2], $0x4000, $0x38;
	[tilespmem:$0x10000] =	vst v63  }
.LBB1_10:
0x49: {  	_ =	sfence.sel $0x180000  }
0x4a: {  	s2 =	simm.s32 $0x1;
	[bflag:$0x0] =	sbarrier.arrive $0xFFFF  }
0x4b: {  	s31 =	simm.s32 $0x2;
	[sflag:s2] =	ssyncpa.u1 $0x1  }
0x4c: {  	[sflag:s31] =	ssyncpa.u1 $0x1  }
0x4d: {  	p0 =	sne.s32 s0, $0x0;
	_ =	strace $0x90000047  }
0x4e: {  	s0 =	sadd.s32 @!p0 $0x100000, s1;
	[bflag:$0x2] =	sbarrier.arrive $0xFFFF  }
0x4f: {  	[sflag:s0] =	ssyncadd.tile.s32 @!p0 $0x1;
	_ =	shalt  }
.Lfunc_end1:
_tile_overlayer_lowered:
.L_overlay_start_2:
0x50: {  	(tag) =	ssettag $0x2  }
0x51: {  	s0 =	rddreg [dreg:$0x0];
	s2 =	stileid.u32  }
0x52: {  	s1 =	rddreg [dreg:$0x1];
	p0 =	sne.s32 s2, $0x0  }
0x53: {  	s3 =	rddreg [dreg:$0x2];
	[bflag:$0x3] =	sbarrier.arrive $0xFFFF;
	s2 =	simm.s32 @!p0 $0x1C01  }
0x54: {  	[timem:s3], [sflag:s2] =	dma.local @!p0 [hbm:s0], s1  }
0x55: {  	s0 =	simm.s32 @!p0 $0x1  }
0x56: {  	_ =	swait.ge @!p0 [sflag:s0], s1  }
0x57: {  	s1 =	ssub.s32 @!p0 $0x0, s1;
	[sflag:s0] =	ssyncset.done @!p0 $0x0  }
0x58: {  	[sflag:s0] =	ssyncadd.s32 @!p0 s1  }
0x59: {  	[bflag:$0x3] =	sbarrier.arrive $0xFFFF  }
0x5a: {  	_ =	shalt  }

</sc_bundles>
